<compile_context>
chip_gen: v7x
topology: tpu7x:2x2x1
jax: 0.10.2.dev20260603
libtpu: 0.0.44.dev20260713+nightly
codegen_flags: <defaults>
</compile_context>

<pallas_src>
import jax
import jax.numpy as jnp
from jax import lax
from jax.experimental import pallas as pl
from jax.experimental.pallas import tpu as pltpu
from jax.experimental.pallas import tpu_sc as plsc

_N = 10000
_E = 320000
_H = 128

_NC = 2
_NS = 16
_NW = _NC * _NS
_K = 128

_EPW = -(-_E // (_NW * _K)) * _K
_EPAD = _EPW * _NW
_CHUNKS = _EPW // _K
_NPAD = ((_N + 1 + 127) // 128) * 128
_STRIPE = _NPAD // _NS


def _sc_mesh():
    return plsc.VectorSubcoreMesh(core_axis_name="c", subcore_axis_name="s")


def _deg_body(col_hbm, zeros_hbm, ones_hbm, out_hbm,
              col_v, ones_v, acc_sh):
    cid = lax.axis_index("c")
    sid = lax.axis_index("s")
    wid = cid * _NS + sid
    pltpu.sync_copy(zeros_hbm.at[pl.ds(sid * _STRIPE, _STRIPE)],
                    acc_sh.at[pl.ds(sid * _STRIPE, _STRIPE)])
    pltpu.sync_copy(col_hbm.at[wid], col_v)
    pltpu.sync_copy(ones_hbm, ones_v)
    plsc.subcore_barrier()

    def group(j, _):
        pltpu.sync_copy(ones_v, acc_sh.at[col_v.at[j]], add=True)
        return 0

    lax.fori_loop(0, _CHUNKS, group, 0)
    plsc.subcore_barrier()
    pltpu.sync_copy(acc_sh.at[pl.ds(sid * _STRIPE, _STRIPE)],
                    out_hbm.at[cid, pl.ds(sid * _STRIPE, _STRIPE)])


def _sc_degree(col_pad, zeros, ones):
    f = pl.kernel(
        _deg_body,
        out_type=jax.ShapeDtypeStruct((_NC, _NPAD, _H), jnp.float32),
        mesh=_sc_mesh(),
        scratch_types=[
            pltpu.VMEM((_CHUNKS, _K), jnp.int32),
            pltpu.VMEM((_K, _H), jnp.float32),
            pltpu.VMEM_SHARED((_NPAD, _H), jnp.float32),
        ],
    )
    return f(col_pad, zeros, ones)



def _agg_body(xs_hbm, row_hbm, col_hbm, zeros_hbm, out_hbm,
              row_v, col_v, buf, acc_sh, gsem):
    cid = lax.axis_index("c")
    sid = lax.axis_index("s")
    wid = cid * _NS + sid
    pltpu.sync_copy(zeros_hbm.at[pl.ds(sid * _STRIPE, _STRIPE)],
                    acc_sh.at[pl.ds(sid * _STRIPE, _STRIPE)])
    pltpu.sync_copy(row_hbm.at[pl.ds(wid * _EPW, _EPW)], row_v)
    pltpu.sync_copy(col_hbm.at[wid], col_v)
    plsc.subcore_barrier()

    def group(i, _):
        pltpu.async_copy(xs_hbm.at[row_v.at[pl.ds(i * _K, _K)]],
                         buf, gsem).wait()
        pltpu.sync_copy(buf, acc_sh.at[col_v.at[i]], add=True)
        return 0

    lax.fori_loop(0, _CHUNKS, group, 0)
    plsc.subcore_barrier()
    pltpu.sync_copy(acc_sh.at[pl.ds(sid * _STRIPE, _STRIPE)],
                    out_hbm.at[cid, pl.ds(sid * _STRIPE, _STRIPE)])


def _sc_aggregate(xs, row_pad, col_pad, zeros):
    f = pl.kernel(
        _agg_body,
        out_type=jax.ShapeDtypeStruct((_NC, _NPAD, _H), jnp.float32),
        mesh=_sc_mesh(),
        scratch_types=[
            pltpu.VMEM((_EPW,), jnp.int32),
            pltpu.VMEM((_CHUNKS, _K), jnp.int32),
            pltpu.VMEM((_K, _H), jnp.float32),
            pltpu.VMEM_SHARED((_NPAD, _H), jnp.float32),
            pltpu.SemaphoreType.DMA,
        ],
    )
    return f(xs, row_pad, col_pad, zeros)


_SQRT_HALF = 0.7071067811865476


def _gelu(t):
    return 0.5 * t * (1.0 + lax.erf(t * _SQRT_HALF))


def _ffn_body(x_ref, w1_ref, b1_ref, w2_ref, b2_ref, h_ref):
    a = _gelu(jnp.dot(x_ref[...], w1_ref[...],
                      preferred_element_type=jnp.float32) + b1_ref[...])
    h_ref[...] = _gelu(jnp.dot(a, w2_ref[...],
                               preferred_element_type=jnp.float32)
                       + b2_ref[...])


def _tc_ffn(x, w1, b1, w2, b2):
    return pl.pallas_call(
        _ffn_body,
        out_shape=jax.ShapeDtypeStruct((_N, _H), jnp.float32),
    )(x, w1, b1, w2, b2)


def _prep_body(h_ref, gw_ref, d0_ref, d1_ref, xs_ref, dinv_ref):
    deg = jnp.sum(d0_ref[...] + d1_ref[...], axis=1, keepdims=True) \
        * (1.0 / _H) + 1.0
    dinv = lax.rsqrt(deg)
    dinv_ref[...] = dinv
    xs_ref[...] = dinv * jnp.dot(h_ref[...], gw_ref[...],
                                 preferred_element_type=jnp.float32)


def _tc_prep(h, gw0, d0, d1):
    return pl.pallas_call(
        _prep_body,
        out_shape=(
            jax.ShapeDtypeStruct((_N, _H), jnp.float32),
            jax.ShapeDtypeStruct((_N, 1), jnp.float32),
        ),
    )(h, gw0, d0, d1)


def _hop_body(p0_ref, p1_ref, xs_ref, h_ref, dinv_ref, gb_ref,
              gam_ref, bet_ref, fw1_ref, fb1_ref, fw2_ref, fb2_ref,
              nw_ref, ho_ref, xso_ref):
    dinv = dinv_ref[...]
    t = dinv * (p0_ref[...] + p1_ref[...] + xs_ref[...]) + gb_ref[...] \
        + h_ref[...]
    m = jnp.mean(t, axis=0, keepdims=True)
    d = t - m
    v = jnp.mean(d * d, axis=0, keepdims=True)
    t = d * lax.rsqrt(v + 1e-5) * gam_ref[...] + bet_ref[...]
    a = _gelu(jnp.dot(t, fw1_ref[...],
                      preferred_element_type=jnp.float32) + fb1_ref[...])
    f = _gelu(jnp.dot(a, fw2_ref[...],
                      preferred_element_type=jnp.float32) + fb2_ref[...])
    h = f + t
    ho_ref[...] = h
    xso_ref[...] = dinv * jnp.dot(h, nw_ref[...],
                                  preferred_element_type=jnp.float32)


def _tc_hop(p0, p1, xs, h, dinv, gb, gam, bet, fw1, fb1, fw2, fb2, nw):
    return pl.pallas_call(
        _hop_body,
        out_shape=(
            jax.ShapeDtypeStruct((_N, _H), jnp.float32),
            jax.ShapeDtypeStruct((_N, _H), jnp.float32),
        ),
    )(p0, p1, xs, h, dinv, gb, gam, bet, fw1, fb1, fw2, fb2, nw)


def _last_body(p0_ref, p1_ref, xs_ref, h_ref, dinv_ref, gb_ref,
               gam_ref, bet_ref, fw1_ref, fb1_ref, fw2_ref, fb2_ref,
               pw1_ref, pb1_ref, pw2_ref, pb2_ref, out_ref):
    dinv = dinv_ref[...]
    t = dinv * (p0_ref[...] + p1_ref[...] + xs_ref[...]) + gb_ref[...] \
        + h_ref[...]
    m = jnp.mean(t, axis=0, keepdims=True)
    d = t - m
    v = jnp.mean(d * d, axis=0, keepdims=True)
    t = d * lax.rsqrt(v + 1e-5) * gam_ref[...] + bet_ref[...]
    a = _gelu(jnp.dot(t, fw1_ref[...],
                      preferred_element_type=jnp.float32) + fb1_ref[...])
    f = _gelu(jnp.dot(a, fw2_ref[...],
                      preferred_element_type=jnp.float32) + fb2_ref[...])
    h = f + t
    a = _gelu(jnp.dot(h, pw1_ref[...],
                      preferred_element_type=jnp.float32) + pb1_ref[...])
    out_ref[...] = _gelu(jnp.dot(a, pw2_ref[...],
                                 preferred_element_type=jnp.float32)
                         + pb2_ref[...])


def _tc_last(p0, p1, xs, h, dinv, gb, gam, bet, fw1, fb1, fw2, fb2,
             pw1, pb1, pw2, pb2):
    return pl.pallas_call(
        _last_body,
        out_shape=jax.ShapeDtypeStruct((_N, _H), jnp.float32),
    )(p0, p1, xs, h, dinv, gb, gam, bet, fw1, fb1, fw2, fb2,
      pw1, pb1, pw2, pb2)


def kernel(x, edge_index, pre_W1, pre_b1, pre_W2, pre_b2, gcn_W, gcn_b,
           bn_gamma, bn_beta, ffn_W1, ffn_b1, ffn_W2, ffn_b2,
           post_W1, post_b1, post_W2, post_b2):
    hops = gcn_W.shape[0]
    row = edge_index[0].astype(jnp.int32)
    col = edge_index[1].astype(jnp.int32)
    pad = _EPAD - _E
    row_pad = jnp.concatenate([row, jnp.zeros((pad,), jnp.int32)])
    col_pad = jnp.concatenate([col, jnp.full((pad,), _N, jnp.int32)])
    col_pad = col_pad.reshape(_NW, _CHUNKS, _K)

    zeros_nh = jnp.zeros((_NPAD, _H), jnp.float32)
    ones_k = jnp.ones((_K, _H), jnp.float32)

    deg16 = _sc_degree(col_pad, zeros_nh, ones_k)
    h = _tc_ffn(x, pre_W1, pre_b1.reshape(1, -1),
                pre_W2, pre_b2.reshape(1, -1))
    xs, dinv = _tc_prep(h, gcn_W[0], deg16[0, :_N], deg16[1, :_N])

    for i in range(hops):
        p = _sc_aggregate(xs, row_pad, col_pad, zeros_nh)
        p0 = p[0, :_N]
        p1 = p[1, :_N]
        args = (p0, p1, xs, h, dinv, gcn_b[i].reshape(1, -1),
                bn_gamma[i].reshape(1, -1), bn_beta[i].reshape(1, -1),
                ffn_W1[i], ffn_b1[i].reshape(1, -1),
                ffn_W2[i], ffn_b2[i].reshape(1, -1))
        if i + 1 < hops:
            h, xs = _tc_hop(*args, gcn_W[i + 1])
        else:
            out = _tc_last(*args, post_W1, post_b1.reshape(1, -1),
                           post_W2, post_b2.reshape(1, -1))
    return out

# --- scband reference (transcript-rebuilt; emitter-appended) ---
"""Pipeline reference for scband-gnn-15350213116754 (READ-ONLY COPY).

The authoritative reference and input builder live on the scoring server;
editing this copy changes nothing except your own understanding.
"""

import jax, jax.numpy as jnp
import numpy as np

N = 10000
E = 320000
D_IN = 128
H = 128
D_OUT = 128
HOPS = 5


def _w(key, shape):
    fan_in = shape[-2]
    return jax.random.normal(key, shape, dtype=jnp.float32) / np.sqrt(fan_in)


def setup_inputs(seed=0) -> dict:
    key = jax.random.key(seed)
    ks = jax.random.split(key, 16)
    inp = {}
    inp["x"] = jax.random.normal(ks[0], (N, D_IN), dtype=jnp.float32)
    inp["edge_index"] = jax.random.randint(ks[1], (2, E), 0, N)
    inp["pre_W1"] = _w(ks[2], (D_IN, 2 * H))
    inp["pre_b1"] = jnp.zeros((2 * H,), jnp.float32)
    inp["pre_W2"] = _w(ks[3], (2 * H, H))
    inp["pre_b2"] = jnp.zeros((H,), jnp.float32)
    inp["gcn_W"] = _w(ks[4], (HOPS, H, H))
    inp["gcn_b"] = jnp.zeros((HOPS, H), jnp.float32)
    inp["bn_gamma"] = jnp.ones((HOPS, H), jnp.float32)
    inp["bn_beta"] = jnp.zeros((HOPS, H), jnp.float32)
    inp["ffn_W1"] = _w(ks[5], (HOPS, H, 2 * H))
    inp["ffn_b1"] = jnp.zeros((HOPS, 2 * H), jnp.float32)
    inp["ffn_W2"] = _w(ks[6], (HOPS, 2 * H, H))
    inp["ffn_b2"] = jnp.zeros((HOPS, H), jnp.float32)
    inp["post_W1"] = _w(ks[7], (H, 2 * H))
    inp["post_b1"] = jnp.zeros((2 * H,), jnp.float32)
    inp["post_W2"] = _w(ks[8], (2 * H, D_OUT))
    inp["post_b2"] = jnp.zeros((D_OUT,), jnp.float32)
    return inp


def _forward(x, edge_index, pre_W1, pre_b1, pre_W2, pre_b2, gcn_W, gcn_b,
             bn_gamma, bn_beta, ffn_W1, ffn_b1, ffn_W2, ffn_b2,
             post_W1, post_b1, post_W2, post_b2):
    n = x.shape[0]
    gelu = lambda t: jax.nn.gelu(t, approximate=False)
    # GCNConv normalization with added self-loops (PyG default)
    loops = jnp.arange(n)
    row = jnp.concatenate([edge_index[0], loops])
    col = jnp.concatenate([edge_index[1], loops])
    deg = jnp.zeros((n,), jnp.float32).at[col].add(1.0)
    dinv = jnp.where(deg > 0, jax.lax.rsqrt(deg), 0.0)
    norm = (dinv[row] * dinv[col])[:, None]
    # preprocess FFNN
    h = gelu(gelu(x @ pre_W1 + pre_b1) @ pre_W2 + pre_b2)
    for i in range(HOPS):
        # GCNConv: D^-1/2 (A+I) D^-1/2 X W + b, residual add
        xw = h @ gcn_W[i]
        agg = jnp.zeros_like(xw).at[col].add(xw[row] * norm) + gcn_b[i]
        h = agg + h
        # BatchNorm1d (batch statistics, biased variance, eps=1e-5)
        mean = jnp.mean(h, axis=0)
        var = jnp.var(h, axis=0)
        h = (h - mean) / jnp.sqrt(var + 1e-5) * bn_gamma[i] + bn_beta[i]
        # FFNN + residual (dropout = identity, deterministic reference)
        f = gelu(gelu(h @ ffn_W1[i] + ffn_b1[i]) @ ffn_W2[i] + ffn_b2[i])
        h = f + h
    # postprocess FFNN (graph_task=False -> no global pooling)
    return gelu(gelu(h @ post_W1 + post_b1) @ post_W2 + post_b2)


def reference(x, edge_index, pre_W1, pre_b1, pre_W2, pre_b2, gcn_W, gcn_b,
              bn_gamma, bn_beta, ffn_W1, ffn_b1, ffn_W2, ffn_b2,
              post_W1, post_b1, post_W2, post_b2):
    return _forward(x, edge_index, pre_W1, pre_b1, pre_W2, pre_b2, gcn_W,
                    gcn_b, bn_gamma, bn_beta, ffn_W1, ffn_b1, ffn_W2, ffn_b2,
                    post_W1, post_b1, post_W2, post_b2)

if __name__ == "__main__":
    import jax
    _d = setup_inputs()
    print(jax.jit(kernel)(*tuple(_d.values())))

</pallas_src>

<mosaic_0001>
#map = affine_map<(d0, d1) -> (0, 0)>
#map1 = affine_map<(d0, d1) -> (0)>
#map2 = affine_map<(d0, d1) -> (0, 0, 0)>
module attributes {stable_mosaic.version = 14 : i64} {
  func.func @_agg_body(%arg0: i32, %arg1: i32, %arg2: memref<10000x128xf32, #tpu.memory_space<hbm>>, %arg3: memref<323584xi32, #tpu.memory_space<hbm>>, %arg4: memref<32x79x128xi32, #tpu.memory_space<hbm>>, %arg5: memref<10112x128xf32, #tpu.memory_space<hbm>>, %arg6: memref<2x10112x128xf32, #tpu.memory_space<hbm>>, %arg7: memref<10112xi32, #tpu.memory_space<vmem>>, %arg8: memref<79x128xi32, #tpu.memory_space<vmem>>, %arg9: memref<128x128xf32, #tpu.memory_space<vmem>>, %arg10: memref<10112x128xf32, #tpu.memory_space<vmem_shared>>, %arg11: memref<!tpu.dma_semaphore, #tpu.memory_space<semaphore_mem>>) attributes {dimension_semantics = [#tpu.dimension_semantics<core_parallel>, #tpu.dimension_semantics<subcore_parallel>], iteration_bounds = array<i64: 2, 16>, scalar_prefetch = 0 : i64, scratch_operands = 5 : i64, tpu.core_type = #tpu.core_type<sc_vector_subcore>, window_params = [{transform_indices = #map}, {transform_indices = #map1}, {transform_indices = #map2}, {transform_indices = #map}, {transform_indices = #map2}]} {
    %mul3A = arith.constant 16 : i32
    %mul3A_0 = arith.muli %arg0, %mul3A : i32
    %add3A = arith.addi %mul3A_0, %arg1 : i32
    %mul3A_1 = arith.constant 632 : i32
    %mul3A_2 = arith.muli %arg1, %mul3A_1 : i32
    %mul3A_3 = arith.constant 632 : i32
    %mul3A_4 = arith.muli %arg1, %mul3A_3 : i32
    "tpu.region"() ({
      %run_scoped3A = tpu.sem_alloc : memref<!tpu.dma_semaphore, #tpu.memory_space<semaphore_mem>>
      %dma_start3A = arith.constant 0 : i32
      %dma_start3A_18 = tpu.memref_slice %arg10[%mul3A_4, %dma_start3A] : memref<10112x128xf32, #tpu.memory_space<vmem_shared>> -> memref<632x128xf32, #tpu.memory_space<vmem_shared>>
      %dma_start3A_19 = arith.constant 0 : i32
      %dma_start3A_20 = tpu.memref_slice %arg5[%mul3A_2, %dma_start3A_19] : memref<10112x128xf32, #tpu.memory_space<hbm>> -> memref<632x128xf32, #tpu.memory_space<hbm>>
      tpu.enqueue_dma source(%dma_start3A_20 : memref<632x128xf32, #tpu.memory_space<hbm>>) target(%dma_start3A_18 : memref<632x128xf32, #tpu.memory_space<vmem_shared>>) target_semaphore(%run_scoped3A : memref<!tpu.dma_semaphore, #tpu.memory_space<semaphore_mem>>)
      %dma_wait3A = arith.constant 0 : i32
      %dma_wait3A_21 = tpu.memref_slice %arg10[%mul3A_4, %dma_wait3A] : memref<10112x128xf32, #tpu.memory_space<vmem_shared>> -> memref<632x128xf32, #tpu.memory_space<vmem_shared>>
      %dma_wait3A_22 = arith.constant 0 : i32
      %dma_wait3A_23 = tpu.memref_slice %arg5[%mul3A_2, %dma_wait3A_22] : memref<10112x128xf32, #tpu.memory_space<hbm>> -> memref<632x128xf32, #tpu.memory_space<hbm>>
      tpu.wait_dma2 semaphore(%run_scoped3A : memref<!tpu.dma_semaphore, #tpu.memory_space<semaphore_mem>>) src(%dma_wait3A_23 : memref<632x128xf32, #tpu.memory_space<hbm>>) dst(%dma_wait3A_21 : memref<632x128xf32, #tpu.memory_space<vmem_shared>>)
      tpu.yield
    }) : () -> ()
    %mul3A_5 = arith.constant 10112 : i32
    %mul3A_6 = arith.muli %add3A, %mul3A_5 : i32
    "tpu.region"() ({
      %run_scoped3A = tpu.sem_alloc : memref<!tpu.dma_semaphore, #tpu.memory_space<semaphore_mem>>
      %dma_start3A = tpu.memref_slice %arg3[%mul3A_6] : memref<323584xi32, #tpu.memory_space<hbm>> -> memref<10112xi32, #tpu.memory_space<hbm>>
      %dma_start3A_18 = tpu.memref_slice %arg3[%mul3A_6] : memref<323584xi32, #tpu.memory_space<hbm>> -> memref<10112xi32, #tpu.memory_space<hbm>>
      tpu.enqueue_dma source(%dma_start3A_18 : memref<10112xi32, #tpu.memory_space<hbm>>) target(%arg7 : memref<10112xi32, #tpu.memory_space<vmem>>) target_semaphore(%run_scoped3A : memref<!tpu.dma_semaphore, #tpu.memory_space<semaphore_mem>>)
      %dma_wait3A = tpu.memref_slice %arg3[%mul3A_6] : memref<323584xi32, #tpu.memory_space<hbm>> -> memref<10112xi32, #tpu.memory_space<hbm>>
      %dma_wait3A_19 = tpu.memref_slice %arg3[%mul3A_6] : memref<323584xi32, #tpu.memory_space<hbm>> -> memref<10112xi32, #tpu.memory_space<hbm>>
      tpu.wait_dma2 semaphore(%run_scoped3A : memref<!tpu.dma_semaphore, #tpu.memory_space<semaphore_mem>>) src(%dma_wait3A_19 : memref<10112xi32, #tpu.memory_space<hbm>>) dst(%arg7 : memref<10112xi32, #tpu.memory_space<vmem>>)
      tpu.yield
    }) : () -> ()
    "tpu.region"() ({
      %run_scoped3A = tpu.sem_alloc : memref<!tpu.dma_semaphore, #tpu.memory_space<semaphore_mem>>
      %dma_start3A = arith.constant 0 : i32
      %dma_start3A_18 = arith.constant 0 : i32
      %dma_start3A_19 = tpu.memref_slice %arg4[%add3A, %dma_start3A, %dma_start3A_18] : memref<32x79x128xi32, #tpu.memory_space<hbm>> -> memref<1x79x128xi32, #tpu.memory_space<hbm>>
      %dma_start3A_20 = tpu.memref_squeeze %dma_start3A_19 : memref<1x79x128xi32, #tpu.memory_space<hbm>> -> memref<79x128xi32, #tpu.memory_space<hbm>>
      %dma_start3A_21 = arith.constant 0 : i32
      %dma_start3A_22 = arith.constant 0 : i32
      %dma_start3A_23 = tpu.memref_slice %arg4[%add3A, %dma_start3A_21, %dma_start3A_22] : memref<32x79x128xi32, #tpu.memory_space<hbm>> -> memref<1x79x128xi32, #tpu.memory_space<hbm>>
      %dma_start3A_24 = tpu.memref_squeeze %dma_start3A_23 : memref<1x79x128xi32, #tpu.memory_space<hbm>> -> memref<79x128xi32, #tpu.memory_space<hbm>>
      tpu.enqueue_dma source(%dma_start3A_24 : memref<79x128xi32, #tpu.memory_space<hbm>>) target(%arg8 : memref<79x128xi32, #tpu.memory_space<vmem>>) target_semaphore(%run_scoped3A : memref<!tpu.dma_semaphore, #tpu.memory_space<semaphore_mem>>)
      %dma_wait3A = arith.constant 0 : i32
      %dma_wait3A_25 = arith.constant 0 : i32
      %dma_wait3A_26 = tpu.memref_slice %arg4[%add3A, %dma_wait3A, %dma_wait3A_25] : memref<32x79x128xi32, #tpu.memory_space<hbm>> -> memref<1x79x128xi32, #tpu.memory_space<hbm>>
      %dma_wait3A_27 = tpu.memref_squeeze %dma_wait3A_26 : memref<1x79x128xi32, #tpu.memory_space<hbm>> -> memref<79x128xi32, #tpu.memory_space<hbm>>
      %dma_wait3A_28 = arith.constant 0 : i32
      %dma_wait3A_29 = arith.constant 0 : i32
      %dma_wait3A_30 = tpu.memref_slice %arg4[%add3A, %dma_wait3A_28, %dma_wait3A_29] : memref<32x79x128xi32, #tpu.memory_space<hbm>> -> memref<1x79x128xi32, #tpu.memory_space<hbm>>
      %dma_wait3A_31 = tpu.memref_squeeze %dma_wait3A_30 : memref<1x79x128xi32, #tpu.memory_space<hbm>> -> memref<79x128xi32, #tpu.memory_space<hbm>>
      tpu.wait_dma2 semaphore(%run_scoped3A : memref<!tpu.dma_semaphore, #tpu.memory_space<semaphore_mem>>) src(%dma_wait3A_31 : memref<79x128xi32, #tpu.memory_space<hbm>>) dst(%arg8 : memref<79x128xi32, #tpu.memory_space<vmem>>)
      tpu.yield
    }) : () -> ()
    %barrier3A = arith.constant 0 : index
    tpu.barrier barrier_id(%barrier3A)
    %scan3A = arith.constant 0 : i32
    %scan3A_7 = arith.constant 0 : i32
    %scan3A_8 = arith.constant 79 : i32
    %scan3A_9 = arith.addi %scan3A_7, %scan3A_8 : i32
    %scan3A_10 = arith.constant 1 : i32
    %scan3A_11 = scf.for %scan3A_18 = %scan3A_7 to %scan3A_9 step %scan3A_10 iter_args(%scan3A_19 = %scan3A) -> (i32)  : i32 {
      %mul3A_20 = arith.constant 128 : i32
      %mul3A_21 = arith.muli %scan3A_18, %mul3A_20 : i32
      %dma_start3A = tpu.memref_slice %arg7[%mul3A_21] : memref<10112xi32, #tpu.memory_space<vmem>> -> memref<128xi32, #tpu.memory_space<vmem>>
      %dma_start3A_22 = arith.constant 0 : i32
      %dma_start3A_23 = arith.constant 0 : i32
      %dma_start3A_24 = tpu.memref_slice %arg2[%dma_start3A_22, %dma_start3A_23] : memref<10000x128xf32, #tpu.memory_space<hbm>> -> memref<10000x128xf32, #tpu.memory_space<hbm>>
      tpu.enqueue_indirect_dma source(%dma_start3A_24 : memref<10000x128xf32, #tpu.memory_space<hbm>>) target(%arg9 : memref<128x128xf32, #tpu.memory_space<vmem>>) offsets(%dma_start3A : memref<128xi32, #tpu.memory_space<vmem>>) semaphore(%arg11 : memref<!tpu.dma_semaphore, #tpu.memory_space<semaphore_mem>>)
      %dma_wait3A = tpu.memref_slice %arg7[%mul3A_21] : memref<10112xi32, #tpu.memory_space<vmem>> -> memref<128xi32, #tpu.memory_space<vmem>>
      %dma_wait3A_25 = arith.constant 0 : i32
      %dma_wait3A_26 = arith.constant 0 : i32
      %dma_wait3A_27 = tpu.memref_slice %arg2[%dma_wait3A_25, %dma_wait3A_26] : memref<10000x128xf32, #tpu.memory_space<hbm>> -> memref<10000x128xf32, #tpu.memory_space<hbm>>
      tpu.wait_indirect_dma semaphore(%arg11 : memref<!tpu.dma_semaphore, #tpu.memory_space<semaphore_mem>>) src(%dma_wait3A_27 : memref<10000x128xf32, #tpu.memory_space<hbm>>) dst(%arg9 : memref<128x128xf32, #tpu.memory_space<vmem>>)
      "tpu.region"() ({
        %run_scoped3A = tpu.sem_alloc : memref<!tpu.dma_semaphore, #tpu.memory_space<semaphore_mem>>
        %dma_start3A_29 = arith.constant 0 : i32
        %dma_start3A_30 = tpu.memref_slice %arg8[%scan3A_18, %dma_start3A_29] : memref<79x128xi32, #tpu.memory_space<vmem>> -> memref<1x128xi32, #tpu.memory_space<vmem>>
        %dma_start3A_31 = tpu.memref_squeeze %dma_start3A_30 : memref<1x128xi32, #tpu.memory_space<vmem>> -> memref<128xi32, #tpu.memory_space<vmem>>
        %dma_start3A_32 = arith.constant 0 : i32
        %dma_start3A_33 = arith.constant 0 : i32
        %dma_start3A_34 = tpu.memref_slice %arg10[%dma_start3A_32, %dma_start3A_33] : memref<10112x128xf32, #tpu.memory_space<vmem_shared>> -> memref<10112x128xf32, #tpu.memory_space<vmem_shared>>
        tpu.enqueue_indirect_dma source(%arg9 : memref<128x128xf32, #tpu.memory_space<vmem>>) target(%dma_start3A_34 : memref<10112x128xf32, #tpu.memory_space<vmem_shared>>) offsets(%dma_start3A_31 : memref<128xi32, #tpu.memory_space<vmem>>) semaphore(%run_scoped3A : memref<!tpu.dma_semaphore, #tpu.memory_space<semaphore_mem>>) {add = true}
        %dma_wait3A_35 = arith.constant 0 : i32
        %dma_wait3A_36 = tpu.memref_slice %arg8[%scan3A_18, %dma_wait3A_35] : memref<79x128xi32, #tpu.memory_space<vmem>> -> memref<1x128xi32, #tpu.memory_space<vmem>>
        %dma_wait3A_37 = tpu.memref_squeeze %dma_wait3A_36 : memref<1x128xi32, #tpu.memory_space<vmem>> -> memref<128xi32, #tpu.memory_space<vmem>>
        %dma_wait3A_38 = arith.constant 0 : i32
        %dma_wait3A_39 = arith.constant 0 : i32
        %dma_wait3A_40 = tpu.memref_slice %arg10[%dma_wait3A_38, %dma_wait3A_39] : memref<10112x128xf32, #tpu.memory_space<vmem_shared>> -> memref<10112x128xf32, #tpu.memory_space<vmem_shared>>
        tpu.wait_indirect_dma semaphore(%run_scoped3A : memref<!tpu.dma_semaphore, #tpu.memory_space<semaphore_mem>>) src(%arg9 : memref<128x128xf32, #tpu.memory_space<vmem>>) dst(%dma_wait3A_40 : memref<10112x128xf32, #tpu.memory_space<vmem_shared>>)
        tpu.yield
      }) : () -> ()
      %scan3A_28 = arith.constant 0 : i32
      scf.yield %scan3A_28 : i32
    }
    %scan3A_12 = arith.constant 79 : i32
    %barrier3A_13 = arith.constant 0 : index
    tpu.barrier barrier_id(%barrier3A_13)
    %mul3A_14 = arith.constant 632 : i32
    %mul3A_15 = arith.muli %arg1, %mul3A_14 : i32
    %mul3A_16 = arith.constant 632 : i32
    %mul3A_17 = arith.muli %arg1, %mul3A_16 : i32
    "tpu.region"() ({
      %run_scoped3A = tpu.sem_alloc : memref<!tpu.dma_semaphore, #tpu.memory_space<semaphore_mem>>
      %dma_start3A = arith.constant 0 : i32
      %dma_start3A_18 = tpu.memref_slice %arg6[%arg0, %mul3A_17, %dma_start3A] : memref<2x10112x128xf32, #tpu.memory_space<hbm>> -> memref<1x632x128xf32, #tpu.memory_space<hbm>>
      %dma_start3A_19 = tpu.memref_squeeze %dma_start3A_18 : memref<1x632x128xf32, #tpu.memory_space<hbm>> -> memref<632x128xf32, #tpu.memory_space<hbm>>
      %dma_start3A_20 = arith.constant 0 : i32
      %dma_start3A_21 = tpu.memref_slice %arg10[%mul3A_15, %dma_start3A_20] : memref<10112x128xf32, #tpu.memory_space<vmem_shared>> -> memref<632x128xf32, #tpu.memory_space<vmem_shared>>
      tpu.enqueue_dma source(%dma_start3A_21 : memref<632x128xf32, #tpu.memory_space<vmem_shared>>) target(%dma_start3A_19 : memref<632x128xf32, #tpu.memory_space<hbm>>) target_semaphore(%run_scoped3A : memref<!tpu.dma_semaphore, #tpu.memory_space<semaphore_mem>>)
      %dma_wait3A = arith.constant 0 : i32
      %dma_wait3A_22 = tpu.memref_slice %arg6[%arg0, %mul3A_17, %dma_wait3A] : memref<2x10112x128xf32, #tpu.memory_space<hbm>> -> memref<1x632x128xf32, #tpu.memory_space<hbm>>
      %dma_wait3A_23 = tpu.memref_squeeze %dma_wait3A_22 : memref<1x632x128xf32, #tpu.memory_space<hbm>> -> memref<632x128xf32, #tpu.memory_space<hbm>>
      %dma_wait3A_24 = arith.constant 0 : i32
      %dma_wait3A_25 = tpu.memref_slice %arg10[%mul3A_15, %dma_wait3A_24] : memref<10112x128xf32, #tpu.memory_space<vmem_shared>> -> memref<632x128xf32, #tpu.memory_space<vmem_shared>>
      tpu.wait_dma2 semaphore(%run_scoped3A : memref<!tpu.dma_semaphore, #tpu.memory_space<semaphore_mem>>) src(%dma_wait3A_25 : memref<632x128xf32, #tpu.memory_space<vmem_shared>>) dst(%dma_wait3A_23 : memref<632x128xf32, #tpu.memory_space<hbm>>)
      tpu.yield
    }) : () -> ()
    return
  }
}

#map = affine_map<(d0, d1) -> (0, 0)>
#map1 = affine_map<(d0, d1) -> (0)>
#map2 = affine_map<(d0, d1) -> (0, 0, 0)>
module attributes {stable_mosaic.version = 14 : i64} {
  func.func @_agg_body(%arg0: i32, %arg1: i32, %arg2: memref<10000x128xf32, #tpu.memory_space<hbm>>, %arg3: memref<323584xi32, #tpu.memory_space<hbm>>, %arg4: memref<32x79x128xi32, #tpu.memory_space<hbm>>, %arg5: memref<10112x128xf32, #tpu.memory_space<hbm>>, %arg6: memref<2x10112x128xf32, #tpu.memory_space<hbm>>, %arg7: memref<10112xi32, #tpu.memory_space<vmem>>, %arg8: memref<79x128xi32, #tpu.memory_space<vmem>>, %arg9: memref<128x128xf32, #tpu.memory_space<vmem>>, %arg10: memref<10112x128xf32, #tpu.memory_space<vmem_shared>>, %arg11: memref<!tpu.dma_semaphore, #tpu.memory_space<semaphore_mem>>) attributes {dimension_semantics = [#tpu.dimension_semantics<core_parallel>, #tpu.dimension_semantics<subcore_parallel>], iteration_bounds = array<i64: 2, 16>, scalar_prefetch = 0 : i64, scratch_operands = 5 : i64, tpu.core_type = #tpu.core_type<sc_vector_subcore>, window_params = [{transform_indices = #map}, {transform_indices = #map1}, {transform_indices = #map2}, {transform_indices = #map}, {transform_indices = #map2}]} {
    %mul3A = arith.constant 16 : i32
    %mul3A_0 = arith.muli %arg0, %mul3A : i32
    %add3A = arith.addi %mul3A_0, %arg1 : i32
    %mul3A_1 = arith.constant 632 : i32
    %mul3A_2 = arith.muli %arg1, %mul3A_1 : i32
    %mul3A_3 = arith.constant 632 : i32
    %mul3A_4 = arith.muli %arg1, %mul3A_3 : i32
    "tpu.region"() ({
      %run_scoped3A = tpu.sem_alloc : memref<!tpu.dma_semaphore, #tpu.memory_space<semaphore_mem>>
      %dma_start3A = arith.constant 0 : i32
      %dma_start3A_18 = tpu.memref_slice %arg10[%mul3A_4, %dma_start3A] : memref<10112x128xf32, #tpu.memory_space<vmem_shared>> -> memref<632x128xf32, #tpu.memory_space<vmem_shared>>
      %dma_start3A_19 = arith.constant 0 : i32
      %dma_start3A_20 = tpu.memref_slice %arg5[%mul3A_2, %dma_start3A_19] : memref<10112x128xf32, #tpu.memory_space<hbm>> -> memref<632x128xf32, #tpu.memory_space<hbm>>
      tpu.enqueue_dma source(%dma_start3A_20 : memref<632x128xf32, #tpu.memory_space<hbm>>) target(%dma_start3A_18 : memref<632x128xf32, #tpu.memory_space<vmem_shared>>) target_semaphore(%run_scoped3A : memref<!tpu.dma_semaphore, #tpu.memory_space<semaphore_mem>>)
      %dma_wait3A = arith.constant 0 : i32
      %dma_wait3A_21 = tpu.memref_slice %arg10[%mul3A_4, %dma_wait3A] : memref<10112x128xf32, #tpu.memory_space<vmem_shared>> -> memref<632x128xf32, #tpu.memory_space<vmem_shared>>
      %dma_wait3A_22 = arith.constant 0 : i32
      %dma_wait3A_23 = tpu.memref_slice %arg5[%mul3A_2, %dma_wait3A_22] : memref<10112x128xf32, #tpu.memory_space<hbm>> -> memref<632x128xf32, #tpu.memory_space<hbm>>
      tpu.wait_dma2 semaphore(%run_scoped3A : memref<!tpu.dma_semaphore, #tpu.memory_space<semaphore_mem>>) src(%dma_wait3A_23 : memref<632x128xf32, #tpu.memory_space<hbm>>) dst(%dma_wait3A_21 : memref<632x128xf32, #tpu.memory_space<vmem_shared>>)
      tpu.yield
    }) : () -> ()
    %mul3A_5 = arith.constant 10112 : i32
    %mul3A_6 = arith.muli %add3A, %mul3A_5 : i32
    "tpu.region"() ({
      %run_scoped3A = tpu.sem_alloc : memref<!tpu.dma_semaphore, #tpu.memory_space<semaphore_mem>>
      %dma_start3A = tpu.memref_slice %arg3[%mul3A_6] : memref<323584xi32, #tpu.memory_space<hbm>> -> memref<10112xi32, #tpu.memory_space<hbm>>
      %dma_start3A_18 = tpu.memref_slice %arg3[%mul3A_6] : memref<323584xi32, #tpu.memory_space<hbm>> -> memref<10112xi32, #tpu.memory_space<hbm>>
      tpu.enqueue_dma source(%dma_start3A_18 : memref<10112xi32, #tpu.memory_space<hbm>>) target(%arg7 : memref<10112xi32, #tpu.memory_space<vmem>>) target_semaphore(%run_scoped3A : memref<!tpu.dma_semaphore, #tpu.memory_space<semaphore_mem>>)
      %dma_wait3A = tpu.memref_slice %arg3[%mul3A_6] : memref<323584xi32, #tpu.memory_space<hbm>> -> memref<10112xi32, #tpu.memory_space<hbm>>
      %dma_wait3A_19 = tpu.memref_slice %arg3[%mul3A_6] : memref<323584xi32, #tpu.memory_space<hbm>> -> memref<10112xi32, #tpu.memory_space<hbm>>
      tpu.wait_dma2 semaphore(%run_scoped3A : memref<!tpu.dma_semaphore, #tpu.memory_space<semaphore_mem>>) src(%dma_wait3A_19 : memref<10112xi32, #tpu.memory_space<hbm>>) dst(%arg7 : memref<10112xi32, #tpu.memory_space<vmem>>)
      tpu.yield
    }) : () -> ()
    "tpu.region"() ({
      %run_scoped3A = tpu.sem_alloc : memref<!tpu.dma_semaphore, #tpu.memory_space<semaphore_mem>>
      %dma_start3A = arith.constant 0 : i32
      %dma_start3A_18 = arith.constant 0 : i32
      %dma_start3A_19 = tpu.memref_slice %arg4[%add3A, %dma_start3A, %dma_start3A_18] : memref<32x79x128xi32, #tpu.memory_space<hbm>> -> memref<1x79x128xi32, #tpu.memory_space<hbm>>
      %dma_start3A_20 = tpu.memref_squeeze %dma_start3A_19 : memref<1x79x128xi32, #tpu.memory_space<hbm>> -> memref<79x128xi32, #tpu.memory_space<hbm>>
      %dma_start3A_21 = arith.constant 0 : i32
      %dma_start3A_22 = arith.constant 0 : i32
      %dma_start3A_23 = tpu.memref_slice %arg4[%add3A, %dma_start3A_21, %dma_start3A_22] : memref<32x79x128xi32, #tpu.memory_space<hbm>> -> memref<1x79x128xi32, #tpu.memory_space<hbm>>
      %dma_start3A_24 = tpu.memref_squeeze %dma_start3A_23 : memref<1x79x128xi32, #tpu.memory_space<hbm>> -> memref<79x128xi32, #tpu.memory_space<hbm>>
      tpu.enqueue_dma source(%dma_start3A_24 : memref<79x128xi32, #tpu.memory_space<hbm>>) target(%arg8 : memref<79x128xi32, #tpu.memory_space<vmem>>) target_semaphore(%run_scoped3A : memref<!tpu.dma_semaphore, #tpu.memory_space<semaphore_mem>>)
      %dma_wait3A = arith.constant 0 : i32
      %dma_wait3A_25 = arith.constant 0 : i32
      %dma_wait3A_26 = tpu.memref_slice %arg4[%add3A, %dma_wait3A, %dma_wait3A_25] : memref<32x79x128xi32, #tpu.memory_space<hbm>> -> memref<1x79x128xi32, #tpu.memory_space<hbm>>
      %dma_wait3A_27 = tpu.memref_squeeze %dma_wait3A_26 : memref<1x79x128xi32, #tpu.memory_space<hbm>> -> memref<79x128xi32, #tpu.memory_space<hbm>>
      %dma_wait3A_28 = arith.constant 0 : i32
      %dma_wait3A_29 = arith.constant 0 : i32
      %dma_wait3A_30 = tpu.memref_slice %arg4[%add3A, %dma_wait3A_28, %dma_wait3A_29] : memref<32x79x128xi32, #tpu.memory_space<hbm>> -> memref<1x79x128xi32, #tpu.memory_space<hbm>>
      %dma_wait3A_31 = tpu.memref_squeeze %dma_wait3A_30 : memref<1x79x128xi32, #tpu.memory_space<hbm>> -> memref<79x128xi32, #tpu.memory_space<hbm>>
      tpu.wait_dma2 semaphore(%run_scoped3A : memref<!tpu.dma_semaphore, #tpu.memory_space<semaphore_mem>>) src(%dma_wait3A_31 : memref<79x128xi32, #tpu.memory_space<hbm>>) dst(%arg8 : memref<79x128xi32, #tpu.memory_space<vmem>>)
      tpu.yield
    }) : () -> ()
    %barrier3A = arith.constant 0 : index
    tpu.barrier barrier_id(%barrier3A)
    %scan3A = arith.constant 0 : i32
    %scan3A_7 = arith.constant 0 : i32
    %scan3A_8 = arith.constant 79 : i32
    %scan3A_9 = arith.addi %scan3A_7, %scan3A_8 : i32
    %scan3A_10 = arith.constant 1 : i32
    %scan3A_11 = scf.for %scan3A_18 = %scan3A_7 to %scan3A_9 step %scan3A_10 iter_args(%scan3A_19 = %scan3A) -> (i32)  : i32 {
      %mul3A_20 = arith.constant 128 : i32
      %mul3A_21 = arith.muli %scan3A_18, %mul3A_20 : i32
      %dma_start3A = tpu.memref_slice %arg7[%mul3A_21] : memref<10112xi32, #tpu.memory_space<vmem>> -> memref<128xi32, #tpu.memory_space<vmem>>
      %dma_start3A_22 = arith.constant 0 : i32
      %dma_start3A_23 = arith.constant 0 : i32
      %dma_start3A_24 = tpu.memref_slice %arg2[%dma_start3A_22, %dma_start3A_23] : memref<10000x128xf32, #tpu.memory_space<hbm>> -> memref<10000x128xf32, #tpu.memory_space<hbm>>
      tpu.enqueue_indirect_dma source(%dma_start3A_24 : memref<10000x128xf32, #tpu.memory_space<hbm>>) target(%arg9 : memref<128x128xf32, #tpu.memory_space<vmem>>) offsets(%dma_start3A : memref<128xi32, #tpu.memory_space<vmem>>) semaphore(%arg11 : memref<!tpu.dma_semaphore, #tpu.memory_space<semaphore_mem>>)
      %dma_wait3A = tpu.memref_slice %arg7[%mul3A_21] : memref<10112xi32, #tpu.memory_space<vmem>> -> memref<128xi32, #tpu.memory_space<vmem>>
      %dma_wait3A_25 = arith.constant 0 : i32
      %dma_wait3A_26 = arith.constant 0 : i32
      %dma_wait3A_27 = tpu.memref_slice %arg2[%dma_wait3A_25, %dma_wait3A_26] : memref<10000x128xf32, #tpu.memory_space<hbm>> -> memref<10000x128xf32, #tpu.memory_space<hbm>>
      tpu.wait_indirect_dma semaphore(%arg11 : memref<!tpu.dma_semaphore, #tpu.memory_space<semaphore_mem>>) src(%dma_wait3A_27 : memref<10000x128xf32, #tpu.memory_space<hbm>>) dst(%arg9 : memref<128x128xf32, #tpu.memory_space<vmem>>)
      "tpu.region"() ({
        %run_scoped3A = tpu.sem_alloc : memref<!tpu.dma_semaphore, #tpu.memory_space<semaphore_mem>>
        %dma_start3A_29 = arith.constant 0 : i32
        %dma_start3A_30 = tpu.memref_slice %arg8[%scan3A_18, %dma_start3A_29] : memref<79x128xi32, #tpu.memory_space<vmem>> -> memref<1x128xi32, #tpu.memory_space<vmem>>
        %dma_start3A_31 = tpu.memref_squeeze %dma_start3A_30 : memref<1x128xi32, #tpu.memory_space<vmem>> -> memref<128xi32, #tpu.memory_space<vmem>>
        %dma_start3A_32 = arith.constant 0 : i32
        %dma_start3A_33 = arith.constant 0 : i32
        %dma_start3A_34 = tpu.memref_slice %arg10[%dma_start3A_32, %dma_start3A_33] : memref<10112x128xf32, #tpu.memory_space<vmem_shared>> -> memref<10112x128xf32, #tpu.memory_space<vmem_shared>>
        tpu.enqueue_indirect_dma source(%arg9 : memref<128x128xf32, #tpu.memory_space<vmem>>) target(%dma_start3A_34 : memref<10112x128xf32, #tpu.memory_space<vmem_shared>>) offsets(%dma_start3A_31 : memref<128xi32, #tpu.memory_space<vmem>>) semaphore(%run_scoped3A : memref<!tpu.dma_semaphore, #tpu.memory_space<semaphore_mem>>) {add = true}
        %dma_wait3A_35 = arith.constant 0 : i32
        %dma_wait3A_36 = tpu.memref_slice %arg8[%scan3A_18, %dma_wait3A_35] : memref<79x128xi32, #tpu.memory_space<vmem>> -> memref<1x128xi32, #tpu.memory_space<vmem>>
        %dma_wait3A_37 = tpu.memref_squeeze %dma_wait3A_36 : memref<1x128xi32, #tpu.memory_space<vmem>> -> memref<128xi32, #tpu.memory_space<vmem>>
        %dma_wait3A_38 = arith.constant 0 : i32
        %dma_wait3A_39 = arith.constant 0 : i32
        %dma_wait3A_40 = tpu.memref_slice %arg10[%dma_wait3A_38, %dma_wait3A_39] : memref<10112x128xf32, #tpu.memory_space<vmem_shared>> -> memref<10112x128xf32, #tpu.memory_space<vmem_shared>>
        tpu.wait_indirect_dma semaphore(%run_scoped3A : memref<!tpu.dma_semaphore, #tpu.memory_space<semaphore_mem>>) src(%arg9 : memref<128x128xf32, #tpu.memory_space<vmem>>) dst(%dma_wait3A_40 : memref<10112x128xf32, #tpu.memory_space<vmem_shared>>)
        tpu.yield
      }) : () -> ()
      %scan3A_28 = arith.constant 0 : i32
      scf.yield %scan3A_28 : i32
    }
    %scan3A_12 = arith.constant 79 : i32
    %barrier3A_13 = arith.constant 0 : index
    tpu.barrier barrier_id(%barrier3A_13)
    %mul3A_14 = arith.constant 632 : i32
    %mul3A_15 = arith.muli %arg1, %mul3A_14 : i32
    %mul3A_16 = arith.constant 632 : i32
    %mul3A_17 = arith.muli %arg1, %mul3A_16 : i32
    "tpu.region"() ({
      %run_scoped3A = tpu.sem_alloc : memref<!tpu.dma_semaphore, #tpu.memory_space<semaphore_mem>>
      %dma_start3A = arith.constant 0 : i32
      %dma_start3A_18 = tpu.memref_slice %arg6[%arg0, %mul3A_17, %dma_start3A] : memref<2x10112x128xf32, #tpu.memory_space<hbm>> -> memref<1x632x128xf32, #tpu.memory_space<hbm>>
      %dma_start3A_19 = tpu.memref_squeeze %dma_start3A_18 : memref<1x632x128xf32, #tpu.memory_space<hbm>> -> memref<632x128xf32, #tpu.memory_space<hbm>>
      %dma_start3A_20 = arith.constant 0 : i32
      %dma_start3A_21 = tpu.memref_slice %arg10[%mul3A_15, %dma_start3A_20] : memref<10112x128xf32, #tpu.memory_space<vmem_shared>> -> memref<632x128xf32, #tpu.memory_space<vmem_shared>>
      tpu.enqueue_dma source(%dma_start3A_21 : memref<632x128xf32, #tpu.memory_space<vmem_shared>>) target(%dma_start3A_19 : memref<632x128xf32, #tpu.memory_space<hbm>>) target_semaphore(%run_scoped3A : memref<!tpu.dma_semaphore, #tpu.memory_space<semaphore_mem>>)
      %dma_wait3A = arith.constant 0 : i32
      %dma_wait3A_22 = tpu.memref_slice %arg6[%arg0, %mul3A_17, %dma_wait3A] : memref<2x10112x128xf32, #tpu.memory_space<hbm>> -> memref<1x632x128xf32, #tpu.memory_space<hbm>>
      %dma_wait3A_23 = tpu.memref_squeeze %dma_wait3A_22 : memref<1x632x128xf32, #tpu.memory_space<hbm>> -> memref<632x128xf32, #tpu.memory_space<hbm>>
      %dma_wait3A_24 = arith.constant 0 : i32
      %dma_wait3A_25 = tpu.memref_slice %arg10[%mul3A_15, %dma_wait3A_24] : memref<10112x128xf32, #tpu.memory_space<vmem_shared>> -> memref<632x128xf32, #tpu.memory_space<vmem_shared>>
      tpu.wait_dma2 semaphore(%run_scoped3A : memref<!tpu.dma_semaphore, #tpu.memory_space<semaphore_mem>>) src(%dma_wait3A_25 : memref<632x128xf32, #tpu.memory_space<vmem_shared>>) dst(%dma_wait3A_23 : memref<632x128xf32, #tpu.memory_space<hbm>>)
      tpu.yield
    }) : () -> ()
    return
  }
}

#map = affine_map<(d0, d1) -> (0, 0, 0)>
#map1 = affine_map<(d0, d1) -> (0, 0)>
module attributes {stable_mosaic.version = 14 : i64} {
  func.func @_deg_body(%arg0: i32, %arg1: i32, %arg2: memref<32x79x128xi32, #tpu.memory_space<hbm>>, %arg3: memref<10112x128xf32, #tpu.memory_space<hbm>>, %arg4: memref<128x128xf32, #tpu.memory_space<hbm>>, %arg5: memref<2x10112x128xf32, #tpu.memory_space<hbm>>, %arg6: memref<79x128xi32, #tpu.memory_space<vmem>>, %arg7: memref<128x128xf32, #tpu.memory_space<vmem>>, %arg8: memref<10112x128xf32, #tpu.memory_space<vmem_shared>>) attributes {dimension_semantics = [#tpu.dimension_semantics<core_parallel>, #tpu.dimension_semantics<subcore_parallel>], iteration_bounds = array<i64: 2, 16>, scalar_prefetch = 0 : i64, scratch_operands = 3 : i64, tpu.core_type = #tpu.core_type<sc_vector_subcore>, window_params = [{transform_indices = #map}, {transform_indices = #map1}, {transform_indices = #map1}, {transform_indices = #map}]} {
    %mul3A = arith.constant 16 : i32
    %mul3A_0 = arith.muli %arg0, %mul3A : i32
    %add3A = arith.addi %mul3A_0, %arg1 : i32
    %mul3A_1 = arith.constant 632 : i32
    %mul3A_2 = arith.muli %arg1, %mul3A_1 : i32
    %mul3A_3 = arith.constant 632 : i32
    %mul3A_4 = arith.muli %arg1, %mul3A_3 : i32
    "tpu.region"() ({
      %run_scoped3A = tpu.sem_alloc : memref<!tpu.dma_semaphore, #tpu.memory_space<semaphore_mem>>
      %dma_start3A = arith.constant 0 : i32
      %dma_start3A_16 = tpu.memref_slice %arg8[%mul3A_4, %dma_start3A] : memref<10112x128xf32, #tpu.memory_space<vmem_shared>> -> memref<632x128xf32, #tpu.memory_space<vmem_shared>>
      %dma_start3A_17 = arith.constant 0 : i32
      %dma_start3A_18 = tpu.memref_slice %arg3[%mul3A_2, %dma_start3A_17] : memref<10112x128xf32, #tpu.memory_space<hbm>> -> memref<632x128xf32, #tpu.memory_space<hbm>>
      tpu.enqueue_dma source(%dma_start3A_18 : memref<632x128xf32, #tpu.memory_space<hbm>>) target(%dma_start3A_16 : memref<632x128xf32, #tpu.memory_space<vmem_shared>>) target_semaphore(%run_scoped3A : memref<!tpu.dma_semaphore, #tpu.memory_space<semaphore_mem>>)
      %dma_wait3A = arith.constant 0 : i32
      %dma_wait3A_19 = tpu.memref_slice %arg8[%mul3A_4, %dma_wait3A] : memref<10112x128xf32, #tpu.memory_space<vmem_shared>> -> memref<632x128xf32, #tpu.memory_space<vmem_shared>>
      %dma_wait3A_20 = arith.constant 0 : i32
      %dma_wait3A_21 = tpu.memref_slice %arg3[%mul3A_2, %dma_wait3A_20] : memref<10112x128xf32, #tpu.memory_space<hbm>> -> memref<632x128xf32, #tpu.memory_space<hbm>>
      tpu.wait_dma2 semaphore(%run_scoped3A : memref<!tpu.dma_semaphore, #tpu.memory_space<semaphore_mem>>) src(%dma_wait3A_21 : memref<632x128xf32, #tpu.memory_space<hbm>>) dst(%dma_wait3A_19 : memref<632x128xf32, #tpu.memory_space<vmem_shared>>)
      tpu.yield
    }) : () -> ()
    "tpu.region"() ({
      %run_scoped3A = tpu.sem_alloc : memref<!tpu.dma_semaphore, #tpu.memory_space<semaphore_mem>>
      %dma_start3A = arith.constant 0 : i32
      %dma_start3A_16 = arith.constant 0 : i32
      %dma_start3A_17 = tpu.memref_slice %arg2[%add3A, %dma_start3A, %dma_start3A_16] : memref<32x79x128xi32, #tpu.memory_space<hbm>> -> memref<1x79x128xi32, #tpu.memory_space<hbm>>
      %dma_start3A_18 = tpu.memref_squeeze %dma_start3A_17 : memref<1x79x128xi32, #tpu.memory_space<hbm>> -> memref<79x128xi32, #tpu.memory_space<hbm>>
      %dma_start3A_19 = arith.constant 0 : i32
      %dma_start3A_20 = arith.constant 0 : i32
      %dma_start3A_21 = tpu.memref_slice %arg2[%add3A, %dma_start3A_19, %dma_start3A_20] : memref<32x79x128xi32, #tpu.memory_space<hbm>> -> memref<1x79x128xi32, #tpu.memory_space<hbm>>
      %dma_start3A_22 = tpu.memref_squeeze %dma_start3A_21 : memref<1x79x128xi32, #tpu.memory_space<hbm>> -> memref<79x128xi32, #tpu.memory_space<hbm>>
      tpu.enqueue_dma source(%dma_start3A_22 : memref<79x128xi32, #tpu.memory_space<hbm>>) target(%arg6 : memref<79x128xi32, #tpu.memory_space<vmem>>) target_semaphore(%run_scoped3A : memref<!tpu.dma_semaphore, #tpu.memory_space<semaphore_mem>>)
      %dma_wait3A = arith.constant 0 : i32
      %dma_wait3A_23 = arith.constant 0 : i32
      %dma_wait3A_24 = tpu.memref_slice %arg2[%add3A, %dma_wait3A, %dma_wait3A_23] : memref<32x79x128xi32, #tpu.memory_space<hbm>> -> memref<1x79x128xi32, #tpu.memory_space<hbm>>
      %dma_wait3A_25 = tpu.memref_squeeze %dma_wait3A_24 : memref<1x79x128xi32, #tpu.memory_space<hbm>> -> memref<79x128xi32, #tpu.memory_space<hbm>>
      %dma_wait3A_26 = arith.constant 0 : i32
      %dma_wait3A_27 = arith.constant 0 : i32
      %dma_wait3A_28 = tpu.memref_slice %arg2[%add3A, %dma_wait3A_26, %dma_wait3A_27] : memref<32x79x128xi32, #tpu.memory_space<hbm>> -> memref<1x79x128xi32, #tpu.memory_space<hbm>>
      %dma_wait3A_29 = tpu.memref_squeeze %dma_wait3A_28 : memref<1x79x128xi32, #tpu.memory_space<hbm>> -> memref<79x128xi32, #tpu.memory_space<hbm>>
      tpu.wait_dma2 semaphore(%run_scoped3A : memref<!tpu.dma_semaphore, #tpu.memory_space<semaphore_mem>>) src(%dma_wait3A_29 : memref<79x128xi32, #tpu.memory_space<hbm>>) dst(%arg6 : memref<79x128xi32, #tpu.memory_space<vmem>>)
      tpu.yield
    }) : () -> ()
    "tpu.region"() ({
      %run_scoped3A = tpu.sem_alloc : memref<!tpu.dma_semaphore, #tpu.memory_space<semaphore_mem>>
      tpu.enqueue_dma source(%arg4 : memref<128x128xf32, #tpu.memory_space<hbm>>) target(%arg7 : memref<128x128xf32, #tpu.memory_space<vmem>>) target_semaphore(%run_scoped3A : memref<!tpu.dma_semaphore, #tpu.memory_space<semaphore_mem>>)
      tpu.wait_dma2 semaphore(%run_scoped3A : memref<!tpu.dma_semaphore, #tpu.memory_space<semaphore_mem>>) src(%arg4 : memref<128x128xf32, #tpu.memory_space<hbm>>) dst(%arg7 : memref<128x128xf32, #tpu.memory_space<vmem>>)
      tpu.yield
    }) : () -> ()
    %barrier3A = arith.constant 0 : index
    tpu.barrier barrier_id(%barrier3A)
    %scan3A = arith.constant 0 : i32
    %scan3A_5 = arith.constant 0 : i32
    %scan3A_6 = arith.constant 79 : i32
    %scan3A_7 = arith.addi %scan3A_5, %scan3A_6 : i32
    %scan3A_8 = arith.constant 1 : i32
    %scan3A_9 = scf.for %scan3A_16 = %scan3A_5 to %scan3A_7 step %scan3A_8 iter_args(%scan3A_17 = %scan3A) -> (i32)  : i32 {
      "tpu.region"() ({
        %run_scoped3A = tpu.sem_alloc : memref<!tpu.dma_semaphore, #tpu.memory_space<semaphore_mem>>
        %dma_start3A = arith.constant 0 : i32
        %dma_start3A_19 = tpu.memref_slice %arg6[%scan3A_16, %dma_start3A] : memref<79x128xi32, #tpu.memory_space<vmem>> -> memref<1x128xi32, #tpu.memory_space<vmem>>
        %dma_start3A_20 = tpu.memref_squeeze %dma_start3A_19 : memref<1x128xi32, #tpu.memory_space<vmem>> -> memref<128xi32, #tpu.memory_space<vmem>>
        %dma_start3A_21 = arith.constant 0 : i32
        %dma_start3A_22 = arith.constant 0 : i32
        %dma_start3A_23 = tpu.memref_slice %arg8[%dma_start3A_21, %dma_start3A_22] : memref<10112x128xf32, #tpu.memory_space<vmem_shared>> -> memref<10112x128xf32, #tpu.memory_space<vmem_shared>>
        tpu.enqueue_indirect_dma source(%arg7 : memref<128x128xf32, #tpu.memory_space<vmem>>) target(%dma_start3A_23 : memref<10112x128xf32, #tpu.memory_space<vmem_shared>>) offsets(%dma_start3A_20 : memref<128xi32, #tpu.memory_space<vmem>>) semaphore(%run_scoped3A : memref<!tpu.dma_semaphore, #tpu.memory_space<semaphore_mem>>) {add = true}
        %dma_wait3A = arith.constant 0 : i32
        %dma_wait3A_24 = tpu.memref_slice %arg6[%scan3A_16, %dma_wait3A] : memref<79x128xi32, #tpu.memory_space<vmem>> -> memref<1x128xi32, #tpu.memory_space<vmem>>
        %dma_wait3A_25 = tpu.memref_squeeze %dma_wait3A_24 : memref<1x128xi32, #tpu.memory_space<vmem>> -> memref<128xi32, #tpu.memory_space<vmem>>
        %dma_wait3A_26 = arith.constant 0 : i32
        %dma_wait3A_27 = arith.constant 0 : i32
        %dma_wait3A_28 = tpu.memref_slice %arg8[%dma_wait3A_26, %dma_wait3A_27] : memref<10112x128xf32, #tpu.memory_space<vmem_shared>> -> memref<10112x128xf32, #tpu.memory_space<vmem_shared>>
        tpu.wait_indirect_dma semaphore(%run_scoped3A : memref<!tpu.dma_semaphore, #tpu.memory_space<semaphore_mem>>) src(%arg7 : memref<128x128xf32, #tpu.memory_space<vmem>>) dst(%dma_wait3A_28 : memref<10112x128xf32, #tpu.memory_space<vmem_shared>>)
        tpu.yield
      }) : () -> ()
      %scan3A_18 = arith.constant 0 : i32
      scf.yield %scan3A_18 : i32
    }
    %scan3A_10 = arith.constant 79 : i32
    %barrier3A_11 = arith.constant 0 : index
    tpu.barrier barrier_id(%barrier3A_11)
    %mul3A_12 = arith.constant 632 : i32
    %mul3A_13 = arith.muli %arg1, %mul3A_12 : i32
    %mul3A_14 = arith.constant 632 : i32
    %mul3A_15 = arith.muli %arg1, %mul3A_14 : i32
    "tpu.region"() ({
      %run_scoped3A = tpu.sem_alloc : memref<!tpu.dma_semaphore, #tpu.memory_space<semaphore_mem>>
      %dma_start3A = arith.constant 0 : i32
      %dma_start3A_16 = tpu.memref_slice %arg5[%arg0, %mul3A_15, %dma_start3A] : memref<2x10112x128xf32, #tpu.memory_space<hbm>> -> memref<1x632x128xf32, #tpu.memory_space<hbm>>
      %dma_start3A_17 = tpu.memref_squeeze %dma_start3A_16 : memref<1x632x128xf32, #tpu.memory_space<hbm>> -> memref<632x128xf32, #tpu.memory_space<hbm>>
      %dma_start3A_18 = arith.constant 0 : i32
      %dma_start3A_19 = tpu.memref_slice %arg8[%mul3A_13, %dma_start3A_18] : memref<10112x128xf32, #tpu.memory_space<vmem_shared>> -> memref<632x128xf32, #tpu.memory_space<vmem_shared>>
      tpu.enqueue_dma source(%dma_start3A_19 : memref<632x128xf32, #tpu.memory_space<vmem_shared>>) target(%dma_start3A_17 : memref<632x128xf32, #tpu.memory_space<hbm>>) target_semaphore(%run_scoped3A : memref<!tpu.dma_semaphore, #tpu.memory_space<semaphore_mem>>)
      %dma_wait3A = arith.constant 0 : i32
      %dma_wait3A_20 = tpu.memref_slice %arg5[%arg0, %mul3A_15, %dma_wait3A] : memref<2x10112x128xf32, #tpu.memory_space<hbm>> -> memref<1x632x128xf32, #tpu.memory_space<hbm>>
      %dma_wait3A_21 = tpu.memref_squeeze %dma_wait3A_20 : memref<1x632x128xf32, #tpu.memory_space<hbm>> -> memref<632x128xf32, #tpu.memory_space<hbm>>
      %dma_wait3A_22 = arith.constant 0 : i32
      %dma_wait3A_23 = tpu.memref_slice %arg8[%mul3A_13, %dma_wait3A_22] : memref<10112x128xf32, #tpu.memory_space<vmem_shared>> -> memref<632x128xf32, #tpu.memory_space<vmem_shared>>
      tpu.wait_dma2 semaphore(%run_scoped3A : memref<!tpu.dma_semaphore, #tpu.memory_space<semaphore_mem>>) src(%dma_wait3A_23 : memref<632x128xf32, #tpu.memory_space<vmem_shared>>) dst(%dma_wait3A_21 : memref<632x128xf32, #tpu.memory_space<hbm>>)
      tpu.yield
    }) : () -> ()
    return
  }
}

#map = affine_map<(d0, d1) -> (0, 0)>
#map1 = affine_map<(d0, d1) -> (0)>
#map2 = affine_map<(d0, d1) -> (0, 0, 0)>
module attributes {stable_mosaic.version = 14 : i64} {
  func.func @_agg_body(%arg0: i32, %arg1: i32, %arg2: memref<10000x128xf32, #tpu.memory_space<hbm>>, %arg3: memref<323584xi32, #tpu.memory_space<hbm>>, %arg4: memref<32x79x128xi32, #tpu.memory_space<hbm>>, %arg5: memref<10112x128xf32, #tpu.memory_space<hbm>>, %arg6: memref<2x10112x128xf32, #tpu.memory_space<hbm>>, %arg7: memref<10112xi32, #tpu.memory_space<vmem>>, %arg8: memref<79x128xi32, #tpu.memory_space<vmem>>, %arg9: memref<128x128xf32, #tpu.memory_space<vmem>>, %arg10: memref<10112x128xf32, #tpu.memory_space<vmem_shared>>, %arg11: memref<!tpu.dma_semaphore, #tpu.memory_space<semaphore_mem>>) attributes {dimension_semantics = [#tpu.dimension_semantics<core_parallel>, #tpu.dimension_semantics<subcore_parallel>], iteration_bounds = array<i64: 2, 16>, scalar_prefetch = 0 : i64, scratch_operands = 5 : i64, tpu.core_type = #tpu.core_type<sc_vector_subcore>, window_params = [{transform_indices = #map}, {transform_indices = #map1}, {transform_indices = #map2}, {transform_indices = #map}, {transform_indices = #map2}]} {
    %mul3A = arith.constant 16 : i32
    %mul3A_0 = arith.muli %arg0, %mul3A : i32
    %add3A = arith.addi %mul3A_0, %arg1 : i32
    %mul3A_1 = arith.constant 632 : i32
    %mul3A_2 = arith.muli %arg1, %mul3A_1 : i32
    %mul3A_3 = arith.constant 632 : i32
    %mul3A_4 = arith.muli %arg1, %mul3A_3 : i32
    "tpu.region"() ({
      %run_scoped3A = tpu.sem_alloc : memref<!tpu.dma_semaphore, #tpu.memory_space<semaphore_mem>>
      %dma_start3A = arith.constant 0 : i32
      %dma_start3A_18 = tpu.memref_slice %arg10[%mul3A_4, %dma_start3A] : memref<10112x128xf32, #tpu.memory_space<vmem_shared>> -> memref<632x128xf32, #tpu.memory_space<vmem_shared>>
      %dma_start3A_19 = arith.constant 0 : i32
      %dma_start3A_20 = tpu.memref_slice %arg5[%mul3A_2, %dma_start3A_19] : memref<10112x128xf32, #tpu.memory_space<hbm>> -> memref<632x128xf32, #tpu.memory_space<hbm>>
      tpu.enqueue_dma source(%dma_start3A_20 : memref<632x128xf32, #tpu.memory_space<hbm>>) target(%dma_start3A_18 : memref<632x128xf32, #tpu.memory_space<vmem_shared>>) target_semaphore(%run_scoped3A : memref<!tpu.dma_semaphore, #tpu.memory_space<semaphore_mem>>)
      %dma_wait3A = arith.constant 0 : i32
      %dma_wait3A_21 = tpu.memref_slice %arg10[%mul3A_4, %dma_wait3A] : memref<10112x128xf32, #tpu.memory_space<vmem_shared>> -> memref<632x128xf32, #tpu.memory_space<vmem_shared>>
      %dma_wait3A_22 = arith.constant 0 : i32
      %dma_wait3A_23 = tpu.memref_slice %arg5[%mul3A_2, %dma_wait3A_22] : memref<10112x128xf32, #tpu.memory_space<hbm>> -> memref<632x128xf32, #tpu.memory_space<hbm>>
      tpu.wait_dma2 semaphore(%run_scoped3A : memref<!tpu.dma_semaphore, #tpu.memory_space<semaphore_mem>>) src(%dma_wait3A_23 : memref<632x128xf32, #tpu.memory_space<hbm>>) dst(%dma_wait3A_21 : memref<632x128xf32, #tpu.memory_space<vmem_shared>>)
      tpu.yield
    }) : () -> ()
    %mul3A_5 = arith.constant 10112 : i32
    %mul3A_6 = arith.muli %add3A, %mul3A_5 : i32
    "tpu.region"() ({
      %run_scoped3A = tpu.sem_alloc : memref<!tpu.dma_semaphore, #tpu.memory_space<semaphore_mem>>
      %dma_start3A = tpu.memref_slice %arg3[%mul3A_6] : memref<323584xi32, #tpu.memory_space<hbm>> -> memref<10112xi32, #tpu.memory_space<hbm>>
      %dma_start3A_18 = tpu.memref_slice %arg3[%mul3A_6] : memref<323584xi32, #tpu.memory_space<hbm>> -> memref<10112xi32, #tpu.memory_space<hbm>>
      tpu.enqueue_dma source(%dma_start3A_18 : memref<10112xi32, #tpu.memory_space<hbm>>) target(%arg7 : memref<10112xi32, #tpu.memory_space<vmem>>) target_semaphore(%run_scoped3A : memref<!tpu.dma_semaphore, #tpu.memory_space<semaphore_mem>>)
      %dma_wait3A = tpu.memref_slice %arg3[%mul3A_6] : memref<323584xi32, #tpu.memory_space<hbm>> -> memref<10112xi32, #tpu.memory_space<hbm>>
      %dma_wait3A_19 = tpu.memref_slice %arg3[%mul3A_6] : memref<323584xi32, #tpu.memory_space<hbm>> -> memref<10112xi32, #tpu.memory_space<hbm>>
      tpu.wait_dma2 semaphore(%run_scoped3A : memref<!tpu.dma_semaphore, #tpu.memory_space<semaphore_mem>>) src(%dma_wait3A_19 : memref<10112xi32, #tpu.memory_space<hbm>>) dst(%arg7 : memref<10112xi32, #tpu.memory_space<vmem>>)
      tpu.yield
    }) : () -> ()
    "tpu.region"() ({
      %run_scoped3A = tpu.sem_alloc : memref<!tpu.dma_semaphore, #tpu.memory_space<semaphore_mem>>
      %dma_start3A = arith.constant 0 : i32
      %dma_start3A_18 = arith.constant 0 : i32
      %dma_start3A_19 = tpu.memref_slice %arg4[%add3A, %dma_start3A, %dma_start3A_18] : memref<32x79x128xi32, #tpu.memory_space<hbm>> -> memref<1x79x128xi32, #tpu.memory_space<hbm>>
      %dma_start3A_20 = tpu.memref_squeeze %dma_start3A_19 : memref<1x79x128xi32, #tpu.memory_space<hbm>> -> memref<79x128xi32, #tpu.memory_space<hbm>>
      %dma_start3A_21 = arith.constant 0 : i32
      %dma_start3A_22 = arith.constant 0 : i32
      %dma_start3A_23 = tpu.memref_slice %arg4[%add3A, %dma_start3A_21, %dma_start3A_22] : memref<32x79x128xi32, #tpu.memory_space<hbm>> -> memref<1x79x128xi32, #tpu.memory_space<hbm>>
      %dma_start3A_24 = tpu.memref_squeeze %dma_start3A_23 : memref<1x79x128xi32, #tpu.memory_space<hbm>> -> memref<79x128xi32, #tpu.memory_space<hbm>>
      tpu.enqueue_dma source(%dma_start3A_24 : memref<79x128xi32, #tpu.memory_space<hbm>>) target(%arg8 : memref<79x128xi32, #tpu.memory_space<vmem>>) target_semaphore(%run_scoped3A : memref<!tpu.dma_semaphore, #tpu.memory_space<semaphore_mem>>)
      %dma_wait3A = arith.constant 0 : i32
      %dma_wait3A_25 = arith.constant 0 : i32
      %dma_wait3A_26 = tpu.memref_slice %arg4[%add3A, %dma_wait3A, %dma_wait3A_25] : memref<32x79x128xi32, #tpu.memory_space<hbm>> -> memref<1x79x128xi32, #tpu.memory_space<hbm>>
      %dma_wait3A_27 = tpu.memref_squeeze %dma_wait3A_26 : memref<1x79x128xi32, #tpu.memory_space<hbm>> -> memref<79x128xi32, #tpu.memory_space<hbm>>
      %dma_wait3A_28 = arith.constant 0 : i32
      %dma_wait3A_29 = arith.constant 0 : i32
      %dma_wait3A_30 = tpu.memref_slice %arg4[%add3A, %dma_wait3A_28, %dma_wait3A_29] : memref<32x79x128xi32, #tpu.memory_space<hbm>> -> memref<1x79x128xi32, #tpu.memory_space<hbm>>
      %dma_wait3A_31 = tpu.memref_squeeze %dma_wait3A_30 : memref<1x79x128xi32, #tpu.memory_space<hbm>> -> memref<79x128xi32, #tpu.memory_space<hbm>>
      tpu.wait_dma2 semaphore(%run_scoped3A : memref<!tpu.dma_semaphore, #tpu.memory_space<semaphore_mem>>) src(%dma_wait3A_31 : memref<79x128xi32, #tpu.memory_space<hbm>>) dst(%arg8 : memref<79x128xi32, #tpu.memory_space<vmem>>)
      tpu.yield
    }) : () -> ()
    %barrier3A = arith.constant 0 : index
    tpu.barrier barrier_id(%barrier3A)
    %scan3A = arith.constant 0 : i32
    %scan3A_7 = arith.constant 0 : i32
    %scan3A_8 = arith.constant 79 : i32
    %scan3A_9 = arith.addi %scan3A_7, %scan3A_8 : i32
    %scan3A_10 = arith.constant 1 : i32
    %scan3A_11 = scf.for %scan3A_18 = %scan3A_7 to %scan3A_9 step %scan3A_10 iter_args(%scan3A_19 = %scan3A) -> (i32)  : i32 {
      %mul3A_20 = arith.constant 128 : i32
      %mul3A_21 = arith.muli %scan3A_18, %mul3A_20 : i32
      %dma_start3A = tpu.memref_slice %arg7[%mul3A_21] : memref<10112xi32, #tpu.memory_space<vmem>> -> memref<128xi32, #tpu.memory_space<vmem>>
      %dma_start3A_22 = arith.constant 0 : i32
      %dma_start3A_23 = arith.constant 0 : i32
      %dma_start3A_24 = tpu.memref_slice %arg2[%dma_start3A_22, %dma_start3A_23] : memref<10000x128xf32, #tpu.memory_space<hbm>> -> memref<10000x128xf32, #tpu.memory_space<hbm>>
      tpu.enqueue_indirect_dma source(%dma_start3A_24 : memref<10000x128xf32, #tpu.memory_space<hbm>>) target(%arg9 : memref<128x128xf32, #tpu.memory_space<vmem>>) offsets(%dma_start3A : memref<128xi32, #tpu.memory_space<vmem>>) semaphore(%arg11 : memref<!tpu.dma_semaphore, #tpu.memory_space<semaphore_mem>>)
      %dma_wait3A = tpu.memref_slice %arg7[%mul3A_21] : memref<10112xi32, #tpu.memory_space<vmem>> -> memref<128xi32, #tpu.memory_space<vmem>>
      %dma_wait3A_25 = arith.constant 0 : i32
      %dma_wait3A_26 = arith.constant 0 : i32
      %dma_wait3A_27 = tpu.memref_slice %arg2[%dma_wait3A_25, %dma_wait3A_26] : memref<10000x128xf32, #tpu.memory_space<hbm>> -> memref<10000x128xf32, #tpu.memory_space<hbm>>
      tpu.wait_indirect_dma semaphore(%arg11 : memref<!tpu.dma_semaphore, #tpu.memory_space<semaphore_mem>>) src(%dma_wait3A_27 : memref<10000x128xf32, #tpu.memory_space<hbm>>) dst(%arg9 : memref<128x128xf32, #tpu.memory_space<vmem>>)
      "tpu.region"() ({
        %run_scoped3A = tpu.sem_alloc : memref<!tpu.dma_semaphore, #tpu.memory_space<semaphore_mem>>
        %dma_start3A_29 = arith.constant 0 : i32
        %dma_start3A_30 = tpu.memref_slice %arg8[%scan3A_18, %dma_start3A_29] : memref<79x128xi32, #tpu.memory_space<vmem>> -> memref<1x128xi32, #tpu.memory_space<vmem>>
        %dma_start3A_31 = tpu.memref_squeeze %dma_start3A_30 : memref<1x128xi32, #tpu.memory_space<vmem>> -> memref<128xi32, #tpu.memory_space<vmem>>
        %dma_start3A_32 = arith.constant 0 : i32
        %dma_start3A_33 = arith.constant 0 : i32
        %dma_start3A_34 = tpu.memref_slice %arg10[%dma_start3A_32, %dma_start3A_33] : memref<10112x128xf32, #tpu.memory_space<vmem_shared>> -> memref<10112x128xf32, #tpu.memory_space<vmem_shared>>
        tpu.enqueue_indirect_dma source(%arg9 : memref<128x128xf32, #tpu.memory_space<vmem>>) target(%dma_start3A_34 : memref<10112x128xf32, #tpu.memory_space<vmem_shared>>) offsets(%dma_start3A_31 : memref<128xi32, #tpu.memory_space<vmem>>) semaphore(%run_scoped3A : memref<!tpu.dma_semaphore, #tpu.memory_space<semaphore_mem>>) {add = true}
        %dma_wait3A_35 = arith.constant 0 : i32
        %dma_wait3A_36 = tpu.memref_slice %arg8[%scan3A_18, %dma_wait3A_35] : memref<79x128xi32, #tpu.memory_space<vmem>> -> memref<1x128xi32, #tpu.memory_space<vmem>>
        %dma_wait3A_37 = tpu.memref_squeeze %dma_wait3A_36 : memref<1x128xi32, #tpu.memory_space<vmem>> -> memref<128xi32, #tpu.memory_space<vmem>>
        %dma_wait3A_38 = arith.constant 0 : i32
        %dma_wait3A_39 = arith.constant 0 : i32
        %dma_wait3A_40 = tpu.memref_slice %arg10[%dma_wait3A_38, %dma_wait3A_39] : memref<10112x128xf32, #tpu.memory_space<vmem_shared>> -> memref<10112x128xf32, #tpu.memory_space<vmem_shared>>
        tpu.wait_indirect_dma semaphore(%run_scoped3A : memref<!tpu.dma_semaphore, #tpu.memory_space<semaphore_mem>>) src(%arg9 : memref<128x128xf32, #tpu.memory_space<vmem>>) dst(%dma_wait3A_40 : memref<10112x128xf32, #tpu.memory_space<vmem_shared>>)
        tpu.yield
      }) : () -> ()
      %scan3A_28 = arith.constant 0 : i32
      scf.yield %scan3A_28 : i32
    }
    %scan3A_12 = arith.constant 79 : i32
    %barrier3A_13 = arith.constant 0 : index
    tpu.barrier barrier_id(%barrier3A_13)
    %mul3A_14 = arith.constant 632 : i32
    %mul3A_15 = arith.muli %arg1, %mul3A_14 : i32
    %mul3A_16 = arith.constant 632 : i32
    %mul3A_17 = arith.muli %arg1, %mul3A_16 : i32
    "tpu.region"() ({
      %run_scoped3A = tpu.sem_alloc : memref<!tpu.dma_semaphore, #tpu.memory_space<semaphore_mem>>
      %dma_start3A = arith.constant 0 : i32
      %dma_start3A_18 = tpu.memref_slice %arg6[%arg0, %mul3A_17, %dma_start3A] : memref<2x10112x128xf32, #tpu.memory_space<hbm>> -> memref<1x632x128xf32, #tpu.memory_space<hbm>>
      %dma_start3A_19 = tpu.memref_squeeze %dma_start3A_18 : memref<1x632x128xf32, #tpu.memory_space<hbm>> -> memref<632x128xf32, #tpu.memory_space<hbm>>
      %dma_start3A_20 = arith.constant 0 : i32
      %dma_start3A_21 = tpu.memref_slice %arg10[%mul3A_15, %dma_start3A_20] : memref<10112x128xf32, #tpu.memory_space<vmem_shared>> -> memref<632x128xf32, #tpu.memory_space<vmem_shared>>
      tpu.enqueue_dma source(%dma_start3A_21 : memref<632x128xf32, #tpu.memory_space<vmem_shared>>) target(%dma_start3A_19 : memref<632x128xf32, #tpu.memory_space<hbm>>) target_semaphore(%run_scoped3A : memref<!tpu.dma_semaphore, #tpu.memory_space<semaphore_mem>>)
      %dma_wait3A = arith.constant 0 : i32
      %dma_wait3A_22 = tpu.memref_slice %arg6[%arg0, %mul3A_17, %dma_wait3A] : memref<2x10112x128xf32, #tpu.memory_space<hbm>> -> memref<1x632x128xf32, #tpu.memory_space<hbm>>
      %dma_wait3A_23 = tpu.memref_squeeze %dma_wait3A_22 : memref<1x632x128xf32, #tpu.memory_space<hbm>> -> memref<632x128xf32, #tpu.memory_space<hbm>>
      %dma_wait3A_24 = arith.constant 0 : i32
      %dma_wait3A_25 = tpu.memref_slice %arg10[%mul3A_15, %dma_wait3A_24] : memref<10112x128xf32, #tpu.memory_space<vmem_shared>> -> memref<632x128xf32, #tpu.memory_space<vmem_shared>>
      tpu.wait_dma2 semaphore(%run_scoped3A : memref<!tpu.dma_semaphore, #tpu.memory_space<semaphore_mem>>) src(%dma_wait3A_25 : memref<632x128xf32, #tpu.memory_space<vmem_shared>>) dst(%dma_wait3A_23 : memref<632x128xf32, #tpu.memory_space<hbm>>)
      tpu.yield
    }) : () -> ()
    return
  }
}

#map = affine_map<(d0, d1) -> (0, 0)>
#map1 = affine_map<(d0, d1) -> (0)>
#map2 = affine_map<(d0, d1) -> (0, 0, 0)>
module attributes {stable_mosaic.version = 14 : i64} {
  func.func @_agg_body(%arg0: i32, %arg1: i32, %arg2: memref<10000x128xf32, #tpu.memory_space<hbm>>, %arg3: memref<323584xi32, #tpu.memory_space<hbm>>, %arg4: memref<32x79x128xi32, #tpu.memory_space<hbm>>, %arg5: memref<10112x128xf32, #tpu.memory_space<hbm>>, %arg6: memref<2x10112x128xf32, #tpu.memory_space<hbm>>, %arg7: memref<10112xi32, #tpu.memory_space<vmem>>, %arg8: memref<79x128xi32, #tpu.memory_space<vmem>>, %arg9: memref<128x128xf32, #tpu.memory_space<vmem>>, %arg10: memref<10112x128xf32, #tpu.memory_space<vmem_shared>>, %arg11: memref<!tpu.dma_semaphore, #tpu.memory_space<semaphore_mem>>) attributes {dimension_semantics = [#tpu.dimension_semantics<core_parallel>, #tpu.dimension_semantics<subcore_parallel>], iteration_bounds = array<i64: 2, 16>, scalar_prefetch = 0 : i64, scratch_operands = 5 : i64, tpu.core_type = #tpu.core_type<sc_vector_subcore>, window_params = [{transform_indices = #map}, {transform_indices = #map1}, {transform_indices = #map2}, {transform_indices = #map}, {transform_indices = #map2}]} {
    %mul3A = arith.constant 16 : i32
    %mul3A_0 = arith.muli %arg0, %mul3A : i32
    %add3A = arith.addi %mul3A_0, %arg1 : i32
    %mul3A_1 = arith.constant 632 : i32
    %mul3A_2 = arith.muli %arg1, %mul3A_1 : i32
    %mul3A_3 = arith.constant 632 : i32
    %mul3A_4 = arith.muli %arg1, %mul3A_3 : i32
    "tpu.region"() ({
      %run_scoped3A = tpu.sem_alloc : memref<!tpu.dma_semaphore, #tpu.memory_space<semaphore_mem>>
      %dma_start3A = arith.constant 0 : i32
      %dma_start3A_18 = tpu.memref_slice %arg10[%mul3A_4, %dma_start3A] : memref<10112x128xf32, #tpu.memory_space<vmem_shared>> -> memref<632x128xf32, #tpu.memory_space<vmem_shared>>
      %dma_start3A_19 = arith.constant 0 : i32
      %dma_start3A_20 = tpu.memref_slice %arg5[%mul3A_2, %dma_start3A_19] : memref<10112x128xf32, #tpu.memory_space<hbm>> -> memref<632x128xf32, #tpu.memory_space<hbm>>
      tpu.enqueue_dma source(%dma_start3A_20 : memref<632x128xf32, #tpu.memory_space<hbm>>) target(%dma_start3A_18 : memref<632x128xf32, #tpu.memory_space<vmem_shared>>) target_semaphore(%run_scoped3A : memref<!tpu.dma_semaphore, #tpu.memory_space<semaphore_mem>>)
      %dma_wait3A = arith.constant 0 : i32
      %dma_wait3A_21 = tpu.memref_slice %arg10[%mul3A_4, %dma_wait3A] : memref<10112x128xf32, #tpu.memory_space<vmem_shared>> -> memref<632x128xf32, #tpu.memory_space<vmem_shared>>
      %dma_wait3A_22 = arith.constant 0 : i32
      %dma_wait3A_23 = tpu.memref_slice %arg5[%mul3A_2, %dma_wait3A_22] : memref<10112x128xf32, #tpu.memory_space<hbm>> -> memref<632x128xf32, #tpu.memory_space<hbm>>
      tpu.wait_dma2 semaphore(%run_scoped3A : memref<!tpu.dma_semaphore, #tpu.memory_space<semaphore_mem>>) src(%dma_wait3A_23 : memref<632x128xf32, #tpu.memory_space<hbm>>) dst(%dma_wait3A_21 : memref<632x128xf32, #tpu.memory_space<vmem_shared>>)
      tpu.yield
    }) : () -> ()
    %mul3A_5 = arith.constant 10112 : i32
    %mul3A_6 = arith.muli %add3A, %mul3A_5 : i32
    "tpu.region"() ({
      %run_scoped3A = tpu.sem_alloc : memref<!tpu.dma_semaphore, #tpu.memory_space<semaphore_mem>>
      %dma_start3A = tpu.memref_slice %arg3[%mul3A_6] : memref<323584xi32, #tpu.memory_space<hbm>> -> memref<10112xi32, #tpu.memory_space<hbm>>
      %dma_start3A_18 = tpu.memref_slice %arg3[%mul3A_6] : memref<323584xi32, #tpu.memory_space<hbm>> -> memref<10112xi32, #tpu.memory_space<hbm>>
      tpu.enqueue_dma source(%dma_start3A_18 : memref<10112xi32, #tpu.memory_space<hbm>>) target(%arg7 : memref<10112xi32, #tpu.memory_space<vmem>>) target_semaphore(%run_scoped3A : memref<!tpu.dma_semaphore, #tpu.memory_space<semaphore_mem>>)
      %dma_wait3A = tpu.memref_slice %arg3[%mul3A_6] : memref<323584xi32, #tpu.memory_space<hbm>> -> memref<10112xi32, #tpu.memory_space<hbm>>
      %dma_wait3A_19 = tpu.memref_slice %arg3[%mul3A_6] : memref<323584xi32, #tpu.memory_space<hbm>> -> memref<10112xi32, #tpu.memory_space<hbm>>
      tpu.wait_dma2 semaphore(%run_scoped3A : memref<!tpu.dma_semaphore, #tpu.memory_space<semaphore_mem>>) src(%dma_wait3A_19 : memref<10112xi32, #tpu.memory_space<hbm>>) dst(%arg7 : memref<10112xi32, #tpu.memory_space<vmem>>)
      tpu.yield
    }) : () -> ()
    "tpu.region"() ({
      %run_scoped3A = tpu.sem_alloc : memref<!tpu.dma_semaphore, #tpu.memory_space<semaphore_mem>>
      %dma_start3A = arith.constant 0 : i32
      %dma_start3A_18 = arith.constant 0 : i32
      %dma_start3A_19 = tpu.memref_slice %arg4[%add3A, %dma_start3A, %dma_start3A_18] : memref<32x79x128xi32, #tpu.memory_space<hbm>> -> memref<1x79x128xi32, #tpu.memory_space<hbm>>
      %dma_start3A_20 = tpu.memref_squeeze %dma_start3A_19 : memref<1x79x128xi32, #tpu.memory_space<hbm>> -> memref<79x128xi32, #tpu.memory_space<hbm>>
      %dma_start3A_21 = arith.constant 0 : i32
      %dma_start3A_22 = arith.constant 0 : i32
      %dma_start3A_23 = tpu.memref_slice %arg4[%add3A, %dma_start3A_21, %dma_start3A_22] : memref<32x79x128xi32, #tpu.memory_space<hbm>> -> memref<1x79x128xi32, #tpu.memory_space<hbm>>
      %dma_start3A_24 = tpu.memref_squeeze %dma_start3A_23 : memref<1x79x128xi32, #tpu.memory_space<hbm>> -> memref<79x128xi32, #tpu.memory_space<hbm>>
      tpu.enqueue_dma source(%dma_start3A_24 : memref<79x128xi32, #tpu.memory_space<hbm>>) target(%arg8 : memref<79x128xi32, #tpu.memory_space<vmem>>) target_semaphore(%run_scoped3A : memref<!tpu.dma_semaphore, #tpu.memory_space<semaphore_mem>>)
      %dma_wait3A = arith.constant 0 : i32
      %dma_wait3A_25 = arith.constant 0 : i32
      %dma_wait3A_26 = tpu.memref_slice %arg4[%add3A, %dma_wait3A, %dma_wait3A_25] : memref<32x79x128xi32, #tpu.memory_space<hbm>> -> memref<1x79x128xi32, #tpu.memory_space<hbm>>
      %dma_wait3A_27 = tpu.memref_squeeze %dma_wait3A_26 : memref<1x79x128xi32, #tpu.memory_space<hbm>> -> memref<79x128xi32, #tpu.memory_space<hbm>>
      %dma_wait3A_28 = arith.constant 0 : i32
      %dma_wait3A_29 = arith.constant 0 : i32
      %dma_wait3A_30 = tpu.memref_slice %arg4[%add3A, %dma_wait3A_28, %dma_wait3A_29] : memref<32x79x128xi32, #tpu.memory_space<hbm>> -> memref<1x79x128xi32, #tpu.memory_space<hbm>>
      %dma_wait3A_31 = tpu.memref_squeeze %dma_wait3A_30 : memref<1x79x128xi32, #tpu.memory_space<hbm>> -> memref<79x128xi32, #tpu.memory_space<hbm>>
      tpu.wait_dma2 semaphore(%run_scoped3A : memref<!tpu.dma_semaphore, #tpu.memory_space<semaphore_mem>>) src(%dma_wait3A_31 : memref<79x128xi32, #tpu.memory_space<hbm>>) dst(%arg8 : memref<79x128xi32, #tpu.memory_space<vmem>>)
      tpu.yield
    }) : () -> ()
    %barrier3A = arith.constant 0 : index
    tpu.barrier barrier_id(%barrier3A)
    %scan3A = arith.constant 0 : i32
    %scan3A_7 = arith.constant 0 : i32
    %scan3A_8 = arith.constant 79 : i32
    %scan3A_9 = arith.addi %scan3A_7, %scan3A_8 : i32
    %scan3A_10 = arith.constant 1 : i32
    %scan3A_11 = scf.for %scan3A_18 = %scan3A_7 to %scan3A_9 step %scan3A_10 iter_args(%scan3A_19 = %scan3A) -> (i32)  : i32 {
      %mul3A_20 = arith.constant 128 : i32
      %mul3A_21 = arith.muli %scan3A_18, %mul3A_20 : i32
      %dma_start3A = tpu.memref_slice %arg7[%mul3A_21] : memref<10112xi32, #tpu.memory_space<vmem>> -> memref<128xi32, #tpu.memory_space<vmem>>
      %dma_start3A_22 = arith.constant 0 : i32
      %dma_start3A_23 = arith.constant 0 : i32
      %dma_start3A_24 = tpu.memref_slice %arg2[%dma_start3A_22, %dma_start3A_23] : memref<10000x128xf32, #tpu.memory_space<hbm>> -> memref<10000x128xf32, #tpu.memory_space<hbm>>
      tpu.enqueue_indirect_dma source(%dma_start3A_24 : memref<10000x128xf32, #tpu.memory_space<hbm>>) target(%arg9 : memref<128x128xf32, #tpu.memory_space<vmem>>) offsets(%dma_start3A : memref<128xi32, #tpu.memory_space<vmem>>) semaphore(%arg11 : memref<!tpu.dma_semaphore, #tpu.memory_space<semaphore_mem>>)
      %dma_wait3A = tpu.memref_slice %arg7[%mul3A_21] : memref<10112xi32, #tpu.memory_space<vmem>> -> memref<128xi32, #tpu.memory_space<vmem>>
      %dma_wait3A_25 = arith.constant 0 : i32
      %dma_wait3A_26 = arith.constant 0 : i32
      %dma_wait3A_27 = tpu.memref_slice %arg2[%dma_wait3A_25, %dma_wait3A_26] : memref<10000x128xf32, #tpu.memory_space<hbm>> -> memref<10000x128xf32, #tpu.memory_space<hbm>>
      tpu.wait_indirect_dma semaphore(%arg11 : memref<!tpu.dma_semaphore, #tpu.memory_space<semaphore_mem>>) src(%dma_wait3A_27 : memref<10000x128xf32, #tpu.memory_space<hbm>>) dst(%arg9 : memref<128x128xf32, #tpu.memory_space<vmem>>)
      "tpu.region"() ({
        %run_scoped3A = tpu.sem_alloc : memref<!tpu.dma_semaphore, #tpu.memory_space<semaphore_mem>>
        %dma_start3A_29 = arith.constant 0 : i32
        %dma_start3A_30 = tpu.memref_slice %arg8[%scan3A_18, %dma_start3A_29] : memref<79x128xi32, #tpu.memory_space<vmem>> -> memref<1x128xi32, #tpu.memory_space<vmem>>
        %dma_start3A_31 = tpu.memref_squeeze %dma_start3A_30 : memref<1x128xi32, #tpu.memory_space<vmem>> -> memref<128xi32, #tpu.memory_space<vmem>>
        %dma_start3A_32 = arith.constant 0 : i32
        %dma_start3A_33 = arith.constant 0 : i32
        %dma_start3A_34 = tpu.memref_slice %arg10[%dma_start3A_32, %dma_start3A_33] : memref<10112x128xf32, #tpu.memory_space<vmem_shared>> -> memref<10112x128xf32, #tpu.memory_space<vmem_shared>>
        tpu.enqueue_indirect_dma source(%arg9 : memref<128x128xf32, #tpu.memory_space<vmem>>) target(%dma_start3A_34 : memref<10112x128xf32, #tpu.memory_space<vmem_shared>>) offsets(%dma_start3A_31 : memref<128xi32, #tpu.memory_space<vmem>>) semaphore(%run_scoped3A : memref<!tpu.dma_semaphore, #tpu.memory_space<semaphore_mem>>) {add = true}
        %dma_wait3A_35 = arith.constant 0 : i32
        %dma_wait3A_36 = tpu.memref_slice %arg8[%scan3A_18, %dma_wait3A_35] : memref<79x128xi32, #tpu.memory_space<vmem>> -> memref<1x128xi32, #tpu.memory_space<vmem>>
        %dma_wait3A_37 = tpu.memref_squeeze %dma_wait3A_36 : memref<1x128xi32, #tpu.memory_space<vmem>> -> memref<128xi32, #tpu.memory_space<vmem>>
        %dma_wait3A_38 = arith.constant 0 : i32
        %dma_wait3A_39 = arith.constant 0 : i32
        %dma_wait3A_40 = tpu.memref_slice %arg10[%dma_wait3A_38, %dma_wait3A_39] : memref<10112x128xf32, #tpu.memory_space<vmem_shared>> -> memref<10112x128xf32, #tpu.memory_space<vmem_shared>>
        tpu.wait_indirect_dma semaphore(%run_scoped3A : memref<!tpu.dma_semaphore, #tpu.memory_space<semaphore_mem>>) src(%arg9 : memref<128x128xf32, #tpu.memory_space<vmem>>) dst(%dma_wait3A_40 : memref<10112x128xf32, #tpu.memory_space<vmem_shared>>)
        tpu.yield
      }) : () -> ()
      %scan3A_28 = arith.constant 0 : i32
      scf.yield %scan3A_28 : i32
    }
    %scan3A_12 = arith.constant 79 : i32
    %barrier3A_13 = arith.constant 0 : index
    tpu.barrier barrier_id(%barrier3A_13)
    %mul3A_14 = arith.constant 632 : i32
    %mul3A_15 = arith.muli %arg1, %mul3A_14 : i32
    %mul3A_16 = arith.constant 632 : i32
    %mul3A_17 = arith.muli %arg1, %mul3A_16 : i32
    "tpu.region"() ({
      %run_scoped3A = tpu.sem_alloc : memref<!tpu.dma_semaphore, #tpu.memory_space<semaphore_mem>>
      %dma_start3A = arith.constant 0 : i32
      %dma_start3A_18 = tpu.memref_slice %arg6[%arg0, %mul3A_17, %dma_start3A] : memref<2x10112x128xf32, #tpu.memory_space<hbm>> -> memref<1x632x128xf32, #tpu.memory_space<hbm>>
      %dma_start3A_19 = tpu.memref_squeeze %dma_start3A_18 : memref<1x632x128xf32, #tpu.memory_space<hbm>> -> memref<632x128xf32, #tpu.memory_space<hbm>>
      %dma_start3A_20 = arith.constant 0 : i32
      %dma_start3A_21 = tpu.memref_slice %arg10[%mul3A_15, %dma_start3A_20] : memref<10112x128xf32, #tpu.memory_space<vmem_shared>> -> memref<632x128xf32, #tpu.memory_space<vmem_shared>>
      tpu.enqueue_dma source(%dma_start3A_21 : memref<632x128xf32, #tpu.memory_space<vmem_shared>>) target(%dma_start3A_19 : memref<632x128xf32, #tpu.memory_space<hbm>>) target_semaphore(%run_scoped3A : memref<!tpu.dma_semaphore, #tpu.memory_space<semaphore_mem>>)
      %dma_wait3A = arith.constant 0 : i32
      %dma_wait3A_22 = tpu.memref_slice %arg6[%arg0, %mul3A_17, %dma_wait3A] : memref<2x10112x128xf32, #tpu.memory_space<hbm>> -> memref<1x632x128xf32, #tpu.memory_space<hbm>>
      %dma_wait3A_23 = tpu.memref_squeeze %dma_wait3A_22 : memref<1x632x128xf32, #tpu.memory_space<hbm>> -> memref<632x128xf32, #tpu.memory_space<hbm>>
      %dma_wait3A_24 = arith.constant 0 : i32
      %dma_wait3A_25 = tpu.memref_slice %arg10[%mul3A_15, %dma_wait3A_24] : memref<10112x128xf32, #tpu.memory_space<vmem_shared>> -> memref<632x128xf32, #tpu.memory_space<vmem_shared>>
      tpu.wait_dma2 semaphore(%run_scoped3A : memref<!tpu.dma_semaphore, #tpu.memory_space<semaphore_mem>>) src(%dma_wait3A_25 : memref<632x128xf32, #tpu.memory_space<vmem_shared>>) dst(%dma_wait3A_23 : memref<632x128xf32, #tpu.memory_space<hbm>>)
      tpu.yield
    }) : () -> ()
    return
  }
}

#map = affine_map<(d0, d1) -> (0, 0)>
#map1 = affine_map<(d0, d1) -> (0)>
#map2 = affine_map<(d0, d1) -> (0, 0, 0)>
module attributes {stable_mosaic.version = 14 : i64} {
  func.func @_agg_body(%arg0: i32, %arg1: i32, %arg2: memref<10000x128xf32, #tpu.memory_space<hbm>>, %arg3: memref<323584xi32, #tpu.memory_space<hbm>>, %arg4: memref<32x79x128xi32, #tpu.memory_space<hbm>>, %arg5: memref<10112x128xf32, #tpu.memory_space<hbm>>, %arg6: memref<2x10112x128xf32, #tpu.memory_space<hbm>>, %arg7: memref<10112xi32, #tpu.memory_space<vmem>>, %arg8: memref<79x128xi32, #tpu.memory_space<vmem>>, %arg9: memref<128x128xf32, #tpu.memory_space<vmem>>, %arg10: memref<10112x128xf32, #tpu.memory_space<vmem_shared>>, %arg11: memref<!tpu.dma_semaphore, #tpu.memory_space<semaphore_mem>>) attributes {dimension_semantics = [#tpu.dimension_semantics<core_parallel>, #tpu.dimension_semantics<subcore_parallel>], iteration_bounds = array<i64: 2, 16>, scalar_prefetch = 0 : i64, scratch_operands = 5 : i64, tpu.core_type = #tpu.core_type<sc_vector_subcore>, window_params = [{transform_indices = #map}, {transform_indices = #map1}, {transform_indices = #map2}, {transform_indices = #map}, {transform_indices = #map2}]} {
    %mul3A = arith.constant 16 : i32
    %mul3A_0 = arith.muli %arg0, %mul3A : i32
    %add3A = arith.addi %mul3A_0, %arg1 : i32
    %mul3A_1 = arith.constant 632 : i32
    %mul3A_2 = arith.muli %arg1, %mul3A_1 : i32
    %mul3A_3 = arith.constant 632 : i32
    %mul3A_4 = arith.muli %arg1, %mul3A_3 : i32
    "tpu.region"() ({
      %run_scoped3A = tpu.sem_alloc : memref<!tpu.dma_semaphore, #tpu.memory_space<semaphore_mem>>
      %dma_start3A = arith.constant 0 : i32
      %dma_start3A_18 = tpu.memref_slice %arg10[%mul3A_4, %dma_start3A] : memref<10112x128xf32, #tpu.memory_space<vmem_shared>> -> memref<632x128xf32, #tpu.memory_space<vmem_shared>>
      %dma_start3A_19 = arith.constant 0 : i32
      %dma_start3A_20 = tpu.memref_slice %arg5[%mul3A_2, %dma_start3A_19] : memref<10112x128xf32, #tpu.memory_space<hbm>> -> memref<632x128xf32, #tpu.memory_space<hbm>>
      tpu.enqueue_dma source(%dma_start3A_20 : memref<632x128xf32, #tpu.memory_space<hbm>>) target(%dma_start3A_18 : memref<632x128xf32, #tpu.memory_space<vmem_shared>>) target_semaphore(%run_scoped3A : memref<!tpu.dma_semaphore, #tpu.memory_space<semaphore_mem>>)
      %dma_wait3A = arith.constant 0 : i32
      %dma_wait3A_21 = tpu.memref_slice %arg10[%mul3A_4, %dma_wait3A] : memref<10112x128xf32, #tpu.memory_space<vmem_shared>> -> memref<632x128xf32, #tpu.memory_space<vmem_shared>>
      %dma_wait3A_22 = arith.constant 0 : i32
      %dma_wait3A_23 = tpu.memref_slice %arg5[%mul3A_2, %dma_wait3A_22] : memref<10112x128xf32, #tpu.memory_space<hbm>> -> memref<632x128xf32, #tpu.memory_space<hbm>>
      tpu.wait_dma2 semaphore(%run_scoped3A : memref<!tpu.dma_semaphore, #tpu.memory_space<semaphore_mem>>) src(%dma_wait3A_23 : memref<632x128xf32, #tpu.memory_space<hbm>>) dst(%dma_wait3A_21 : memref<632x128xf32, #tpu.memory_space<vmem_shared>>)
      tpu.yield
    }) : () -> ()
    %mul3A_5 = arith.constant 10112 : i32
    %mul3A_6 = arith.muli %add3A, %mul3A_5 : i32
    "tpu.region"() ({
      %run_scoped3A = tpu.sem_alloc : memref<!tpu.dma_semaphore, #tpu.memory_space<semaphore_mem>>
      %dma_start3A = tpu.memref_slice %arg3[%mul3A_6] : memref<323584xi32, #tpu.memory_space<hbm>> -> memref<10112xi32, #tpu.memory_space<hbm>>
      %dma_start3A_18 = tpu.memref_slice %arg3[%mul3A_6] : memref<323584xi32, #tpu.memory_space<hbm>> -> memref<10112xi32, #tpu.memory_space<hbm>>
      tpu.enqueue_dma source(%dma_start3A_18 : memref<10112xi32, #tpu.memory_space<hbm>>) target(%arg7 : memref<10112xi32, #tpu.memory_space<vmem>>) target_semaphore(%run_scoped3A : memref<!tpu.dma_semaphore, #tpu.memory_space<semaphore_mem>>)
      %dma_wait3A = tpu.memref_slice %arg3[%mul3A_6] : memref<323584xi32, #tpu.memory_space<hbm>> -> memref<10112xi32, #tpu.memory_space<hbm>>
      %dma_wait3A_19 = tpu.memref_slice %arg3[%mul3A_6] : memref<323584xi32, #tpu.memory_space<hbm>> -> memref<10112xi32, #tpu.memory_space<hbm>>
      tpu.wait_dma2 semaphore(%run_scoped3A : memref<!tpu.dma_semaphore, #tpu.memory_space<semaphore_mem>>) src(%dma_wait3A_19 : memref<10112xi32, #tpu.memory_space<hbm>>) dst(%arg7 : memref<10112xi32, #tpu.memory_space<vmem>>)
      tpu.yield
    }) : () -> ()
    "tpu.region"() ({
      %run_scoped3A = tpu.sem_alloc : memref<!tpu.dma_semaphore, #tpu.memory_space<semaphore_mem>>
      %dma_start3A = arith.constant 0 : i32
      %dma_start3A_18 = arith.constant 0 : i32
      %dma_start3A_19 = tpu.memref_slice %arg4[%add3A, %dma_start3A, %dma_start3A_18] : memref<32x79x128xi32, #tpu.memory_space<hbm>> -> memref<1x79x128xi32, #tpu.memory_space<hbm>>
      %dma_start3A_20 = tpu.memref_squeeze %dma_start3A_19 : memref<1x79x128xi32, #tpu.memory_space<hbm>> -> memref<79x128xi32, #tpu.memory_space<hbm>>
      %dma_start3A_21 = arith.constant 0 : i32
      %dma_start3A_22 = arith.constant 0 : i32
      %dma_start3A_23 = tpu.memref_slice %arg4[%add3A, %dma_start3A_21, %dma_start3A_22] : memref<32x79x128xi32, #tpu.memory_space<hbm>> -> memref<1x79x128xi32, #tpu.memory_space<hbm>>
      %dma_start3A_24 = tpu.memref_squeeze %dma_start3A_23 : memref<1x79x128xi32, #tpu.memory_space<hbm>> -> memref<79x128xi32, #tpu.memory_space<hbm>>
      tpu.enqueue_dma source(%dma_start3A_24 : memref<79x128xi32, #tpu.memory_space<hbm>>) target(%arg8 : memref<79x128xi32, #tpu.memory_space<vmem>>) target_semaphore(%run_scoped3A : memref<!tpu.dma_semaphore, #tpu.memory_space<semaphore_mem>>)
      %dma_wait3A = arith.constant 0 : i32
      %dma_wait3A_25 = arith.constant 0 : i32
      %dma_wait3A_26 = tpu.memref_slice %arg4[%add3A, %dma_wait3A, %dma_wait3A_25] : memref<32x79x128xi32, #tpu.memory_space<hbm>> -> memref<1x79x128xi32, #tpu.memory_space<hbm>>
      %dma_wait3A_27 = tpu.memref_squeeze %dma_wait3A_26 : memref<1x79x128xi32, #tpu.memory_space<hbm>> -> memref<79x128xi32, #tpu.memory_space<hbm>>
      %dma_wait3A_28 = arith.constant 0 : i32
      %dma_wait3A_29 = arith.constant 0 : i32
      %dma_wait3A_30 = tpu.memref_slice %arg4[%add3A, %dma_wait3A_28, %dma_wait3A_29] : memref<32x79x128xi32, #tpu.memory_space<hbm>> -> memref<1x79x128xi32, #tpu.memory_space<hbm>>
      %dma_wait3A_31 = tpu.memref_squeeze %dma_wait3A_30 : memref<1x79x128xi32, #tpu.memory_space<hbm>> -> memref<79x128xi32, #tpu.memory_space<hbm>>
      tpu.wait_dma2 semaphore(%run_scoped3A : memref<!tpu.dma_semaphore, #tpu.memory_space<semaphore_mem>>) src(%dma_wait3A_31 : memref<79x128xi32, #tpu.memory_space<hbm>>) dst(%arg8 : memref<79x128xi32, #tpu.memory_space<vmem>>)
      tpu.yield
    }) : () -> ()
    %barrier3A = arith.constant 0 : index
    tpu.barrier barrier_id(%barrier3A)
    %scan3A = arith.constant 0 : i32
    %scan3A_7 = arith.constant 0 : i32
    %scan3A_8 = arith.constant 79 : i32
    %scan3A_9 = arith.addi %scan3A_7, %scan3A_8 : i32
    %scan3A_10 = arith.constant 1 : i32
    %scan3A_11 = scf.for %scan3A_18 = %scan3A_7 to %scan3A_9 step %scan3A_10 iter_args(%scan3A_19 = %scan3A) -> (i32)  : i32 {
      %mul3A_20 = arith.constant 128 : i32
      %mul3A_21 = arith.muli %scan3A_18, %mul3A_20 : i32
      %dma_start3A = tpu.memref_slice %arg7[%mul3A_21] : memref<10112xi32, #tpu.memory_space<vmem>> -> memref<128xi32, #tpu.memory_space<vmem>>
      %dma_start3A_22 = arith.constant 0 : i32
      %dma_start3A_23 = arith.constant 0 : i32
      %dma_start3A_24 = tpu.memref_slice %arg2[%dma_start3A_22, %dma_start3A_23] : memref<10000x128xf32, #tpu.memory_space<hbm>> -> memref<10000x128xf32, #tpu.memory_space<hbm>>
      tpu.enqueue_indirect_dma source(%dma_start3A_24 : memref<10000x128xf32, #tpu.memory_space<hbm>>) target(%arg9 : memref<128x128xf32, #tpu.memory_space<vmem>>) offsets(%dma_start3A : memref<128xi32, #tpu.memory_space<vmem>>) semaphore(%arg11 : memref<!tpu.dma_semaphore, #tpu.memory_space<semaphore_mem>>)
      %dma_wait3A = tpu.memref_slice %arg7[%mul3A_21] : memref<10112xi32, #tpu.memory_space<vmem>> -> memref<128xi32, #tpu.memory_space<vmem>>
      %dma_wait3A_25 = arith.constant 0 : i32
      %dma_wait3A_26 = arith.constant 0 : i32
      %dma_wait3A_27 = tpu.memref_slice %arg2[%dma_wait3A_25, %dma_wait3A_26] : memref<10000x128xf32, #tpu.memory_space<hbm>> -> memref<10000x128xf32, #tpu.memory_space<hbm>>
      tpu.wait_indirect_dma semaphore(%arg11 : memref<!tpu.dma_semaphore, #tpu.memory_space<semaphore_mem>>) src(%dma_wait3A_27 : memref<10000x128xf32, #tpu.memory_space<hbm>>) dst(%arg9 : memref<128x128xf32, #tpu.memory_space<vmem>>)
      "tpu.region"() ({
        %run_scoped3A = tpu.sem_alloc : memref<!tpu.dma_semaphore, #tpu.memory_space<semaphore_mem>>
        %dma_start3A_29 = arith.constant 0 : i32
        %dma_start3A_30 = tpu.memref_slice %arg8[%scan3A_18, %dma_start3A_29] : memref<79x128xi32, #tpu.memory_space<vmem>> -> memref<1x128xi32, #tpu.memory_space<vmem>>
        %dma_start3A_31 = tpu.memref_squeeze %dma_start3A_30 : memref<1x128xi32, #tpu.memory_space<vmem>> -> memref<128xi32, #tpu.memory_space<vmem>>
        %dma_start3A_32 = arith.constant 0 : i32
        %dma_start3A_33 = arith.constant 0 : i32
        %dma_start3A_34 = tpu.memref_slice %arg10[%dma_start3A_32, %dma_start3A_33] : memref<10112x128xf32, #tpu.memory_space<vmem_shared>> -> memref<10112x128xf32, #tpu.memory_space<vmem_shared>>
        tpu.enqueue_indirect_dma source(%arg9 : memref<128x128xf32, #tpu.memory_space<vmem>>) target(%dma_start3A_34 : memref<10112x128xf32, #tpu.memory_space<vmem_shared>>) offsets(%dma_start3A_31 : memref<128xi32, #tpu.memory_space<vmem>>) semaphore(%run_scoped3A : memref<!tpu.dma_semaphore, #tpu.memory_space<semaphore_mem>>) {add = true}
        %dma_wait3A_35 = arith.constant 0 : i32
        %dma_wait3A_36 = tpu.memref_slice %arg8[%scan3A_18, %dma_wait3A_35] : memref<79x128xi32, #tpu.memory_space<vmem>> -> memref<1x128xi32, #tpu.memory_space<vmem>>
        %dma_wait3A_37 = tpu.memref_squeeze %dma_wait3A_36 : memref<1x128xi32, #tpu.memory_space<vmem>> -> memref<128xi32, #tpu.memory_space<vmem>>
        %dma_wait3A_38 = arith.constant 0 : i32
        %dma_wait3A_39 = arith.constant 0 : i32
        %dma_wait3A_40 = tpu.memref_slice %arg10[%dma_wait3A_38, %dma_wait3A_39] : memref<10112x128xf32, #tpu.memory_space<vmem_shared>> -> memref<10112x128xf32, #tpu.memory_space<vmem_shared>>
        tpu.wait_indirect_dma semaphore(%run_scoped3A : memref<!tpu.dma_semaphore, #tpu.memory_space<semaphore_mem>>) src(%arg9 : memref<128x128xf32, #tpu.memory_space<vmem>>) dst(%dma_wait3A_40 : memref<10112x128xf32, #tpu.memory_space<vmem_shared>>)
        tpu.yield
      }) : () -> ()
      %scan3A_28 = arith.constant 0 : i32
      scf.yield %scan3A_28 : i32
    }
    %scan3A_12 = arith.constant 79 : i32
    %barrier3A_13 = arith.constant 0 : index
    tpu.barrier barrier_id(%barrier3A_13)
    %mul3A_14 = arith.constant 632 : i32
    %mul3A_15 = arith.muli %arg1, %mul3A_14 : i32
    %mul3A_16 = arith.constant 632 : i32
    %mul3A_17 = arith.muli %arg1, %mul3A_16 : i32
    "tpu.region"() ({
      %run_scoped3A = tpu.sem_alloc : memref<!tpu.dma_semaphore, #tpu.memory_space<semaphore_mem>>
      %dma_start3A = arith.constant 0 : i32
      %dma_start3A_18 = tpu.memref_slice %arg6[%arg0, %mul3A_17, %dma_start3A] : memref<2x10112x128xf32, #tpu.memory_space<hbm>> -> memref<1x632x128xf32, #tpu.memory_space<hbm>>
      %dma_start3A_19 = tpu.memref_squeeze %dma_start3A_18 : memref<1x632x128xf32, #tpu.memory_space<hbm>> -> memref<632x128xf32, #tpu.memory_space<hbm>>
      %dma_start3A_20 = arith.constant 0 : i32
      %dma_start3A_21 = tpu.memref_slice %arg10[%mul3A_15, %dma_start3A_20] : memref<10112x128xf32, #tpu.memory_space<vmem_shared>> -> memref<632x128xf32, #tpu.memory_space<vmem_shared>>
      tpu.enqueue_dma source(%dma_start3A_21 : memref<632x128xf32, #tpu.memory_space<vmem_shared>>) target(%dma_start3A_19 : memref<632x128xf32, #tpu.memory_space<hbm>>) target_semaphore(%run_scoped3A : memref<!tpu.dma_semaphore, #tpu.memory_space<semaphore_mem>>)
      %dma_wait3A = arith.constant 0 : i32
      %dma_wait3A_22 = tpu.memref_slice %arg6[%arg0, %mul3A_17, %dma_wait3A] : memref<2x10112x128xf32, #tpu.memory_space<hbm>> -> memref<1x632x128xf32, #tpu.memory_space<hbm>>
      %dma_wait3A_23 = tpu.memref_squeeze %dma_wait3A_22 : memref<1x632x128xf32, #tpu.memory_space<hbm>> -> memref<632x128xf32, #tpu.memory_space<hbm>>
      %dma_wait3A_24 = arith.constant 0 : i32
      %dma_wait3A_25 = tpu.memref_slice %arg10[%mul3A_15, %dma_wait3A_24] : memref<10112x128xf32, #tpu.memory_space<vmem_shared>> -> memref<632x128xf32, #tpu.memory_space<vmem_shared>>
      tpu.wait_dma2 semaphore(%run_scoped3A : memref<!tpu.dma_semaphore, #tpu.memory_space<semaphore_mem>>) src(%dma_wait3A_25 : memref<632x128xf32, #tpu.memory_space<vmem_shared>>) dst(%dma_wait3A_23 : memref<632x128xf32, #tpu.memory_space<hbm>>)
      tpu.yield
    }) : () -> ()
    return
  }
}

module attributes {stable_mosaic.version = 14 : i64} {
  func.func @_ffn_body(%arg0: memref<10000x128xf32, #tpu.memory_space<vmem>>, %arg1: memref<128x256xf32, #tpu.memory_space<vmem>>, %arg2: memref<1x256xf32, #tpu.memory_space<vmem>>, %arg3: memref<256x128xf32, #tpu.memory_space<vmem>>, %arg4: memref<1x128xf32, #tpu.memory_space<vmem>>, %arg5: memref<10000x128xf32, #tpu.memory_space<vmem>>) attributes {dimension_semantics = [], scalar_prefetch = 0 : i64, scratch_operands = 0 : i64, tpu.core_type = #tpu.core_type<tc>} {
    %get3A = arith.constant 0 : index
    %get3A_0 = arith.constant 0 : index
    %get3A_1 = vector.load %arg0[%get3A, %get3A_0] : memref<10000x128xf32, #tpu.memory_space<vmem>>, vector<10000x128xf32>
    %get3A_2 = arith.constant 0 : index
    %get3A_3 = arith.constant 0 : index
    %get3A_4 = vector.load %arg1[%get3A_2, %get3A_3] : memref<128x256xf32, #tpu.memory_space<vmem>>, vector<128x256xf32>
    %dot_general3A = arith.constant dense<0.000000e+00> : vector<10000x256xf32>
    %dot_general3A_5 = tpu.matmul %get3A_1, %get3A_4, %dot_general3A {dimension_numbers = #tpu.dot_dimension_numbers<[1], [0], [0], [1], [0, 0, 1, 1], [], []>, transpose_lhs_hint = false} : vector<10000x128xf32>, vector<128x256xf32>, vector<10000x256xf32> -> vector<10000x256xf32>
    %get3A_6 = arith.constant 0 : index
    %get3A_7 = arith.constant 0 : index
    %get3A_8 = vector.load %arg2[%get3A_6, %get3A_7] : memref<1x256xf32, #tpu.memory_space<vmem>>, vector<1x256xf32>
    %add3A = vector.broadcast %get3A_8 : vector<1x256xf32> to vector<10000x256xf32>
    %add3A_9 = arith.addf %dot_general3A_5, %add3A : vector<10000x256xf32>
    %mul3A = arith.constant 5.000000e-01 : f32
    %mul3A_10 = vector.broadcast %mul3A : f32 to vector<10000x256xf32>
    %mul3A_11 = arith.mulf %mul3A_10, %add3A_9 : vector<10000x256xf32>
    %mul3A_12 = arith.constant 0.707106769 : f32
    %mul3A_13 = vector.broadcast %mul3A_12 : f32 to vector<10000x256xf32>
    %mul3A_14 = arith.mulf %add3A_9, %mul3A_13 : vector<10000x256xf32>
    %erf3A = math.erf %mul3A_14 : vector<10000x256xf32>
    %add3A_15 = arith.constant 1.000000e+00 : f32
    %add3A_16 = vector.broadcast %add3A_15 : f32 to vector<10000x256xf32>
    %add3A_17 = arith.addf %add3A_16, %erf3A : vector<10000x256xf32>
    %mul3A_18 = arith.mulf %mul3A_11, %add3A_17 : vector<10000x256xf32>
    %get3A_19 = arith.constant 0 : index
    %get3A_20 = arith.constant 0 : index
    %get3A_21 = vector.load %arg3[%get3A_19, %get3A_20] : memref<256x128xf32, #tpu.memory_space<vmem>>, vector<256x128xf32>
    %dot_general3A_22 = arith.constant dense<0.000000e+00> : vector<10000x128xf32>
    %dot_general3A_23 = tpu.matmul %mul3A_18, %get3A_21, %dot_general3A_22 {dimension_numbers = #tpu.dot_dimension_numbers<[1], [0], [0], [1], [0, 0, 1, 1], [], []>, transpose_lhs_hint = false} : vector<10000x256xf32>, vector<256x128xf32>, vector<10000x128xf32> -> vector<10000x128xf32>
    %get3A_24 = arith.constant 0 : index
    %get3A_25 = arith.constant 0 : index
    %get3A_26 = vector.load %arg4[%get3A_24, %get3A_25] : memref<1x128xf32, #tpu.memory_space<vmem>>, vector<1x128xf32>
    %add3A_27 = vector.broadcast %get3A_26 : vector<1x128xf32> to vector<10000x128xf32>
    %add3A_28 = arith.addf %dot_general3A_23, %add3A_27 : vector<10000x128xf32>
    %mul3A_29 = arith.constant 5.000000e-01 : f32
    %mul3A_30 = vector.broadcast %mul3A_29 : f32 to vector<10000x128xf32>
    %mul3A_31 = arith.mulf %mul3A_30, %add3A_28 : vector<10000x128xf32>
    %mul3A_32 = arith.constant 0.707106769 : f32
    %mul3A_33 = vector.broadcast %mul3A_32 : f32 to vector<10000x128xf32>
    %mul3A_34 = arith.mulf %add3A_28, %mul3A_33 : vector<10000x128xf32>
    %erf3A_35 = math.erf %mul3A_34 : vector<10000x128xf32>
    %add3A_36 = arith.constant 1.000000e+00 : f32
    %add3A_37 = vector.broadcast %add3A_36 : f32 to vector<10000x128xf32>
    %add3A_38 = arith.addf %add3A_37, %erf3A_35 : vector<10000x128xf32>
    %mul3A_39 = arith.mulf %mul3A_31, %add3A_38 : vector<10000x128xf32>
    %swap3A = arith.constant 0 : index
    %swap3A_40 = arith.constant 0 : index
    %swap3A_41 = vector.load %arg5[%swap3A, %swap3A_40] : memref<10000x128xf32, #tpu.memory_space<vmem>>, vector<10000x128xf32>
    tpu.vector_store %arg5[%swap3A, %swap3A_40], %mul3A_39 {strides = array<i32>} : memref<10000x128xf32, #tpu.memory_space<vmem>>, vector<10000x128xf32>,
    return
  }
}

module attributes {stable_mosaic.version = 14 : i64} {
  func.func @_prep_body(%arg0: memref<10000x128xf32, #tpu.memory_space<vmem>>, %arg1: memref<128x128xf32, #tpu.memory_space<vmem>>, %arg2: memref<10000x128xf32, #tpu.memory_space<vmem>>, %arg3: memref<10000x128xf32, #tpu.memory_space<vmem>>, %arg4: memref<10000x128xf32, #tpu.memory_space<vmem>>, %arg5: memref<10000x1xf32, #tpu.memory_space<vmem>>) attributes {dimension_semantics = [], scalar_prefetch = 0 : i64, scratch_operands = 0 : i64, tpu.core_type = #tpu.core_type<tc>} {
    %get3A = arith.constant 0 : index
    %get3A_0 = arith.constant 0 : index
    %get3A_1 = vector.load %arg2[%get3A, %get3A_0] : memref<10000x128xf32, #tpu.memory_space<vmem>>, vector<10000x128xf32>
    %get3A_2 = arith.constant 0 : index
    %get3A_3 = arith.constant 0 : index
    %get3A_4 = vector.load %arg3[%get3A_2, %get3A_3] : memref<10000x128xf32, #tpu.memory_space<vmem>>, vector<10000x128xf32>
    %add3A = arith.addf %get3A_1, %get3A_4 : vector<10000x128xf32>
    %reduce_sum3A = arith.constant dense<0.000000e+00> : vector<10000xf32>
    %reduce_sum3A_5 = vector.multi_reduction <add>, %add3A, %reduce_sum3A [1] : vector<10000x128xf32> to vector<10000xf32>
    %broadcast_in_dim3A = vector.shape_cast %reduce_sum3A_5 : vector<10000xf32> to vector<10000x1xf32>
    %mul3A = arith.constant 7.812500e-03 : f32
    %mul3A_6 = vector.broadcast %mul3A : f32 to vector<10000x1xf32>
    %mul3A_7 = arith.mulf %broadcast_in_dim3A, %mul3A_6 : vector<10000x1xf32>
    %add3A_8 = arith.constant 1.000000e+00 : f32
    %add3A_9 = vector.broadcast %add3A_8 : f32 to vector<10000x1xf32>
    %add3A_10 = arith.addf %mul3A_7, %add3A_9 : vector<10000x1xf32>
    %rsqrt3A = math.rsqrt %add3A_10 : vector<10000x1xf32>
    %swap3A = arith.constant 0 : index
    %swap3A_11 = arith.constant 0 : index
    %swap3A_12 = vector.load %arg5[%swap3A, %swap3A_11] : memref<10000x1xf32, #tpu.memory_space<vmem>>, vector<10000x1xf32>
    tpu.vector_store %arg5[%swap3A, %swap3A_11], %rsqrt3A {strides = array<i32>} : memref<10000x1xf32, #tpu.memory_space<vmem>>, vector<10000x1xf32>,
    %get3A_13 = arith.constant 0 : index
    %get3A_14 = arith.constant 0 : index
    %get3A_15 = vector.load %arg0[%get3A_13, %get3A_14] : memref<10000x128xf32, #tpu.memory_space<vmem>>, vector<10000x128xf32>
    %get3A_16 = arith.constant 0 : index
    %get3A_17 = arith.constant 0 : index
    %get3A_18 = vector.load %arg1[%get3A_16, %get3A_17] : memref<128x128xf32, #tpu.memory_space<vmem>>, vector<128x128xf32>
    %dot_general3A = arith.constant dense<0.000000e+00> : vector<10000x128xf32>
    %dot_general3A_19 = tpu.matmul %get3A_15, %get3A_18, %dot_general3A {dimension_numbers = #tpu.dot_dimension_numbers<[1], [0], [0], [1], [0, 0, 1, 1], [], []>, transpose_lhs_hint = false} : vector<10000x128xf32>, vector<128x128xf32>, vector<10000x128xf32> -> vector<10000x128xf32>
    %mul3A_20 = vector.broadcast %rsqrt3A : vector<10000x1xf32> to vector<10000x128xf32>
    %mul3A_21 = arith.mulf %mul3A_20, %dot_general3A_19 : vector<10000x128xf32>
    %swap3A_22 = arith.constant 0 : index
    %swap3A_23 = arith.constant 0 : index
    %swap3A_24 = vector.load %arg4[%swap3A_22, %swap3A_23] : memref<10000x128xf32, #tpu.memory_space<vmem>>, vector<10000x128xf32>
    tpu.vector_store %arg4[%swap3A_22, %swap3A_23], %mul3A_21 {strides = array<i32>} : memref<10000x128xf32, #tpu.memory_space<vmem>>, vector<10000x128xf32>,
    return
  }
}

module attributes {stable_mosaic.version = 14 : i64} {
  func.func @_hop_body(%arg0: memref<10000x128xf32, #tpu.memory_space<vmem>>, %arg1: memref<10000x128xf32, #tpu.memory_space<vmem>>, %arg2: memref<10000x128xf32, #tpu.memory_space<vmem>>, %arg3: memref<10000x128xf32, #tpu.memory_space<vmem>>, %arg4: memref<10000x1xf32, #tpu.memory_space<vmem>>, %arg5: memref<1x128xf32, #tpu.memory_space<vmem>>, %arg6: memref<1x128xf32, #tpu.memory_space<vmem>>, %arg7: memref<1x128xf32, #tpu.memory_space<vmem>>, %arg8: memref<128x256xf32, #tpu.memory_space<vmem>>, %arg9: memref<1x256xf32, #tpu.memory_space<vmem>>, %arg10: memref<256x128xf32, #tpu.memory_space<vmem>>, %arg11: memref<1x128xf32, #tpu.memory_space<vmem>>, %arg12: memref<128x128xf32, #tpu.memory_space<vmem>>, %arg13: memref<10000x128xf32, #tpu.memory_space<vmem>>, %arg14: memref<10000x128xf32, #tpu.memory_space<vmem>>) attributes {dimension_semantics = [], scalar_prefetch = 0 : i64, scratch_operands = 0 : i64, tpu.core_type = #tpu.core_type<tc>} {
    %get3A = arith.constant 0 : index
    %get3A_0 = arith.constant 0 : index
    %get3A_1 = vector.load %arg4[%get3A, %get3A_0] : memref<10000x1xf32, #tpu.memory_space<vmem>>, vector<10000x1xf32>
    %get3A_2 = arith.constant 0 : index
    %get3A_3 = arith.constant 0 : index
    %get3A_4 = vector.load %arg0[%get3A_2, %get3A_3] : memref<10000x128xf32, #tpu.memory_space<vmem>>, vector<10000x128xf32>
    %get3A_5 = arith.constant 0 : index
    %get3A_6 = arith.constant 0 : index
    %get3A_7 = vector.load %arg1[%get3A_5, %get3A_6] : memref<10000x128xf32, #tpu.memory_space<vmem>>, vector<10000x128xf32>
    %add3A = arith.addf %get3A_4, %get3A_7 : vector<10000x128xf32>
    %get3A_8 = arith.constant 0 : index
    %get3A_9 = arith.constant 0 : index
    %get3A_10 = vector.load %arg2[%get3A_8, %get3A_9] : memref<10000x128xf32, #tpu.memory_space<vmem>>, vector<10000x128xf32>
    %add3A_11 = arith.addf %add3A, %get3A_10 : vector<10000x128xf32>
    %mul3A = vector.broadcast %get3A_1 : vector<10000x1xf32> to vector<10000x128xf32>
    %mul3A_12 = arith.mulf %mul3A, %add3A_11 : vector<10000x128xf32>
    %get3A_13 = arith.constant 0 : index
    %get3A_14 = arith.constant 0 : index
    %get3A_15 = vector.load %arg5[%get3A_13, %get3A_14] : memref<1x128xf32, #tpu.memory_space<vmem>>, vector<1x128xf32>
    %add3A_16 = vector.broadcast %get3A_15 : vector<1x128xf32> to vector<10000x128xf32>
    %add3A_17 = arith.addf %mul3A_12, %add3A_16 : vector<10000x128xf32>
    %get3A_18 = arith.constant 0 : index
    %get3A_19 = arith.constant 0 : index
    %get3A_20 = vector.load %arg3[%get3A_18, %get3A_19] : memref<10000x128xf32, #tpu.memory_space<vmem>>, vector<10000x128xf32>
    %add3A_21 = arith.addf %add3A_17, %get3A_20 : vector<10000x128xf32>
    %reduce_sum3A = arith.constant dense<0.000000e+00> : vector<128xf32>
    %reduce_sum3A_22 = vector.multi_reduction <add>, %add3A_21, %reduce_sum3A [0] : vector<10000x128xf32> to vector<128xf32>
    %broadcast_in_dim3A = vector.shape_cast %reduce_sum3A_22 : vector<128xf32> to vector<1x128xf32>
    %div3A = arith.constant 1.000000e+04 : f32
    %div3A_23 = vector.broadcast %div3A : f32 to vector<1x128xf32>
    %div3A_24 = arith.divf %broadcast_in_dim3A, %div3A_23 : vector<1x128xf32>
    %sub3A = vector.broadcast %div3A_24 : vector<1x128xf32> to vector<10000x128xf32>
    %sub3A_25 = arith.subf %add3A_21, %sub3A : vector<10000x128xf32>
    %mul3A_26 = arith.mulf %sub3A_25, %sub3A_25 : vector<10000x128xf32>
    %reduce_sum3A_27 = arith.constant dense<0.000000e+00> : vector<128xf32>
    %reduce_sum3A_28 = vector.multi_reduction <add>, %mul3A_26, %reduce_sum3A_27 [0] : vector<10000x128xf32> to vector<128xf32>
    %broadcast_in_dim3A_29 = vector.shape_cast %reduce_sum3A_28 : vector<128xf32> to vector<1x128xf32>
    %div3A_30 = arith.constant 1.000000e+04 : f32
    %div3A_31 = vector.broadcast %div3A_30 : f32 to vector<1x128xf32>
    %div3A_32 = arith.divf %broadcast_in_dim3A_29, %div3A_31 : vector<1x128xf32>
    %add3A_33 = arith.constant 9.99999974E-6 : f32
    %add3A_34 = vector.broadcast %add3A_33 : f32 to vector<1x128xf32>
    %add3A_35 = arith.addf %div3A_32, %add3A_34 : vector<1x128xf32>
    %rsqrt3A = math.rsqrt %add3A_35 : vector<1x128xf32>
    %mul3A_36 = vector.broadcast %rsqrt3A : vector<1x128xf32> to vector<10000x128xf32>
    %mul3A_37 = arith.mulf %sub3A_25, %mul3A_36 : vector<10000x128xf32>
    %get3A_38 = arith.constant 0 : index
    %get3A_39 = arith.constant 0 : index
    %get3A_40 = vector.load %arg6[%get3A_38, %get3A_39] : memref<1x128xf32, #tpu.memory_space<vmem>>, vector<1x128xf32>
    %mul3A_41 = vector.broadcast %get3A_40 : vector<1x128xf32> to vector<10000x128xf32>
    %mul3A_42 = arith.mulf %mul3A_37, %mul3A_41 : vector<10000x128xf32>
    %get3A_43 = arith.constant 0 : index
    %get3A_44 = arith.constant 0 : index
    %get3A_45 = vector.load %arg7[%get3A_43, %get3A_44] : memref<1x128xf32, #tpu.memory_space<vmem>>, vector<1x128xf32>
    %add3A_46 = vector.broadcast %get3A_45 : vector<1x128xf32> to vector<10000x128xf32>
    %add3A_47 = arith.addf %mul3A_42, %add3A_46 : vector<10000x128xf32>
    %get3A_48 = arith.constant 0 : index
    %get3A_49 = arith.constant 0 : index
    %get3A_50 = vector.load %arg8[%get3A_48, %get3A_49] : memref<128x256xf32, #tpu.memory_space<vmem>>, vector<128x256xf32>
    %dot_general3A = arith.constant dense<0.000000e+00> : vector<10000x256xf32>
    %dot_general3A_51 = tpu.matmul %add3A_47, %get3A_50, %dot_general3A {dimension_numbers = #tpu.dot_dimension_numbers<[1], [0], [0], [1], [0, 0, 1, 1], [], []>, transpose_lhs_hint = false} : vector<10000x128xf32>, vector<128x256xf32>, vector<10000x256xf32> -> vector<10000x256xf32>
    %get3A_52 = arith.constant 0 : index
    %get3A_53 = arith.constant 0 : index
    %get3A_54 = vector.load %arg9[%get3A_52, %get3A_53] : memref<1x256xf32, #tpu.memory_space<vmem>>, vector<1x256xf32>
    %add3A_55 = vector.broadcast %get3A_54 : vector<1x256xf32> to vector<10000x256xf32>
    %add3A_56 = arith.addf %dot_general3A_51, %add3A_55 : vector<10000x256xf32>
    %mul3A_57 = arith.constant 5.000000e-01 : f32
    %mul3A_58 = vector.broadcast %mul3A_57 : f32 to vector<10000x256xf32>
    %mul3A_59 = arith.mulf %mul3A_58, %add3A_56 : vector<10000x256xf32>
    %mul3A_60 = arith.constant 0.707106769 : f32
    %mul3A_61 = vector.broadcast %mul3A_60 : f32 to vector<10000x256xf32>
    %mul3A_62 = arith.mulf %add3A_56, %mul3A_61 : vector<10000x256xf32>
    %erf3A = math.erf %mul3A_62 : vector<10000x256xf32>
    %add3A_63 = arith.constant 1.000000e+00 : f32
    %add3A_64 = vector.broadcast %add3A_63 : f32 to vector<10000x256xf32>
    %add3A_65 = arith.addf %add3A_64, %erf3A : vector<10000x256xf32>
    %mul3A_66 = arith.mulf %mul3A_59, %add3A_65 : vector<10000x256xf32>
    %get3A_67 = arith.constant 0 : index
    %get3A_68 = arith.constant 0 : index
    %get3A_69 = vector.load %arg10[%get3A_67, %get3A_68] : memref<256x128xf32, #tpu.memory_space<vmem>>, vector<256x128xf32>
    %dot_general3A_70 = arith.constant dense<0.000000e+00> : vector<10000x128xf32>
    %dot_general3A_71 = tpu.matmul %mul3A_66, %get3A_69, %dot_general3A_70 {dimension_numbers = #tpu.dot_dimension_numbers<[1], [0], [0], [1], [0, 0, 1, 1], [], []>, transpose_lhs_hint = false} : vector<10000x256xf32>, vector<256x128xf32>, vector<10000x128xf32> -> vector<10000x128xf32>
    %get3A_72 = arith.constant 0 : index
    %get3A_73 = arith.constant 0 : index
    %get3A_74 = vector.load %arg11[%get3A_72, %get3A_73] : memref<1x128xf32, #tpu.memory_space<vmem>>, vector<1x128xf32>
    %add3A_75 = vector.broadcast %get3A_74 : vector<1x128xf32> to vector<10000x128xf32>
    %add3A_76 = arith.addf %dot_general3A_71, %add3A_75 : vector<10000x128xf32>
    %mul3A_77 = arith.constant 5.000000e-01 : f32
    %mul3A_78 = vector.broadcast %mul3A_77 : f32 to vector<10000x128xf32>
    %mul3A_79 = arith.mulf %mul3A_78, %add3A_76 : vector<10000x128xf32>
    %mul3A_80 = arith.constant 0.707106769 : f32
    %mul3A_81 = vector.broadcast %mul3A_80 : f32 to vector<10000x128xf32>
    %mul3A_82 = arith.mulf %add3A_76, %mul3A_81 : vector<10000x128xf32>
    %erf3A_83 = math.erf %mul3A_82 : vector<10000x128xf32>
    %add3A_84 = arith.constant 1.000000e+00 : f32
    %add3A_85 = vector.broadcast %add3A_84 : f32 to vector<10000x128xf32>
    %add3A_86 = arith.addf %add3A_85, %erf3A_83 : vector<10000x128xf32>
    %mul3A_87 = arith.mulf %mul3A_79, %add3A_86 : vector<10000x128xf32>
    %add3A_88 = arith.addf %mul3A_87, %add3A_47 : vector<10000x128xf32>
    %swap3A = arith.constant 0 : index
    %swap3A_89 = arith.constant 0 : index
    %swap3A_90 = vector.load %arg13[%swap3A, %swap3A_89] : memref<10000x128xf32, #tpu.memory_space<vmem>>, vector<10000x128xf32>
    tpu.vector_store %arg13[%swap3A, %swap3A_89], %add3A_88 {strides = array<i32>} : memref<10000x128xf32, #tpu.memory_space<vmem>>, vector<10000x128xf32>,
    %get3A_91 = arith.constant 0 : index
    %get3A_92 = arith.constant 0 : index
    %get3A_93 = vector.load %arg12[%get3A_91, %get3A_92] : memref<128x128xf32, #tpu.memory_space<vmem>>, vector<128x128xf32>
    %dot_general3A_94 = arith.constant dense<0.000000e+00> : vector<10000x128xf32>
    %dot_general3A_95 = tpu.matmul %add3A_88, %get3A_93, %dot_general3A_94 {dimension_numbers = #tpu.dot_dimension_numbers<[1], [0], [0], [1], [0, 0, 1, 1], [], []>, transpose_lhs_hint = false} : vector<10000x128xf32>, vector<128x128xf32>, vector<10000x128xf32> -> vector<10000x128xf32>
    %mul3A_96 = vector.broadcast %get3A_1 : vector<10000x1xf32> to vector<10000x128xf32>
    %mul3A_97 = arith.mulf %mul3A_96, %dot_general3A_95 : vector<10000x128xf32>
    %swap3A_98 = arith.constant 0 : index
    %swap3A_99 = arith.constant 0 : index
    %swap3A_100 = vector.load %arg14[%swap3A_98, %swap3A_99] : memref<10000x128xf32, #tpu.memory_space<vmem>>, vector<10000x128xf32>
    tpu.vector_store %arg14[%swap3A_98, %swap3A_99], %mul3A_97 {strides = array<i32>} : memref<10000x128xf32, #tpu.memory_space<vmem>>, vector<10000x128xf32>,
    return
  }
}

module attributes {stable_mosaic.version = 14 : i64} {
  func.func @_last_body(%arg0: memref<10000x128xf32, #tpu.memory_space<vmem>>, %arg1: memref<10000x128xf32, #tpu.memory_space<vmem>>, %arg2: memref<10000x128xf32, #tpu.memory_space<vmem>>, %arg3: memref<10000x128xf32, #tpu.memory_space<vmem>>, %arg4: memref<10000x1xf32, #tpu.memory_space<vmem>>, %arg5: memref<1x128xf32, #tpu.memory_space<vmem>>, %arg6: memref<1x128xf32, #tpu.memory_space<vmem>>, %arg7: memref<1x128xf32, #tpu.memory_space<vmem>>, %arg8: memref<128x256xf32, #tpu.memory_space<vmem>>, %arg9: memref<1x256xf32, #tpu.memory_space<vmem>>, %arg10: memref<256x128xf32, #tpu.memory_space<vmem>>, %arg11: memref<1x128xf32, #tpu.memory_space<vmem>>, %arg12: memref<128x256xf32, #tpu.memory_space<vmem>>, %arg13: memref<1x256xf32, #tpu.memory_space<vmem>>, %arg14: memref<256x128xf32, #tpu.memory_space<vmem>>, %arg15: memref<1x128xf32, #tpu.memory_space<vmem>>, %arg16: memref<10000x128xf32, #tpu.memory_space<vmem>>) attributes {dimension_semantics = [], scalar_prefetch = 0 : i64, scratch_operands = 0 : i64, tpu.core_type = #tpu.core_type<tc>} {
    %get3A = arith.constant 0 : index
    %get3A_0 = arith.constant 0 : index
    %get3A_1 = vector.load %arg4[%get3A, %get3A_0] : memref<10000x1xf32, #tpu.memory_space<vmem>>, vector<10000x1xf32>
    %get3A_2 = arith.constant 0 : index
    %get3A_3 = arith.constant 0 : index
    %get3A_4 = vector.load %arg0[%get3A_2, %get3A_3] : memref<10000x128xf32, #tpu.memory_space<vmem>>, vector<10000x128xf32>
    %get3A_5 = arith.constant 0 : index
    %get3A_6 = arith.constant 0 : index
    %get3A_7 = vector.load %arg1[%get3A_5, %get3A_6] : memref<10000x128xf32, #tpu.memory_space<vmem>>, vector<10000x128xf32>
    %add3A = arith.addf %get3A_4, %get3A_7 : vector<10000x128xf32>
    %get3A_8 = arith.constant 0 : index
    %get3A_9 = arith.constant 0 : index
    %get3A_10 = vector.load %arg2[%get3A_8, %get3A_9] : memref<10000x128xf32, #tpu.memory_space<vmem>>, vector<10000x128xf32>
    %add3A_11 = arith.addf %add3A, %get3A_10 : vector<10000x128xf32>
    %mul3A = vector.broadcast %get3A_1 : vector<10000x1xf32> to vector<10000x128xf32>
    %mul3A_12 = arith.mulf %mul3A, %add3A_11 : vector<10000x128xf32>
    %get3A_13 = arith.constant 0 : index
    %get3A_14 = arith.constant 0 : index
    %get3A_15 = vector.load %arg5[%get3A_13, %get3A_14] : memref<1x128xf32, #tpu.memory_space<vmem>>, vector<1x128xf32>
    %add3A_16 = vector.broadcast %get3A_15 : vector<1x128xf32> to vector<10000x128xf32>
    %add3A_17 = arith.addf %mul3A_12, %add3A_16 : vector<10000x128xf32>
    %get3A_18 = arith.constant 0 : index
    %get3A_19 = arith.constant 0 : index
    %get3A_20 = vector.load %arg3[%get3A_18, %get3A_19] : memref<10000x128xf32, #tpu.memory_space<vmem>>, vector<10000x128xf32>
    %add3A_21 = arith.addf %add3A_17, %get3A_20 : vector<10000x128xf32>
    %reduce_sum3A = arith.constant dense<0.000000e+00> : vector<128xf32>
    %reduce_sum3A_22 = vector.multi_reduction <add>, %add3A_21, %reduce_sum3A [0] : vector<10000x128xf32> to vector<128xf32>
    %broadcast_in_dim3A = vector.shape_cast %reduce_sum3A_22 : vector<128xf32> to vector<1x128xf32>
    %div3A = arith.constant 1.000000e+04 : f32
    %div3A_23 = vector.broadcast %div3A : f32 to vector<1x128xf32>
    %div3A_24 = arith.divf %broadcast_in_dim3A, %div3A_23 : vector<1x128xf32>
    %sub3A = vector.broadcast %div3A_24 : vector<1x128xf32> to vector<10000x128xf32>
    %sub3A_25 = arith.subf %add3A_21, %sub3A : vector<10000x128xf32>
    %mul3A_26 = arith.mulf %sub3A_25, %sub3A_25 : vector<10000x128xf32>
    %reduce_sum3A_27 = arith.constant dense<0.000000e+00> : vector<128xf32>
    %reduce_sum3A_28 = vector.multi_reduction <add>, %mul3A_26, %reduce_sum3A_27 [0] : vector<10000x128xf32> to vector<128xf32>
    %broadcast_in_dim3A_29 = vector.shape_cast %reduce_sum3A_28 : vector<128xf32> to vector<1x128xf32>
    %div3A_30 = arith.constant 1.000000e+04 : f32
    %div3A_31 = vector.broadcast %div3A_30 : f32 to vector<1x128xf32>
    %div3A_32 = arith.divf %broadcast_in_dim3A_29, %div3A_31 : vector<1x128xf32>
    %add3A_33 = arith.constant 9.99999974E-6 : f32
    %add3A_34 = vector.broadcast %add3A_33 : f32 to vector<1x128xf32>
    %add3A_35 = arith.addf %div3A_32, %add3A_34 : vector<1x128xf32>
    %rsqrt3A = math.rsqrt %add3A_35 : vector<1x128xf32>
    %mul3A_36 = vector.broadcast %rsqrt3A : vector<1x128xf32> to vector<10000x128xf32>
    %mul3A_37 = arith.mulf %sub3A_25, %mul3A_36 : vector<10000x128xf32>
    %get3A_38 = arith.constant 0 : index
    %get3A_39 = arith.constant 0 : index
    %get3A_40 = vector.load %arg6[%get3A_38, %get3A_39] : memref<1x128xf32, #tpu.memory_space<vmem>>, vector<1x128xf32>
    %mul3A_41 = vector.broadcast %get3A_40 : vector<1x128xf32> to vector<10000x128xf32>
    %mul3A_42 = arith.mulf %mul3A_37, %mul3A_41 : vector<10000x128xf32>
    %get3A_43 = arith.constant 0 : index
    %get3A_44 = arith.constant 0 : index
    %get3A_45 = vector.load %arg7[%get3A_43, %get3A_44] : memref<1x128xf32, #tpu.memory_space<vmem>>, vector<1x128xf32>
    %add3A_46 = vector.broadcast %get3A_45 : vector<1x128xf32> to vector<10000x128xf32>
    %add3A_47 = arith.addf %mul3A_42, %add3A_46 : vector<10000x128xf32>
    %get3A_48 = arith.constant 0 : index
    %get3A_49 = arith.constant 0 : index
    %get3A_50 = vector.load %arg8[%get3A_48, %get3A_49] : memref<128x256xf32, #tpu.memory_space<vmem>>, vector<128x256xf32>
    %dot_general3A = arith.constant dense<0.000000e+00> : vector<10000x256xf32>
    %dot_general3A_51 = tpu.matmul %add3A_47, %get3A_50, %dot_general3A {dimension_numbers = #tpu.dot_dimension_numbers<[1], [0], [0], [1], [0, 0, 1, 1], [], []>, transpose_lhs_hint = false} : vector<10000x128xf32>, vector<128x256xf32>, vector<10000x256xf32> -> vector<10000x256xf32>
    %get3A_52 = arith.constant 0 : index
    %get3A_53 = arith.constant 0 : index
    %get3A_54 = vector.load %arg9[%get3A_52, %get3A_53] : memref<1x256xf32, #tpu.memory_space<vmem>>, vector<1x256xf32>
    %add3A_55 = vector.broadcast %get3A_54 : vector<1x256xf32> to vector<10000x256xf32>
    %add3A_56 = arith.addf %dot_general3A_51, %add3A_55 : vector<10000x256xf32>
    %mul3A_57 = arith.constant 5.000000e-01 : f32
    %mul3A_58 = vector.broadcast %mul3A_57 : f32 to vector<10000x256xf32>
    %mul3A_59 = arith.mulf %mul3A_58, %add3A_56 : vector<10000x256xf32>
    %mul3A_60 = arith.constant 0.707106769 : f32
    %mul3A_61 = vector.broadcast %mul3A_60 : f32 to vector<10000x256xf32>
    %mul3A_62 = arith.mulf %add3A_56, %mul3A_61 : vector<10000x256xf32>
    %erf3A = math.erf %mul3A_62 : vector<10000x256xf32>
    %add3A_63 = arith.constant 1.000000e+00 : f32
    %add3A_64 = vector.broadcast %add3A_63 : f32 to vector<10000x256xf32>
    %add3A_65 = arith.addf %add3A_64, %erf3A : vector<10000x256xf32>
    %mul3A_66 = arith.mulf %mul3A_59, %add3A_65 : vector<10000x256xf32>
    %get3A_67 = arith.constant 0 : index
    %get3A_68 = arith.constant 0 : index
    %get3A_69 = vector.load %arg10[%get3A_67, %get3A_68] : memref<256x128xf32, #tpu.memory_space<vmem>>, vector<256x128xf32>
    %dot_general3A_70 = arith.constant dense<0.000000e+00> : vector<10000x128xf32>
    %dot_general3A_71 = tpu.matmul %mul3A_66, %get3A_69, %dot_general3A_70 {dimension_numbers = #tpu.dot_dimension_numbers<[1], [0], [0], [1], [0, 0, 1, 1], [], []>, transpose_lhs_hint = false} : vector<10000x256xf32>, vector<256x128xf32>, vector<10000x128xf32> -> vector<10000x128xf32>
    %get3A_72 = arith.constant 0 : index
    %get3A_73 = arith.constant 0 : index
    %get3A_74 = vector.load %arg11[%get3A_72, %get3A_73] : memref<1x128xf32, #tpu.memory_space<vmem>>, vector<1x128xf32>
    %add3A_75 = vector.broadcast %get3A_74 : vector<1x128xf32> to vector<10000x128xf32>
    %add3A_76 = arith.addf %dot_general3A_71, %add3A_75 : vector<10000x128xf32>
    %mul3A_77 = arith.constant 5.000000e-01 : f32
    %mul3A_78 = vector.broadcast %mul3A_77 : f32 to vector<10000x128xf32>
    %mul3A_79 = arith.mulf %mul3A_78, %add3A_76 : vector<10000x128xf32>
    %mul3A_80 = arith.constant 0.707106769 : f32
    %mul3A_81 = vector.broadcast %mul3A_80 : f32 to vector<10000x128xf32>
    %mul3A_82 = arith.mulf %add3A_76, %mul3A_81 : vector<10000x128xf32>
    %erf3A_83 = math.erf %mul3A_82 : vector<10000x128xf32>
    %add3A_84 = arith.constant 1.000000e+00 : f32
    %add3A_85 = vector.broadcast %add3A_84 : f32 to vector<10000x128xf32>
    %add3A_86 = arith.addf %add3A_85, %erf3A_83 : vector<10000x128xf32>
    %mul3A_87 = arith.mulf %mul3A_79, %add3A_86 : vector<10000x128xf32>
    %add3A_88 = arith.addf %mul3A_87, %add3A_47 : vector<10000x128xf32>
    %get3A_89 = arith.constant 0 : index
    %get3A_90 = arith.constant 0 : index
    %get3A_91 = vector.load %arg12[%get3A_89, %get3A_90] : memref<128x256xf32, #tpu.memory_space<vmem>>, vector<128x256xf32>
    %dot_general3A_92 = arith.constant dense<0.000000e+00> : vector<10000x256xf32>
    %dot_general3A_93 = tpu.matmul %add3A_88, %get3A_91, %dot_general3A_92 {dimension_numbers = #tpu.dot_dimension_numbers<[1], [0], [0], [1], [0, 0, 1, 1], [], []>, transpose_lhs_hint = false} : vector<10000x128xf32>, vector<128x256xf32>, vector<10000x256xf32> -> vector<10000x256xf32>
    %get3A_94 = arith.constant 0 : index
    %get3A_95 = arith.constant 0 : index
    %get3A_96 = vector.load %arg13[%get3A_94, %get3A_95] : memref<1x256xf32, #tpu.memory_space<vmem>>, vector<1x256xf32>
    %add3A_97 = vector.broadcast %get3A_96 : vector<1x256xf32> to vector<10000x256xf32>
    %add3A_98 = arith.addf %dot_general3A_93, %add3A_97 : vector<10000x256xf32>
    %mul3A_99 = arith.constant 5.000000e-01 : f32
    %mul3A_100 = vector.broadcast %mul3A_99 : f32 to vector<10000x256xf32>
    %mul3A_101 = arith.mulf %mul3A_100, %add3A_98 : vector<10000x256xf32>
    %mul3A_102 = arith.constant 0.707106769 : f32
    %mul3A_103 = vector.broadcast %mul3A_102 : f32 to vector<10000x256xf32>
    %mul3A_104 = arith.mulf %add3A_98, %mul3A_103 : vector<10000x256xf32>
    %erf3A_105 = math.erf %mul3A_104 : vector<10000x256xf32>
    %add3A_106 = arith.constant 1.000000e+00 : f32
    %add3A_107 = vector.broadcast %add3A_106 : f32 to vector<10000x256xf32>
    %add3A_108 = arith.addf %add3A_107, %erf3A_105 : vector<10000x256xf32>
    %mul3A_109 = arith.mulf %mul3A_101, %add3A_108 : vector<10000x256xf32>
    %get3A_110 = arith.constant 0 : index
    %get3A_111 = arith.constant 0 : index
    %get3A_112 = vector.load %arg14[%get3A_110, %get3A_111] : memref<256x128xf32, #tpu.memory_space<vmem>>, vector<256x128xf32>
    %dot_general3A_113 = arith.constant dense<0.000000e+00> : vector<10000x128xf32>
    %dot_general3A_114 = tpu.matmul %mul3A_109, %get3A_112, %dot_general3A_113 {dimension_numbers = #tpu.dot_dimension_numbers<[1], [0], [0], [1], [0, 0, 1, 1], [], []>, transpose_lhs_hint = false} : vector<10000x256xf32>, vector<256x128xf32>, vector<10000x128xf32> -> vector<10000x128xf32>
    %get3A_115 = arith.constant 0 : index
    %get3A_116 = arith.constant 0 : index
    %get3A_117 = vector.load %arg15[%get3A_115, %get3A_116] : memref<1x128xf32, #tpu.memory_space<vmem>>, vector<1x128xf32>
    %add3A_118 = vector.broadcast %get3A_117 : vector<1x128xf32> to vector<10000x128xf32>
    %add3A_119 = arith.addf %dot_general3A_114, %add3A_118 : vector<10000x128xf32>
    %mul3A_120 = arith.constant 5.000000e-01 : f32
    %mul3A_121 = vector.broadcast %mul3A_120 : f32 to vector<10000x128xf32>
    %mul3A_122 = arith.mulf %mul3A_121, %add3A_119 : vector<10000x128xf32>
    %mul3A_123 = arith.constant 0.707106769 : f32
    %mul3A_124 = vector.broadcast %mul3A_123 : f32 to vector<10000x128xf32>
    %mul3A_125 = arith.mulf %add3A_119, %mul3A_124 : vector<10000x128xf32>
    %erf3A_126 = math.erf %mul3A_125 : vector<10000x128xf32>
    %add3A_127 = arith.constant 1.000000e+00 : f32
    %add3A_128 = vector.broadcast %add3A_127 : f32 to vector<10000x128xf32>
    %add3A_129 = arith.addf %add3A_128, %erf3A_126 : vector<10000x128xf32>
    %mul3A_130 = arith.mulf %mul3A_122, %add3A_129 : vector<10000x128xf32>
    %swap3A = arith.constant 0 : index
    %swap3A_131 = arith.constant 0 : index
    %swap3A_132 = vector.load %arg16[%swap3A, %swap3A_131] : memref<10000x128xf32, #tpu.memory_space<vmem>>, vector<10000x128xf32>
    tpu.vector_store %arg16[%swap3A, %swap3A_131], %mul3A_130 {strides = array<i32>} : memref<10000x128xf32, #tpu.memory_space<vmem>>, vector<10000x128xf32>,
    return
  }
}

</mosaic_0001>

<sc_bundles>
// kernel: kernel.15.cloned.1.call-start
scs
__scs_entry_jumppad:
0x0: {  	(pc) =	sbr.rel $0x88, $3  }
0x1: {  	(tag) =	ssettag $0x0;
	lr =	simm.s32 $0x1  }
0x2: {  	[smem:$0x3F8F] =	sst lr;
	_ =	strace $0xD0000000  }
0x3: {  	_ = 	snop  }
0x4: {  	_ = 	snop  }
0x5: {  	_ = 	snop  }
0x6: {  	_ = 	snop  }
0x7: {  	_ = 	snop  }
__scs_overlays_trampoline_lowered:
0x8: {  	[smem:$0x3F9E] =	sst s0  }
0x9: {  	[smem:$0x3F9F] =	sst s1  }
0xa: {  	[smem:$0x3FA0] =	sst s2  }
0xb: {  	[smem:$0x3FA1] =	sst s3  }
0xc: {  	[smem:$0x3FA2] =	sst s4  }
0xd: {  	[smem:$0x3FA3] =	sst s5  }
0xe: {  	[smem:$0x3FA4] =	sst s6  }
0xf: {  	[smem:$0x3FA5] =	sst s7  }
0x10: {  	[smem:$0x3FA6] =	sst s8  }
0x11: {  	[smem:$0x3FA7] =	sst s9;
	s0 =	simm.s32 @!p0 $0x0  }
0x12: {  	s1 =	sld [smem:$0x3F8D];
	s0 =	simm.s32 @p0 $0x1  }
0x13: {  	[smem:$0x3FA8] =	sst s0;
	s0 =	simm.s32 @!p1 $0x0  }
0x14: {  	s2 =	sld [smem:$0x3F8C];
	s0 =	simm.s32 @p1 $0x1  }
0x15: {  	[smem:$0x3FA9] =	sst s0;
	s0 =	simm.s32 @!p2 $0x0  }
0x16: {  	s3 =	sld [smem:$0x3FDB];
	s0 =	simm.s32 @p2 $0x1  }
0x17: {  	s4 =	simm.s32 $0x1BF5;
	[smem:$0x3FAB] =	sst s0  }
0x18: {  	s0 =	sld [smem:$0x3F8E];
	_ =	swait.ge [sflag:s4], $0x0  }
0x19: {  	s7 =	sld [smem:$0x3F8F]  }
0x1a: {  	s8 =	sadd.s32 $0xFFFFE003, lr  }
0x1b: {  	s9 =	sadd.s32 $0xFFFFFEF7, lr;
	s5 =	simm.s32 $0xFFFFFFFF;
	p2 =	slt.u32 s8, $0xFFFFF086  }
0x1c: {  	p1 =	slt.u32 s9, $0xF7A;
	s5 =	simm.s32 @!p2 $0x0  }
0x1d: {  	s5 =	simm.s32 @p1 $0x1;
	p0 =	seq.s32 s7, s2  }
0x1e: {  	s7 =	smul.u32 @!p0 $0xF7A, s2;
	p2 =	seq.s32 @!p0 s5, $0x0  }
0x1f: {  	s9 =	smul.u32 $0xF7A, s1;
	s8 =	simm.s32 @!p0 $0x1BF5;
	p2 =	por !p2, p0  }
0x20: {  	[sflag:s8] =	ssyncset.s32 @!p0 $0xFFFFF086;
	s6 =	sadd.s32 @!p0 s3, s7;
	s7 =	simm.s32 @!p0 $0x108  }
0x21: {  	s3 =	sadd.s32 s3, s9;
	s6 =	sadd.s32 @!p0 $0x88, s6;
	s7 =	simm.s32 @p2 $0x1082  }
0x22: {  	[simem:s7], [sflag:s8] =	dma.local @!p0 [hbm:s6], $0xF7A  }
0x23: {  	s9 =	sor.u32 $0xD0000000, s2;
	s6 =	simm.s32 $0x108;
	_ =	swait.ge @!p0 [sflag:s8], $0x0  }
0x24: {  	s3 =	sadd.s32 $0x88, s3;
	s6 =	simm.s32 @!p1 $0x1082;
	[sflag:s4] =	ssyncset.s32 $0xFFFFF086  }
0x25: {  	[simem:s6], [sflag:s4] =	dma.local [hbm:s3], $0xF7A  }
0x26: {  	[smem:$0x3F8F] =	sst s1;
	(tag) =	ssettag s2;
	_ =	strace s9  }
0x27: {  	s1 =	sld [smem:$0x3F9F]  }
0x28: {  	s2 =	sld [smem:$0x3FA0]  }
0x29: {  	s4 =	sld [smem:$0x3FA2]  }
0x2a: {  	p0 =	seq.s32 s5, $0x0;
	s5 =	sld [smem:$0x3FA3]  }
0x2b: {  	s6 =	sld [smem:$0x3FA4]  }
0x2c: {  	s7 =	sld [smem:$0x3FA5]  }
0x2d: {  	s3 =	simm.s32 $0x108;
	s8 =	sld [smem:$0x3FA6]  }
0x2e: {  	s3 =	simm.s32 @!p0 $0x1082;
	s9 =	sld [smem:$0x3FA7]  }
0x2f: {  	lr =	sadd.s32 s0, s3;
	s0 =	sld [smem:$0x3F9E]  }
0x30: {  	s3 =	sld [smem:$0x3FA1]  }
0x31: {  	[smem:$0x3FAA] =	sst s10  }
0x32: {  	s10 =	sld [smem:$0x3FA8];
	_ =	sdelay $0x3  }
0x33: {  	p0 =	seq.s32 s10, $0x1;
	s10 =	sld [smem:$0x3FAA];
	_ =	sdelay $0x3  }
0x34: {  	[smem:$0x3FAA] =	sst s10  }
0x35: {  	s10 =	sld [smem:$0x3FA9];
	_ =	sdelay $0x3  }
0x36: {  	p1 =	seq.s32 s10, $0x1;
	s10 =	sld [smem:$0x3FAA];
	_ =	sdelay $0x3  }
0x37: {  	[smem:$0x3FAA] =	sst s10  }
0x38: {  	s10 =	sld [smem:$0x3FAB]  }
0x39: {  	_ = 	snop;
	(pc) =	sbr.ind lr, $3  }
0x3a: {  	_ = 	snop  }
0x3b: {  	_ = 	snop  }
0x3c: {  	p2 =	seq.s32 s10, $0x1;
	s10 =	sld [smem:$0x3FAA]  }
0x3d: {  	_ =	shalt  }
0x3e: {  	_ =	shalt  }
0x3f: {  	_ =	shalt  }
0x40: {  	_ =	shalt  }
0x41: {  	_ =	shalt  }
0x42: {  	_ =	shalt  }
0x43: {  	_ =	shalt  }
0x44: {  	_ =	shalt  }
0x45: {  	_ =	shalt  }
0x46: {  	_ =	shalt  }
0x47: {  	_ =	shalt  }
0x48: {  	_ =	shalt  }
0x49: {  	_ =	shalt  }
0x4a: {  	_ =	shalt  }
0x4b: {  	_ =	shalt  }
0x4c: {  	_ =	shalt  }
0x4d: {  	_ =	shalt  }
0x4e: {  	_ =	shalt  }
0x4f: {  	_ =	shalt  }
0x50: {  	_ =	shalt  }
0x51: {  	_ =	shalt  }
0x52: {  	_ =	shalt  }
0x53: {  	_ =	shalt  }
0x54: {  	_ =	shalt  }
0x55: {  	_ =	shalt  }
0x56: {  	_ =	shalt  }
0x57: {  	_ =	shalt  }
0x58: {  	_ =	shalt  }
0x59: {  	_ =	shalt  }
0x5a: {  	_ =	shalt  }
0x5b: {  	_ =	shalt  }
0x5c: {  	_ =	shalt  }
0x5d: {  	_ =	shalt  }
0x5e: {  	_ =	shalt  }
0x5f: {  	_ =	shalt  }
0x60: {  	_ =	shalt  }
0x61: {  	_ =	shalt  }
0x62: {  	_ =	shalt  }
0x63: {  	_ =	shalt  }
0x64: {  	_ =	shalt  }
0x65: {  	_ =	shalt  }
0x66: {  	_ =	shalt  }
0x67: {  	_ =	shalt  }
0x68: {  	_ =	shalt  }
0x69: {  	_ =	shalt  }
0x6a: {  	_ =	shalt  }
0x6b: {  	_ =	shalt  }
0x6c: {  	_ =	shalt  }
0x6d: {  	_ =	shalt  }
0x6e: {  	_ =	shalt  }
0x6f: {  	_ =	shalt  }
0x70: {  	_ =	shalt  }
0x71: {  	_ =	shalt  }
0x72: {  	_ =	shalt  }
0x73: {  	_ =	shalt  }
0x74: {  	_ =	shalt  }
0x75: {  	_ =	shalt  }
0x76: {  	_ =	shalt  }
0x77: {  	_ =	shalt  }
0x78: {  	_ =	shalt  }
0x79: {  	_ =	shalt  }
0x7a: {  	_ =	shalt  }
0x7b: {  	_ =	shalt  }
0x7c: {  	_ =	shalt  }
0x7d: {  	_ =	shalt  }
0x7e: {  	_ =	shalt  }
0x7f: {  	_ =	shalt  }
0x80: {  	_ =	shalt  }
0x81: {  	_ =	shalt  }
0x82: {  	_ =	shalt  }
0x83: {  	_ =	shalt  }
0x84: {  	_ =	shalt  }
0x85: {  	_ =	shalt  }
0x86: {  	_ =	shalt  }
0x87: {  	_ =	shalt  }
.Lfunc_end0:
.L_simem_size_0:
called_computation_lowered:
.L_overlay_start_0:
0x88: {  	s2 =	sld [smem:$0x3FD9]  }
0x89: {  	s3 =	sld [smem:$0x3FFE];
	_ =	sdelay $0x1  }
0x8a: {  	s1 =	srdreg.scid  }
0x8b: {  	s0 =	sand.u32 $0x1, s1  }
0x8c: {  	s17 =	sshll.u32 s0, $0xA;
	s2 =	sadd.s32 s3, s2  }
0x8d: {  	s2 =	sadd.s32 s2, s17  }
0x8e: {  	[smem:$0x3FB6] =	sst s2  }
0x8f: {  	_ = 	snop  }
0x90: {  	s2 =	sld [smem:$0x3FD0];
	(tm) =	ssettm $0x1  }
0x91: {  	s18 =	sld [smem:$0x3FFB];
	_ =	sdelay $0x3  }
0x92: {  	_ =	strace s18  }
0x93: {  	s3 =	sld [smem:$0x3FFC];
	_ =	sdelay $0x3  }
0x94: {  	_ =	strace s3  }
0x95: {  	s3 =	sld [smem:$0x3FFD];
	_ =	sdelay $0x3  }
0x96: {  	_ =	strace s3  }
0x97: {  	_ =	strace $0x8FFFFFFF  }
0x98: {  	s19 =	sld [smem:$0x3FDB];
	_ =	sdelay $0x1  }
0x99: {  	s4 =	simm.s32 $_scs_section_size  }
0x9a: {  	s5 =	simm.s32 $_size__tile_overlayer_lowered;
	s6 =	simm.s32 $_tile_overlayer_lowered  }
0x9b: {  	s22 =	simm.s32 $0x1BFF;
	s21 =	sshll.u32 s6, $0x1;
	s3 =	sadd.s32 s4, s19  }
0x9c: {  	s7 =	simm.s32 $0x0;
	s20 =	sshll.u32 s5, $0x1;
	s5 =	sadd.s32 s21, s3  }
0x9d: {  	[timem:s7], [sflag:s22] =	dma.local [hbm:s5], s20  }
0x9e: {  	_ =	swait.ge [sflag:s22], s20  }
0x9f: {  	s4 =	ssub.s32 $0x0, s20;
	[sflag:s22] =	ssyncset.done $0x0  }
0xa0: {  	[sflag:s22] =	ssyncadd.s32 s4;
	_ =	sdelay $0x1  }
0xa1: {  	s23 =	simm.s32 $0x1B8B  }
0xa2: {  	_ =	swait.ge [sflag:s23], $0x1  }
0xa3: {  	[sflag:s23] =	ssyncset.done $0x0  }
0xa4: {  	s25 =	simm.s32 $0x1B8E;
	s24 =	sld [smem:$0x3FFE];
	[sflag:s23] =	ssyncadd.s32 $0xFFFFFFFF  }
0xa5: {  	s26 =	simm.s32 $execute0_lowered;
	[smem:$0x3FD2] =	sst s25  }
0xa6: {  	s5 =	sshll.u32 s26, $0x1;
	_ =	strace $0x80000046;
	[dreg:$0x1] =	wrdreg $0xFFFFFFFF  }
0xa7: {  	s28 =	simm.s32 $_size_execute0_lowered;
	s3 =	sadd.s32 s3, s5;
	[dreg:$0x0] =	wrdreg $0x0  }
0xa8: {  	s5 =	sshll.u32 s28, $0x1;
	[dreg:$0x2] =	wrdreg s3  }
0xa9: {  	[dreg:$0x3] =	wrdreg s5  }
0xaa: {  	[dreg:$0x4] =	wrdreg $0xC0  }
0xab: {  	_ =	task [dreg:s7], $0x5FFFF  }
0xac: {  	[dreg:$0x1] =	wrdreg $0xFFFFFFFF  }
0xad: {  	[dreg:$0x0] =	wrdreg $0x60  }
0xae: {  	[dreg:$0x2] =	wrdreg s24  }
0xaf: {  	[dreg:$0x3] =	wrdreg s2  }
0xb0: {  	[dreg:$0x4] =	wrdreg $0x68000  }
0xb1: {  	[dreg:$0x5] =	wrdreg $0x9  }
0xb2: {  	_ =	task.clear_ibuf [dreg:s7], $0x6FFFF;
	_ =	strace $0x90000046  }
0xb3: {  	s29 =	simm.s32 $0x9;
	_ =	strace $0x80000048  }
0xb4: {  	_ =	swait.ge [sflag:s29], $0x1  }
0xb5: {  	[sflag:s29] =	ssyncadd.s32 $0xFFFFFFFF  }
0xb6: {  	_ =	strace $0x90000048  }
0xb7: {  	_ =	sfence  }
0xb8: {  	s30 =	sld [smem:$0x0];
	_ =	sdelay $0x2  }
0xb9: {  	s31 =	sshll.u32 s1, $0xD;
	s1 =	sshrl.u32 s1, $0x2  }
0xba: {  	s3 =	sand.u32 $0x4000, s31;
	s1 =	sadd.s32 s1, s30  }
0xbb: {  	s0 =	sor.u32 s3, s0;
	s1 =	sshll.u32 s1, $0x11  }
0xbc: {  	s0 =	sor.u32 s1, s0  }
0xbd: {  	s0 =	sadd.s32 $0x8F2B, s0  }
0xbe: {  	[sflag:s0] =	ssyncadd.remote.s32 $0x1  }
0xbf: {  	_ =	sfence.sel $0xFFFF  }
0xc0: {  	[dreg:$0x0] =	wrdreg $0xFFFFFFFF;
	(pc) =	sbr.abs _section_cstart, $3  }
0xc1: {  	[dreg:$0x1] =	wrdreg $0xFFFFFFFF  }
0xc2: {  	_ =	task.clear_ibuf [dreg:s7], $0x2FFFF;
	_ =	strace $0x9FFFFFFF  }
0xc3: {  	(tm) =	ssettm $0x7FFFFFFF  }
tec
execute0_lowered:
.L_overlay_start_1:
0x0: {  	(tag) =	ssettag $0x1  }
0x1: {  	s6 =	rddreg [dreg:$0x0]  }
0x2: {  	s2 =	rddreg [dreg:$0x1]  }
0x3: {  	s0 =	srdreg.scid;
	s3 =	rddreg [dreg:$0x2];
	s4 =	simm.s32 $0x0  }
0x4: {  	s13 =	simm.s32 $0x80;
	s5 =	sand.u32 $0x1, s0;
	s0 =	stileid.u32  }
0x5: {  	s14 =	simm.s32 $0x0;
	[smem:$0x7FF] =	sst s4;
	s8 =	smul.u32 $0x13C00, s0  }
0x6: {  	s1 =	sshll.u32 s5, $0x4;
	s9 =	smul.u32 $0x13C000, s5;
	s5 =	ssub.s32 $0x2, s5  }
0x7: {  	s29 =	smul.u32 $0x4F000, s0;
	s31 =	sshll.u32 s0, $0x6;
	s1 =	sor.u32 s0, s1  }
0x8: {  	s11 =	sshrl.u32 s5, $0x1;
	s7 =	smul.u32 $0x500, s1;
	s1 =	rddreg [dreg:$0x3]  }
0x9: {  	_ =	strace $0x80000047;
	s10 =	sshrl.u32 s8, $0x3;
	s8 =	sadd.s32 s8, s9  }
0xa: {  	s11 =	ssub.s32 s5, s11;
	s30 =	sshrl.u32 s29, $0x2;
	s10 =	sadd.s32 s10, s6  }
0xb: {  	s8 =	sshrl.u32 s8, $0x3;
	s12 =	sadd.s32 s30, s3;
	s9 =	smax.u32 s11, $0x1  }
0xc: {  	s11 =	simm.s32 $0x1;
	s7 =	sadd.s32 s7, s6;
	s8 =	sadd.s32 s8, s6  }
0xd: {  	s5 =	sadd.s32 $0x11000, s10;
	s6 =	sor.u32 $0x1C01, s31;
	s10 =	sshrl.u32 s12, $0x3  }
0xe: {  	s12 =	simm.s32 $0x2800;
	s7 =	sadd.s32 $0x7000, s7;
	s8 =	sadd.s32 $0x38800, s8  }
.LBB2_1:
0xf: {  	[spmem:s10], [sflag:s6] =	dma.local [hbm:s5], $0x2780  }
0x10: {  	_ =	swait.ge [sflag:s11], $0x2780  }
0x11: {  	[sflag:s11] =	ssyncset.done $0x0  }
0x12: {  	[sflag:s11] =	ssyncadd.s32 $0xFFFFD880  }
0x13: {  	[tilespmem:s4], [sflag:$0x1] =	stream.linear.gather [hbm4b:s7+s4], $0x2780, $0x38;
	[tilespmem:$0x1A400] =	vst v63  }
0x14: {  	_ =	swait.ge [sflag:s11], $0x2780  }
0x15: {  	[sflag:s11] =	ssyncset.done $0x0  }
0x16: {  	[sflag:s11] =	ssyncadd.s32 $0xFFFFD880  }
0x17: {  	[tilespmem:s12], [sflag:$0x1] =	stream.linear.gather [hbm4b:s2+s4], $0x4000, $0x38;
	[tilespmem:$0x1A400] =	vst v63  }
0x18: {  	_ =	swait.ge [sflag:s11], $0x4000  }
0x19: {  	[sflag:s11] =	ssyncset.done $0x0  }
0x1a: {  	[sflag:s11] =	ssyncadd.s32 $0xFFFFC000  }
0x1b: {  	s15 =	simm.s32 $0x0;
	[bflag:$0x0] =	sbarrier.arrive $0xFFFF  }
0x1c: {  	[spmem:s3] =	stream.indirect.scatter.add.f32 [tilespmem:s12], [sflag:$0x1], $0x80, s15, s13, $0xb8;
	[tilespmem:$0x1A400] =	vst v63  }
0x1d: {  	_ =	swait.ge [sflag:s11], $0x4000  }
0x1e: {  	s15 =	simm.s32 $0x200;
	[sflag:s11] =	ssyncset.done $0x0  }
.LBB2_2:
0x1f: {  	s16 =	sshra.s32 s15, $0x2;
	[sflag:s11] =	ssyncadd.s32 $0xFFFFC000;
	p0 =	sne.s32 s15, $0x9C00  }
0x20: {  	[spmem:s3] =	stream.indirect.scatter.add.f32 [tilespmem:s12], [sflag:$0x1], $0x80, s16, s13, $0xb8;
	[tilespmem:$0x1A400] =	vst v63  }
.Ltmp0:
0x21: {  	_ = 	snop;
	(pc) =	sbr.rel @p0 .LBB2_2-.Ltmp0, $4  }
0x22: {  	_ = 	snop  }
0x23: {  	s15 =	sadd.s32 $0x200, s15  }
0x24: {  	_ =	swait.ge [sflag:s11], $0x4000  }
0x25: {  	[sflag:s11] =	ssyncset.done $0x0  }
0x26: {  	s14 =	sadd.s32 $0x1, s14  }
0x27: {  	[sflag:s11] =	ssyncadd.s32 $0xFFFFC000;
	p0 =	sne.s32 s14, s9  }
.Ltmp1:
0x28: {  	[bflag:$0x0] =	sbarrier.arrive $0xFFFF;
	(pc) =	sbr.rel @p0 .LBB2_1-.Ltmp1, $4  }
0x29: {  	[hbm:s8], [sflag:s6] =	dma.local [spmem:s10], $0x2780  }
0x2a: {  	_ =	swait.ge [sflag:s11], $0x2780  }
0x2b: {  	[sflag:s11] =	ssyncset.done $0x0  }
0x2c: {  	[sflag:s11] =	ssyncadd.s32 $0xFFFFD880  }
0x2d: {  	_ =	sfence.sel $0x180000  }
0x2e: {  	[bflag:$0x0] =	sbarrier.arrive $0xFFFF  }
0x2f: {  	p0 =	sne.s32 s0, $0x0;
	_ =	strace $0x90000047  }
0x30: {  	s0 =	sadd.s32 @!p0 $0x100000, s1;
	[bflag:$0x2] =	sbarrier.arrive $0xFFFF  }
0x31: {  	[sflag:s0] =	ssyncadd.tile.s32 @!p0 $0x1;
	_ =	shalt  }
.Lfunc_end2:
_tile_overlayer_lowered:
.L_overlay_start_2:
0x32: {  	(tag) =	ssettag $0x2  }
0x33: {  	s0 =	rddreg [dreg:$0x0];
	s2 =	stileid.u32  }
0x34: {  	s1 =	rddreg [dreg:$0x1];
	p0 =	sne.s32 s2, $0x0  }
0x35: {  	s3 =	rddreg [dreg:$0x2];
	[bflag:$0x3] =	sbarrier.arrive $0xFFFF;
	s2 =	simm.s32 @!p0 $0x1C01  }
0x36: {  	[timem:s3], [sflag:s2] =	dma.local @!p0 [hbm:s0], s1  }
0x37: {  	s0 =	simm.s32 @!p0 $0x1  }
0x38: {  	_ =	swait.ge @!p0 [sflag:s0], s1  }
0x39: {  	s1 =	ssub.s32 @!p0 $0x0, s1;
	[sflag:s0] =	ssyncset.done @!p0 $0x0  }
0x3a: {  	[sflag:s0] =	ssyncadd.s32 @!p0 s1  }
0x3b: {  	[bflag:$0x3] =	sbarrier.arrive $0xFFFF  }
0x3c: {  	_ =	shalt  }

// kernel: kernel.18.cloned.1.call-start
scs
__scs_entry_jumppad:
0x0: {  	(pc) =	sbr.rel $0x88, $3  }
0x1: {  	(tag) =	ssettag $0x0;
	lr =	simm.s32 $0x1  }
0x2: {  	[smem:$0x3F8F] =	sst lr;
	_ =	strace $0xD0000000  }
0x3: {  	_ = 	snop  }
0x4: {  	_ = 	snop  }
0x5: {  	_ = 	snop  }
0x6: {  	_ = 	snop  }
0x7: {  	_ = 	snop  }
__scs_overlays_trampoline_lowered:
0x8: {  	[smem:$0x3F9E] =	sst s0  }
0x9: {  	[smem:$0x3F9F] =	sst s1  }
0xa: {  	[smem:$0x3FA0] =	sst s2  }
0xb: {  	[smem:$0x3FA1] =	sst s3  }
0xc: {  	[smem:$0x3FA2] =	sst s4  }
0xd: {  	[smem:$0x3FA3] =	sst s5  }
0xe: {  	[smem:$0x3FA4] =	sst s6  }
0xf: {  	[smem:$0x3FA5] =	sst s7  }
0x10: {  	[smem:$0x3FA6] =	sst s8  }
0x11: {  	[smem:$0x3FA7] =	sst s9;
	s0 =	simm.s32 @!p0 $0x0  }
0x12: {  	s1 =	sld [smem:$0x3F8D];
	s0 =	simm.s32 @p0 $0x1  }
0x13: {  	[smem:$0x3FA8] =	sst s0;
	s0 =	simm.s32 @!p1 $0x0  }
0x14: {  	s2 =	sld [smem:$0x3F8C];
	s0 =	simm.s32 @p1 $0x1  }
0x15: {  	[smem:$0x3FA9] =	sst s0;
	s0 =	simm.s32 @!p2 $0x0  }
0x16: {  	s3 =	sld [smem:$0x3FDB];
	s0 =	simm.s32 @p2 $0x1  }
0x17: {  	s4 =	simm.s32 $0x1BF5;
	[smem:$0x3FAB] =	sst s0  }
0x18: {  	s0 =	sld [smem:$0x3F8E];
	_ =	swait.ge [sflag:s4], $0x0  }
0x19: {  	s7 =	sld [smem:$0x3F8F]  }
0x1a: {  	s8 =	sadd.s32 $0xFFFFE003, lr  }
0x1b: {  	s9 =	sadd.s32 $0xFFFFFEF7, lr;
	s5 =	simm.s32 $0xFFFFFFFF;
	p2 =	slt.u32 s8, $0xFFFFF086  }
0x1c: {  	p1 =	slt.u32 s9, $0xF7A;
	s5 =	simm.s32 @!p2 $0x0  }
0x1d: {  	s5 =	simm.s32 @p1 $0x1;
	p0 =	seq.s32 s7, s2  }
0x1e: {  	s7 =	smul.u32 @!p0 $0xF7A, s2;
	p2 =	seq.s32 @!p0 s5, $0x0  }
0x1f: {  	s9 =	smul.u32 $0xF7A, s1;
	s8 =	simm.s32 @!p0 $0x1BF5;
	p2 =	por !p2, p0  }
0x20: {  	[sflag:s8] =	ssyncset.s32 @!p0 $0xFFFFF086;
	s6 =	sadd.s32 @!p0 s3, s7;
	s7 =	simm.s32 @!p0 $0x108  }
0x21: {  	s3 =	sadd.s32 s3, s9;
	s6 =	sadd.s32 @!p0 $0x88, s6;
	s7 =	simm.s32 @p2 $0x1082  }
0x22: {  	[simem:s7], [sflag:s8] =	dma.local @!p0 [hbm:s6], $0xF7A  }
0x23: {  	s9 =	sor.u32 $0xD0000000, s2;
	s6 =	simm.s32 $0x108;
	_ =	swait.ge @!p0 [sflag:s8], $0x0  }
0x24: {  	s3 =	sadd.s32 $0x88, s3;
	s6 =	simm.s32 @!p1 $0x1082;
	[sflag:s4] =	ssyncset.s32 $0xFFFFF086  }
0x25: {  	[simem:s6], [sflag:s4] =	dma.local [hbm:s3], $0xF7A  }
0x26: {  	[smem:$0x3F8F] =	sst s1;
	(tag) =	ssettag s2;
	_ =	strace s9  }
0x27: {  	s1 =	sld [smem:$0x3F9F]  }
0x28: {  	s2 =	sld [smem:$0x3FA0]  }
0x29: {  	s4 =	sld [smem:$0x3FA2]  }
0x2a: {  	p0 =	seq.s32 s5, $0x0;
	s5 =	sld [smem:$0x3FA3]  }
0x2b: {  	s6 =	sld [smem:$0x3FA4]  }
0x2c: {  	s7 =	sld [smem:$0x3FA5]  }
0x2d: {  	s3 =	simm.s32 $0x108;
	s8 =	sld [smem:$0x3FA6]  }
0x2e: {  	s3 =	simm.s32 @!p0 $0x1082;
	s9 =	sld [smem:$0x3FA7]  }
0x2f: {  	lr =	sadd.s32 s0, s3;
	s0 =	sld [smem:$0x3F9E]  }
0x30: {  	s3 =	sld [smem:$0x3FA1]  }
0x31: {  	[smem:$0x3FAA] =	sst s10  }
0x32: {  	s10 =	sld [smem:$0x3FA8];
	_ =	sdelay $0x3  }
0x33: {  	p0 =	seq.s32 s10, $0x1;
	s10 =	sld [smem:$0x3FAA];
	_ =	sdelay $0x3  }
0x34: {  	[smem:$0x3FAA] =	sst s10  }
0x35: {  	s10 =	sld [smem:$0x3FA9];
	_ =	sdelay $0x3  }
0x36: {  	p1 =	seq.s32 s10, $0x1;
	s10 =	sld [smem:$0x3FAA];
	_ =	sdelay $0x3  }
0x37: {  	[smem:$0x3FAA] =	sst s10  }
0x38: {  	s10 =	sld [smem:$0x3FAB]  }
0x39: {  	_ = 	snop;
	(pc) =	sbr.ind lr, $3  }
0x3a: {  	_ = 	snop  }
0x3b: {  	_ = 	snop  }
0x3c: {  	p2 =	seq.s32 s10, $0x1;
	s10 =	sld [smem:$0x3FAA]  }
0x3d: {  	_ =	shalt  }
0x3e: {  	_ =	shalt  }
0x3f: {  	_ =	shalt  }
0x40: {  	_ =	shalt  }
0x41: {  	_ =	shalt  }
0x42: {  	_ =	shalt  }
0x43: {  	_ =	shalt  }
0x44: {  	_ =	shalt  }
0x45: {  	_ =	shalt  }
0x46: {  	_ =	shalt  }
0x47: {  	_ =	shalt  }
0x48: {  	_ =	shalt  }
0x49: {  	_ =	shalt  }
0x4a: {  	_ =	shalt  }
0x4b: {  	_ =	shalt  }
0x4c: {  	_ =	shalt  }
0x4d: {  	_ =	shalt  }
0x4e: {  	_ =	shalt  }
0x4f: {  	_ =	shalt  }
0x50: {  	_ =	shalt  }
0x51: {  	_ =	shalt  }
0x52: {  	_ =	shalt  }
0x53: {  	_ =	shalt  }
0x54: {  	_ =	shalt  }
0x55: {  	_ =	shalt  }
0x56: {  	_ =	shalt  }
0x57: {  	_ =	shalt  }
0x58: {  	_ =	shalt  }
0x59: {  	_ =	shalt  }
0x5a: {  	_ =	shalt  }
0x5b: {  	_ =	shalt  }
0x5c: {  	_ =	shalt  }
0x5d: {  	_ =	shalt  }
0x5e: {  	_ =	shalt  }
0x5f: {  	_ =	shalt  }
0x60: {  	_ =	shalt  }
0x61: {  	_ =	shalt  }
0x62: {  	_ =	shalt  }
0x63: {  	_ =	shalt  }
0x64: {  	_ =	shalt  }
0x65: {  	_ =	shalt  }
0x66: {  	_ =	shalt  }
0x67: {  	_ =	shalt  }
0x68: {  	_ =	shalt  }
0x69: {  	_ =	shalt  }
0x6a: {  	_ =	shalt  }
0x6b: {  	_ =	shalt  }
0x6c: {  	_ =	shalt  }
0x6d: {  	_ =	shalt  }
0x6e: {  	_ =	shalt  }
0x6f: {  	_ =	shalt  }
0x70: {  	_ =	shalt  }
0x71: {  	_ =	shalt  }
0x72: {  	_ =	shalt  }
0x73: {  	_ =	shalt  }
0x74: {  	_ =	shalt  }
0x75: {  	_ =	shalt  }
0x76: {  	_ =	shalt  }
0x77: {  	_ =	shalt  }
0x78: {  	_ =	shalt  }
0x79: {  	_ =	shalt  }
0x7a: {  	_ =	shalt  }
0x7b: {  	_ =	shalt  }
0x7c: {  	_ =	shalt  }
0x7d: {  	_ =	shalt  }
0x7e: {  	_ =	shalt  }
0x7f: {  	_ =	shalt  }
0x80: {  	_ =	shalt  }
0x81: {  	_ =	shalt  }
0x82: {  	_ =	shalt  }
0x83: {  	_ =	shalt  }
0x84: {  	_ =	shalt  }
0x85: {  	_ =	shalt  }
0x86: {  	_ =	shalt  }
0x87: {  	_ =	shalt  }
.Lfunc_end0:
.L_simem_size_0:
called_computation.1_lowered:
.L_overlay_start_0:
0x88: {  	s2 =	sld [smem:$0x3FD9]  }
0x89: {  	s3 =	sld [smem:$0x3FFE];
	_ =	sdelay $0x1  }
0x8a: {  	s1 =	srdreg.scid  }
0x8b: {  	s0 =	sand.u32 $0x1, s1  }
0x8c: {  	s17 =	sshll.u32 s0, $0xA;
	s2 =	sadd.s32 s3, s2  }
0x8d: {  	s2 =	sadd.s32 s2, s17  }
0x8e: {  	[smem:$0x3FB6] =	sst s2  }
0x8f: {  	_ = 	snop  }
0x90: {  	s2 =	sld [smem:$0x3FD0];
	(tm) =	ssettm $0x1  }
0x91: {  	s18 =	sld [smem:$0x3FFB];
	_ =	sdelay $0x3  }
0x92: {  	_ =	strace s18  }
0x93: {  	s3 =	sld [smem:$0x3FFC];
	_ =	sdelay $0x3  }
0x94: {  	_ =	strace s3  }
0x95: {  	s3 =	sld [smem:$0x3FFD];
	_ =	sdelay $0x3  }
0x96: {  	_ =	strace s3  }
0x97: {  	_ =	strace $0x8FFFFFFF  }
0x98: {  	s19 =	sld [smem:$0x3FDB];
	_ =	sdelay $0x1  }
0x99: {  	s4 =	simm.s32 $_scs_section_size  }
0x9a: {  	s5 =	simm.s32 $_size__tile_overlayer_lowered;
	s6 =	simm.s32 $_tile_overlayer_lowered  }
0x9b: {  	s22 =	simm.s32 $0x1BFF;
	s21 =	sshll.u32 s6, $0x1;
	s3 =	sadd.s32 s4, s19  }
0x9c: {  	s7 =	simm.s32 $0x0;
	s20 =	sshll.u32 s5, $0x1;
	s5 =	sadd.s32 s21, s3  }
0x9d: {  	[timem:s7], [sflag:s22] =	dma.local [hbm:s5], s20  }
0x9e: {  	_ =	swait.ge [sflag:s22], s20  }
0x9f: {  	s4 =	ssub.s32 $0x0, s20;
	[sflag:s22] =	ssyncset.done $0x0  }
0xa0: {  	[sflag:s22] =	ssyncadd.s32 s4;
	_ =	sdelay $0x1  }
0xa1: {  	s23 =	simm.s32 $0x1B8B  }
0xa2: {  	_ =	swait.ge [sflag:s23], $0x1  }
0xa3: {  	[sflag:s23] =	ssyncset.done $0x0  }
0xa4: {  	s25 =	simm.s32 $0x1B8E;
	s24 =	sld [smem:$0x3FFE];
	[sflag:s23] =	ssyncadd.s32 $0xFFFFFFFF  }
0xa5: {  	s26 =	simm.s32 $execute0_lowered;
	[smem:$0x3FD2] =	sst s25  }
0xa6: {  	s5 =	sshll.u32 s26, $0x1;
	_ =	strace $0x80000049;
	[dreg:$0x1] =	wrdreg $0xFFFFFFFF  }
0xa7: {  	s28 =	simm.s32 $_size_execute0_lowered;
	s3 =	sadd.s32 s3, s5;
	[dreg:$0x0] =	wrdreg $0x0  }
0xa8: {  	s5 =	sshll.u32 s28, $0x1;
	[dreg:$0x2] =	wrdreg s3  }
0xa9: {  	[dreg:$0x3] =	wrdreg s5  }
0xaa: {  	[dreg:$0x4] =	wrdreg $0xC0  }
0xab: {  	_ =	task [dreg:s7], $0x5FFFF  }
0xac: {  	[dreg:$0x1] =	wrdreg $0xFFFFFFFF  }
0xad: {  	[dreg:$0x0] =	wrdreg $0x60  }
0xae: {  	[dreg:$0x2] =	wrdreg s2  }
0xaf: {  	[dreg:$0x3] =	wrdreg s24  }
0xb0: {  	[dreg:$0x4] =	wrdreg $0x8F800  }
0xb1: {  	[dreg:$0x5] =	wrdreg $0x9  }
0xb2: {  	_ =	task.clear_ibuf [dreg:s7], $0x6FFFF;
	_ =	strace $0x90000049  }
0xb3: {  	s29 =	simm.s32 $0x9;
	_ =	strace $0x8000004B  }
0xb4: {  	_ =	swait.ge [sflag:s29], $0x1  }
0xb5: {  	[sflag:s29] =	ssyncadd.s32 $0xFFFFFFFF  }
0xb6: {  	_ =	strace $0x9000004B  }
0xb7: {  	_ =	sfence  }
0xb8: {  	s30 =	sld [smem:$0x0];
	_ =	sdelay $0x2  }
0xb9: {  	s31 =	sshll.u32 s1, $0xD;
	s1 =	sshrl.u32 s1, $0x2  }
0xba: {  	s3 =	sand.u32 $0x4000, s31;
	s1 =	sadd.s32 s1, s30  }
0xbb: {  	s0 =	sor.u32 s3, s0;
	s1 =	sshll.u32 s1, $0x11  }
0xbc: {  	s0 =	sor.u32 s1, s0  }
0xbd: {  	s0 =	sadd.s32 $0x8F2B, s0  }
0xbe: {  	[sflag:s0] =	ssyncadd.remote.s32 $0x1  }
0xbf: {  	_ =	sfence.sel $0xFFFF  }
0xc0: {  	[dreg:$0x0] =	wrdreg $0xFFFFFFFF;
	(pc) =	sbr.abs _section_cstart, $3  }
0xc1: {  	[dreg:$0x1] =	wrdreg $0xFFFFFFFF  }
0xc2: {  	_ =	task.clear_ibuf [dreg:s7], $0x2FFFF;
	_ =	strace $0x9FFFFFFF  }
0xc3: {  	(tm) =	ssettm $0x7FFFFFFF  }
tec
execute0_lowered:
.L_overlay_start_1:
0x0: {  	(tag) =	ssettag $0x1  }
0x1: {  	s1 =	rddreg [dreg:$0x0]  }
0x2: {  	s6 =	rddreg [dreg:$0x1]  }
0x3: {  	s0 =	srdreg.scid;
	s3 =	rddreg [dreg:$0x2]  }
0x4: {  	s4 =	simm.s32 $0x0;
	s14 =	simm.s32 $0x80;
	s15 =	simm.s32 $0x4F80  }
0x5: {  	s16 =	simm.s32 $0x1;
	s5 =	sand.u32 $0x1, s0;
	s0 =	stileid.u32  }
0x6: {  	s17 =	simm.s32 $0x0;
	[smem:$0x7FF] =	sst s4;
	s9 =	smul.u32 $0x13C00, s0  }
0x7: {  	s2 =	sshll.u32 s5, $0x4;
	s10 =	smul.u32 $0x13C000, s5;
	s5 =	ssub.s32 $0x2, s5  }
0x8: {  	s29 =	smul.u32 $0x4F000, s0;
	s31 =	sshll.u32 s0, $0x6;
	s7 =	sor.u32 s0, s2  }
0x9: {  	s2 =	rddreg [dreg:$0x3];
	_ =	strace $0x8000004A;
	s8 =	smul.u32 $0x4F0, s7  }
0xa: {  	s12 =	sshrl.u32 s5, $0x1;
	s7 =	smul.u32 $0x500, s7;
	s28 =	sshrl.u32 s9, $0x3  }
0xb: {  	s9 =	sadd.s32 s9, s10;
	s12 =	ssub.s32 s5, s12;
	s30 =	sshrl.u32 s29, $0x2  }
0xc: {  	s9 =	sshrl.u32 s9, $0x3;
	s13 =	sadd.s32 s30, s3;
	s10 =	smax.u32 s12, $0x1  }
0xd: {  	s12 =	simm.s32 $0x2;
	s8 =	sadd.s32 s8, s6;
	s11 =	sadd.s32 s7, s6  }
0xe: {  	s7 =	sadd.s32 s28, s6;
	s9 =	sadd.s32 s9, s6;
	s6 =	sor.u32 $0x1C02, s31  }
0xf: {  	s5 =	sadd.s32 $0x11000, s7;
	s7 =	sadd.s32 $0x87800, s8;
	s8 =	sadd.s32 $0x7000, s11  }
0x10: {  	s9 =	sadd.s32 $0xB8800, s9;
	s11 =	sshrl.u32 s13, $0x3;
	s13 =	simm.s32 $0x2780  }
.LBB2_1:
0x11: {  	[spmem:s11], [sflag:s6] =	dma.local [hbm:s5], $0x2780  }
0x12: {  	_ =	swait.ge [sflag:s12], $0x2780  }
0x13: {  	[sflag:s12] =	ssyncset.done $0x0  }
0x14: {  	[sflag:s12] =	ssyncadd.s32 $0xFFFFD880  }
0x15: {  	[tilespmem:s4], [sflag:$0x2] =	stream.linear.gather [hbm4b:s7+s4], $0x2780, $0x38;
	[tilespmem:$0x1CB80] =	vst v63  }
0x16: {  	_ =	swait.ge [sflag:s12], $0x2780  }
0x17: {  	[sflag:s12] =	ssyncset.done $0x0  }
0x18: {  	[sflag:s12] =	ssyncadd.s32 $0xFFFFD880  }
0x19: {  	[tilespmem:s13], [sflag:$0x2] =	stream.linear.gather [hbm4b:s8+s4], $0x2780, $0x38;
	[tilespmem:$0x1CB80] =	vst v63  }
0x1a: {  	_ =	swait.ge [sflag:s12], $0x2780  }
0x1b: {  	[sflag:s12] =	ssyncset.done $0x0  }
0x1c: {  	[sflag:s12] =	ssyncadd.s32 $0xFFFFD880  }
0x1d: {  	s18 =	simm.s32 $0x0;
	[bflag:$0x0] =	sbarrier.arrive $0xFFFF  }
0x1e: {  	[tilespmem:s15], [sflag:$0x1] =	stream.indirect.gather [hbm4b:s1+s14], $0x80, s18, s14, $0xb8;
	[tilespmem:$0x1CB80] =	vst v63  }
0x1f: {  	_ =	swait.ge [sflag:s16], $0x4000  }
0x20: {  	[sflag:s16] =	ssyncset.done $0x0  }
0x21: {  	s31 =	simm.s32 $0x2780;
	[sflag:s16] =	ssyncadd.s32 $0xFFFFC000  }
0x22: {  	[spmem:s3] =	stream.indirect.scatter.add.f32 [tilespmem:s15], [sflag:$0x2], $0x80, s31, s14, $0xb8;
	[tilespmem:$0x1CB80] =	vst v63  }
0x23: {  	_ =	swait.ge [sflag:s12], $0x4000  }
0x24: {  	s19 =	simm.s32 $0x400;
	s18 =	simm.s32 $0x200;
	[sflag:s12] =	ssyncset.done $0x0  }
.LBB2_2:
0x25: {  	s20 =	sshra.s32 s18, $0x2  }
0x26: {  	[sflag:s12] =	ssyncadd.s32 $0xFFFFC000;
	s18 =	smov.u32 s19;
	s21 =	sadd.s32 $0x200, s19  }
0x27: {  	[tilespmem:s15], [sflag:$0x1] =	stream.indirect.gather [hbm4b:s1+s14], $0x80, s20, s14, $0xb8;
	[tilespmem:$0x1CB80] =	vst v63  }
0x28: {  	p0 =	sne.s32 s19, $0x9C00;
	_ =	swait.ge [sflag:s16], $0x4000  }
.Ltmp0:
0x29: {  	[sflag:s16] =	ssyncset.done $0x0;
	(pc) =	sbr.rel @p0 .LBB2_2-.Ltmp0, $4  }
0x2a: {  	s19 =	sadd.s32 $0x2780, s20;
	[sflag:s16] =	ssyncadd.s32 $0xFFFFC000  }
0x2b: {  	[spmem:s3] =	stream.indirect.scatter.add.f32 [tilespmem:s15], [sflag:$0x2], $0x80, s19, s14, $0xb8;
	[tilespmem:$0x1CB80] =	vst v63  }
0x2c: {  	_ =	swait.ge [sflag:s12], $0x4000  }
0x2d: {  	s19 =	smov.u32 s21;
	[sflag:s12] =	ssyncset.done $0x0  }
0x2e: {  	s18 =	sshra.s32 s18, $0x2;
	[sflag:s12] =	ssyncadd.s32 $0xFFFFC000  }
0x2f: {  	[tilespmem:s15], [sflag:$0x1] =	stream.indirect.gather [hbm4b:s1+s14], $0x80, s18, s14, $0xb8;
	[tilespmem:$0x1CB80] =	vst v63  }
0x30: {  	_ =	swait.ge [sflag:s16], $0x4000  }
0x31: {  	[sflag:s16] =	ssyncset.done $0x0  }
0x32: {  	s18 =	sadd.s32 $0x2780, s18;
	[sflag:s16] =	ssyncadd.s32 $0xFFFFC000  }
0x33: {  	[spmem:s3] =	stream.indirect.scatter.add.f32 [tilespmem:s15], [sflag:$0x2], $0x80, s18, s14, $0xb8;
	[tilespmem:$0x1CB80] =	vst v63  }
0x34: {  	_ =	swait.ge [sflag:s12], $0x4000  }
0x35: {  	s17 =	sadd.s32 $0x1, s17;
	[sflag:s12] =	ssyncset.done $0x0  }
0x36: {  	p0 =	sne.s32 s17, s10;
	[sflag:s12] =	ssyncadd.s32 $0xFFFFC000  }
.Ltmp1:
0x37: {  	[bflag:$0x0] =	sbarrier.arrive $0xFFFF;
	(pc) =	sbr.rel @p0 .LBB2_1-.Ltmp1, $4  }
0x38: {  	[hbm:s9], [sflag:s6] =	dma.local [spmem:s11], $0x2780  }
0x39: {  	_ =	swait.ge [sflag:s12], $0x2780  }
0x3a: {  	[sflag:s12] =	ssyncset.done $0x0  }
0x3b: {  	[sflag:s12] =	ssyncadd.s32 $0xFFFFD880  }
0x3c: {  	_ =	sfence.sel $0x180000  }
0x3d: {  	[bflag:$0x0] =	sbarrier.arrive $0xFFFF  }
0x3e: {  	p0 =	sne.s32 s0, $0x0;
	_ =	strace $0x9000004A  }
0x3f: {  	s0 =	sadd.s32 @!p0 $0x100000, s2;
	[bflag:$0x2] =	sbarrier.arrive $0xFFFF  }
0x40: {  	[sflag:s0] =	ssyncadd.tile.s32 @!p0 $0x1;
	_ =	shalt  }
.Lfunc_end2:
_tile_overlayer_lowered:
.L_overlay_start_2:
0x41: {  	(tag) =	ssettag $0x2  }
0x42: {  	s0 =	rddreg [dreg:$0x0];
	s2 =	stileid.u32  }
0x43: {  	s1 =	rddreg [dreg:$0x1];
	p0 =	sne.s32 s2, $0x0  }
0x44: {  	s3 =	rddreg [dreg:$0x2];
	[bflag:$0x3] =	sbarrier.arrive $0xFFFF;
	s2 =	simm.s32 @!p0 $0x1C02  }
0x45: {  	[timem:s3], [sflag:s2] =	dma.local @!p0 [hbm:s0], s1  }
0x46: {  	s0 =	simm.s32 @!p0 $0x2  }
0x47: {  	_ =	swait.ge @!p0 [sflag:s0], s1  }
0x48: {  	s1 =	ssub.s32 @!p0 $0x0, s1;
	[sflag:s0] =	ssyncset.done @!p0 $0x0  }
0x49: {  	[sflag:s0] =	ssyncadd.s32 @!p0 s1  }
0x4a: {  	[bflag:$0x3] =	sbarrier.arrive $0xFFFF  }
0x4b: {  	_ =	shalt  }

// kernel: kernel.21.cloned.1.call-start
scs
__scs_entry_jumppad:
0x0: {  	(pc) =	sbr.rel $0x88, $3  }
0x1: {  	(tag) =	ssettag $0x0;
	lr =	simm.s32 $0x1  }
0x2: {  	[smem:$0x3F8F] =	sst lr;
	_ =	strace $0xD0000000  }
0x3: {  	_ = 	snop  }
0x4: {  	_ = 	snop  }
0x5: {  	_ = 	snop  }
0x6: {  	_ = 	snop  }
0x7: {  	_ = 	snop  }
__scs_overlays_trampoline_lowered:
0x8: {  	[smem:$0x3F9E] =	sst s0  }
0x9: {  	[smem:$0x3F9F] =	sst s1  }
0xa: {  	[smem:$0x3FA0] =	sst s2  }
0xb: {  	[smem:$0x3FA1] =	sst s3  }
0xc: {  	[smem:$0x3FA2] =	sst s4  }
0xd: {  	[smem:$0x3FA3] =	sst s5  }
0xe: {  	[smem:$0x3FA4] =	sst s6  }
0xf: {  	[smem:$0x3FA5] =	sst s7  }
0x10: {  	[smem:$0x3FA6] =	sst s8  }
0x11: {  	[smem:$0x3FA7] =	sst s9;
	s0 =	simm.s32 @!p0 $0x0  }
0x12: {  	s1 =	sld [smem:$0x3F8D];
	s0 =	simm.s32 @p0 $0x1  }
0x13: {  	[smem:$0x3FA8] =	sst s0;
	s0 =	simm.s32 @!p1 $0x0  }
0x14: {  	s2 =	sld [smem:$0x3F8C];
	s0 =	simm.s32 @p1 $0x1  }
0x15: {  	[smem:$0x3FA9] =	sst s0;
	s0 =	simm.s32 @!p2 $0x0  }
0x16: {  	s3 =	sld [smem:$0x3FDB];
	s0 =	simm.s32 @p2 $0x1  }
0x17: {  	s4 =	simm.s32 $0x1BF5;
	[smem:$0x3FAB] =	sst s0  }
0x18: {  	s0 =	sld [smem:$0x3F8E];
	_ =	swait.ge [sflag:s4], $0x0  }
0x19: {  	s7 =	sld [smem:$0x3F8F]  }
0x1a: {  	s8 =	sadd.s32 $0xFFFFE003, lr  }
0x1b: {  	s9 =	sadd.s32 $0xFFFFFEF7, lr;
	s5 =	simm.s32 $0xFFFFFFFF;
	p2 =	slt.u32 s8, $0xFFFFF086  }
0x1c: {  	p1 =	slt.u32 s9, $0xF7A;
	s5 =	simm.s32 @!p2 $0x0  }
0x1d: {  	s5 =	simm.s32 @p1 $0x1;
	p0 =	seq.s32 s7, s2  }
0x1e: {  	s7 =	smul.u32 @!p0 $0xF7A, s2;
	p2 =	seq.s32 @!p0 s5, $0x0  }
0x1f: {  	s9 =	smul.u32 $0xF7A, s1;
	s8 =	simm.s32 @!p0 $0x1BF5;
	p2 =	por !p2, p0  }
0x20: {  	[sflag:s8] =	ssyncset.s32 @!p0 $0xFFFFF086;
	s6 =	sadd.s32 @!p0 s3, s7;
	s7 =	simm.s32 @!p0 $0x108  }
0x21: {  	s3 =	sadd.s32 s3, s9;
	s6 =	sadd.s32 @!p0 $0x88, s6;
	s7 =	simm.s32 @p2 $0x1082  }
0x22: {  	[simem:s7], [sflag:s8] =	dma.local @!p0 [hbm:s6], $0xF7A  }
0x23: {  	s9 =	sor.u32 $0xD0000000, s2;
	s6 =	simm.s32 $0x108;
	_ =	swait.ge @!p0 [sflag:s8], $0x0  }
0x24: {  	s3 =	sadd.s32 $0x88, s3;
	s6 =	simm.s32 @!p1 $0x1082;
	[sflag:s4] =	ssyncset.s32 $0xFFFFF086  }
0x25: {  	[simem:s6], [sflag:s4] =	dma.local [hbm:s3], $0xF7A  }
0x26: {  	[smem:$0x3F8F] =	sst s1;
	(tag) =	ssettag s2;
	_ =	strace s9  }
0x27: {  	s1 =	sld [smem:$0x3F9F]  }
0x28: {  	s2 =	sld [smem:$0x3FA0]  }
0x29: {  	s4 =	sld [smem:$0x3FA2]  }
0x2a: {  	p0 =	seq.s32 s5, $0x0;
	s5 =	sld [smem:$0x3FA3]  }
0x2b: {  	s6 =	sld [smem:$0x3FA4]  }
0x2c: {  	s7 =	sld [smem:$0x3FA5]  }
0x2d: {  	s3 =	simm.s32 $0x108;
	s8 =	sld [smem:$0x3FA6]  }
0x2e: {  	s3 =	simm.s32 @!p0 $0x1082;
	s9 =	sld [smem:$0x3FA7]  }
0x2f: {  	lr =	sadd.s32 s0, s3;
	s0 =	sld [smem:$0x3F9E]  }
0x30: {  	s3 =	sld [smem:$0x3FA1]  }
0x31: {  	[smem:$0x3FAA] =	sst s10  }
0x32: {  	s10 =	sld [smem:$0x3FA8];
	_ =	sdelay $0x3  }
0x33: {  	p0 =	seq.s32 s10, $0x1;
	s10 =	sld [smem:$0x3FAA];
	_ =	sdelay $0x3  }
0x34: {  	[smem:$0x3FAA] =	sst s10  }
0x35: {  	s10 =	sld [smem:$0x3FA9];
	_ =	sdelay $0x3  }
0x36: {  	p1 =	seq.s32 s10, $0x1;
	s10 =	sld [smem:$0x3FAA];
	_ =	sdelay $0x3  }
0x37: {  	[smem:$0x3FAA] =	sst s10  }
0x38: {  	s10 =	sld [smem:$0x3FAB]  }
0x39: {  	_ = 	snop;
	(pc) =	sbr.ind lr, $3  }
0x3a: {  	_ = 	snop  }
0x3b: {  	_ = 	snop  }
0x3c: {  	p2 =	seq.s32 s10, $0x1;
	s10 =	sld [smem:$0x3FAA]  }
0x3d: {  	_ =	shalt  }
0x3e: {  	_ =	shalt  }
0x3f: {  	_ =	shalt  }
0x40: {  	_ =	shalt  }
0x41: {  	_ =	shalt  }
0x42: {  	_ =	shalt  }
0x43: {  	_ =	shalt  }
0x44: {  	_ =	shalt  }
0x45: {  	_ =	shalt  }
0x46: {  	_ =	shalt  }
0x47: {  	_ =	shalt  }
0x48: {  	_ =	shalt  }
0x49: {  	_ =	shalt  }
0x4a: {  	_ =	shalt  }
0x4b: {  	_ =	shalt  }
0x4c: {  	_ =	shalt  }
0x4d: {  	_ =	shalt  }
0x4e: {  	_ =	shalt  }
0x4f: {  	_ =	shalt  }
0x50: {  	_ =	shalt  }
0x51: {  	_ =	shalt  }
0x52: {  	_ =	shalt  }
0x53: {  	_ =	shalt  }
0x54: {  	_ =	shalt  }
0x55: {  	_ =	shalt  }
0x56: {  	_ =	shalt  }
0x57: {  	_ =	shalt  }
0x58: {  	_ =	shalt  }
0x59: {  	_ =	shalt  }
0x5a: {  	_ =	shalt  }
0x5b: {  	_ =	shalt  }
0x5c: {  	_ =	shalt  }
0x5d: {  	_ =	shalt  }
0x5e: {  	_ =	shalt  }
0x5f: {  	_ =	shalt  }
0x60: {  	_ =	shalt  }
0x61: {  	_ =	shalt  }
0x62: {  	_ =	shalt  }
0x63: {  	_ =	shalt  }
0x64: {  	_ =	shalt  }
0x65: {  	_ =	shalt  }
0x66: {  	_ =	shalt  }
0x67: {  	_ =	shalt  }
0x68: {  	_ =	shalt  }
0x69: {  	_ =	shalt  }
0x6a: {  	_ =	shalt  }
0x6b: {  	_ =	shalt  }
0x6c: {  	_ =	shalt  }
0x6d: {  	_ =	shalt  }
0x6e: {  	_ =	shalt  }
0x6f: {  	_ =	shalt  }
0x70: {  	_ =	shalt  }
0x71: {  	_ =	shalt  }
0x72: {  	_ =	shalt  }
0x73: {  	_ =	shalt  }
0x74: {  	_ =	shalt  }
0x75: {  	_ =	shalt  }
0x76: {  	_ =	shalt  }
0x77: {  	_ =	shalt  }
0x78: {  	_ =	shalt  }
0x79: {  	_ =	shalt  }
0x7a: {  	_ =	shalt  }
0x7b: {  	_ =	shalt  }
0x7c: {  	_ =	shalt  }
0x7d: {  	_ =	shalt  }
0x7e: {  	_ =	shalt  }
0x7f: {  	_ =	shalt  }
0x80: {  	_ =	shalt  }
0x81: {  	_ =	shalt  }
0x82: {  	_ =	shalt  }
0x83: {  	_ =	shalt  }
0x84: {  	_ =	shalt  }
0x85: {  	_ =	shalt  }
0x86: {  	_ =	shalt  }
0x87: {  	_ =	shalt  }
.Lfunc_end0:
.L_simem_size_0:
called_computation.2_lowered:
.L_overlay_start_0:
0x88: {  	s2 =	sld [smem:$0x3FD9]  }
0x89: {  	s3 =	sld [smem:$0x3FFE];
	_ =	sdelay $0x1  }
0x8a: {  	s1 =	srdreg.scid  }
0x8b: {  	s0 =	sand.u32 $0x1, s1  }
0x8c: {  	s17 =	sshll.u32 s0, $0xA;
	s2 =	sadd.s32 s3, s2  }
0x8d: {  	s2 =	sadd.s32 s2, s17  }
0x8e: {  	[smem:$0x3FB6] =	sst s2  }
0x8f: {  	_ = 	snop  }
0x90: {  	s2 =	sld [smem:$0x3FD0];
	(tm) =	ssettm $0x1  }
0x91: {  	s18 =	sld [smem:$0x3FFB];
	_ =	sdelay $0x3  }
0x92: {  	_ =	strace s18  }
0x93: {  	s3 =	sld [smem:$0x3FFC];
	_ =	sdelay $0x3  }
0x94: {  	_ =	strace s3  }
0x95: {  	s3 =	sld [smem:$0x3FFD];
	_ =	sdelay $0x3  }
0x96: {  	_ =	strace s3  }
0x97: {  	_ =	strace $0x8FFFFFFF  }
0x98: {  	s19 =	sld [smem:$0x3FDB];
	_ =	sdelay $0x1  }
0x99: {  	s4 =	simm.s32 $_scs_section_size  }
0x9a: {  	s5 =	simm.s32 $_size__tile_overlayer_lowered;
	s6 =	simm.s32 $_tile_overlayer_lowered  }
0x9b: {  	s22 =	simm.s32 $0x1BFF;
	s21 =	sshll.u32 s6, $0x1;
	s3 =	sadd.s32 s4, s19  }
0x9c: {  	s7 =	simm.s32 $0x0;
	s20 =	sshll.u32 s5, $0x1;
	s5 =	sadd.s32 s21, s3  }
0x9d: {  	[timem:s7], [sflag:s22] =	dma.local [hbm:s5], s20  }
0x9e: {  	_ =	swait.ge [sflag:s22], s20  }
0x9f: {  	s4 =	ssub.s32 $0x0, s20;
	[sflag:s22] =	ssyncset.done $0x0  }
0xa0: {  	[sflag:s22] =	ssyncadd.s32 s4;
	_ =	sdelay $0x1  }
0xa1: {  	s23 =	simm.s32 $0x1B8B  }
0xa2: {  	_ =	swait.ge [sflag:s23], $0x1  }
0xa3: {  	[sflag:s23] =	ssyncset.done $0x0  }
0xa4: {  	s25 =	simm.s32 $0x1B8E;
	s24 =	sld [smem:$0x3FFE];
	[sflag:s23] =	ssyncadd.s32 $0xFFFFFFFF  }
0xa5: {  	s26 =	simm.s32 $execute0_lowered;
	[smem:$0x3FD2] =	sst s25  }
0xa6: {  	s5 =	sshll.u32 s26, $0x1;
	_ =	strace $0x8000004C;
	[dreg:$0x1] =	wrdreg $0xFFFFFFFF  }
0xa7: {  	s28 =	simm.s32 $_size_execute0_lowered;
	s3 =	sadd.s32 s3, s5;
	[dreg:$0x0] =	wrdreg $0x0  }
0xa8: {  	s5 =	sshll.u32 s28, $0x1;
	[dreg:$0x2] =	wrdreg s3  }
0xa9: {  	[dreg:$0x3] =	wrdreg s5  }
0xaa: {  	[dreg:$0x4] =	wrdreg $0xC0  }
0xab: {  	_ =	task [dreg:s7], $0x5FFFF  }
0xac: {  	[dreg:$0x1] =	wrdreg $0xFFFFFFFF  }
0xad: {  	[dreg:$0x0] =	wrdreg $0x60  }
0xae: {  	[dreg:$0x2] =	wrdreg s2  }
0xaf: {  	[dreg:$0x3] =	wrdreg s24  }
0xb0: {  	[dreg:$0x4] =	wrdreg $0x8F800  }
0xb1: {  	[dreg:$0x5] =	wrdreg $0x9  }
0xb2: {  	_ =	task.clear_ibuf [dreg:s7], $0x6FFFF;
	_ =	strace $0x9000004C  }
0xb3: {  	s29 =	simm.s32 $0x9;
	_ =	strace $0x8000004E  }
0xb4: {  	_ =	swait.ge [sflag:s29], $0x1  }
0xb5: {  	[sflag:s29] =	ssyncadd.s32 $0xFFFFFFFF  }
0xb6: {  	_ =	strace $0x9000004E  }
0xb7: {  	_ =	sfence  }
0xb8: {  	s30 =	sld [smem:$0x0];
	_ =	sdelay $0x2  }
0xb9: {  	s31 =	sshll.u32 s1, $0xD;
	s1 =	sshrl.u32 s1, $0x2  }
0xba: {  	s3 =	sand.u32 $0x4000, s31;
	s1 =	sadd.s32 s1, s30  }
0xbb: {  	s0 =	sor.u32 s3, s0;
	s1 =	sshll.u32 s1, $0x11  }
0xbc: {  	s0 =	sor.u32 s1, s0  }
0xbd: {  	s0 =	sadd.s32 $0x8F2B, s0  }
0xbe: {  	[sflag:s0] =	ssyncadd.remote.s32 $0x1  }
0xbf: {  	_ =	sfence.sel $0xFFFF  }
0xc0: {  	[dreg:$0x0] =	wrdreg $0xFFFFFFFF;
	(pc) =	sbr.abs _section_cstart, $3  }
0xc1: {  	[dreg:$0x1] =	wrdreg $0xFFFFFFFF  }
0xc2: {  	_ =	task.clear_ibuf [dreg:s7], $0x2FFFF;
	_ =	strace $0x9FFFFFFF  }
0xc3: {  	(tm) =	ssettm $0x7FFFFFFF  }
tec
execute0_lowered:
.L_overlay_start_1:
0x0: {  	(tag) =	ssettag $0x1  }
0x1: {  	s1 =	rddreg [dreg:$0x0]  }
0x2: {  	s6 =	rddreg [dreg:$0x1]  }
0x3: {  	s0 =	srdreg.scid;
	s3 =	rddreg [dreg:$0x2]  }
0x4: {  	s4 =	simm.s32 $0x0;
	s14 =	simm.s32 $0x80;
	s15 =	simm.s32 $0x4F80  }
0x5: {  	s16 =	simm.s32 $0x1;
	s5 =	sand.u32 $0x1, s0;
	s0 =	stileid.u32  }
0x6: {  	s17 =	simm.s32 $0x0;
	[smem:$0x7FF] =	sst s4;
	s9 =	smul.u32 $0x13C00, s0  }
0x7: {  	s2 =	sshll.u32 s5, $0x4;
	s10 =	smul.u32 $0x13C000, s5;
	s5 =	ssub.s32 $0x2, s5  }
0x8: {  	s29 =	smul.u32 $0x4F000, s0;
	s31 =	sshll.u32 s0, $0x6;
	s7 =	sor.u32 s0, s2  }
0x9: {  	s2 =	rddreg [dreg:$0x3];
	_ =	strace $0x8000004D;
	s8 =	smul.u32 $0x4F0, s7  }
0xa: {  	s12 =	sshrl.u32 s5, $0x1;
	s7 =	smul.u32 $0x500, s7;
	s28 =	sshrl.u32 s9, $0x3  }
0xb: {  	s9 =	sadd.s32 s9, s10;
	s12 =	ssub.s32 s5, s12;
	s30 =	sshrl.u32 s29, $0x2  }
0xc: {  	s9 =	sshrl.u32 s9, $0x3;
	s13 =	sadd.s32 s30, s3;
	s10 =	smax.u32 s12, $0x1  }
0xd: {  	s12 =	simm.s32 $0x2;
	s8 =	sadd.s32 s8, s6;
	s11 =	sadd.s32 s7, s6  }
0xe: {  	s7 =	sadd.s32 s28, s6;
	s9 =	sadd.s32 s9, s6;
	s6 =	sor.u32 $0x1C02, s31  }
0xf: {  	s5 =	sadd.s32 $0x11000, s7;
	s7 =	sadd.s32 $0x87800, s8;
	s8 =	sadd.s32 $0x7000, s11  }
0x10: {  	s9 =	sadd.s32 $0x91600, s9;
	s11 =	sshrl.u32 s13, $0x3;
	s13 =	simm.s32 $0x2780  }
.LBB2_1:
0x11: {  	[spmem:s11], [sflag:s6] =	dma.local [hbm:s5], $0x2780  }
0x12: {  	_ =	swait.ge [sflag:s12], $0x2780  }
0x13: {  	[sflag:s12] =	ssyncset.done $0x0  }
0x14: {  	[sflag:s12] =	ssyncadd.s32 $0xFFFFD880  }
0x15: {  	[tilespmem:s4], [sflag:$0x2] =	stream.linear.gather [hbm4b:s7+s4], $0x2780, $0x38;
	[tilespmem:$0x1CB80] =	vst v63  }
0x16: {  	_ =	swait.ge [sflag:s12], $0x2780  }
0x17: {  	[sflag:s12] =	ssyncset.done $0x0  }
0x18: {  	[sflag:s12] =	ssyncadd.s32 $0xFFFFD880  }
0x19: {  	[tilespmem:s13], [sflag:$0x2] =	stream.linear.gather [hbm4b:s8+s4], $0x2780, $0x38;
	[tilespmem:$0x1CB80] =	vst v63  }
0x1a: {  	_ =	swait.ge [sflag:s12], $0x2780  }
0x1b: {  	[sflag:s12] =	ssyncset.done $0x0  }
0x1c: {  	[sflag:s12] =	ssyncadd.s32 $0xFFFFD880  }
0x1d: {  	s18 =	simm.s32 $0x0;
	[bflag:$0x0] =	sbarrier.arrive $0xFFFF  }
0x1e: {  	[tilespmem:s15], [sflag:$0x1] =	stream.indirect.gather [hbm4b:s1+s14], $0x80, s18, s14, $0xb8;
	[tilespmem:$0x1CB80] =	vst v63  }
0x1f: {  	_ =	swait.ge [sflag:s16], $0x4000  }
0x20: {  	[sflag:s16] =	ssyncset.done $0x0  }
0x21: {  	s31 =	simm.s32 $0x2780;
	[sflag:s16] =	ssyncadd.s32 $0xFFFFC000  }
0x22: {  	[spmem:s3] =	stream.indirect.scatter.add.f32 [tilespmem:s15], [sflag:$0x2], $0x80, s31, s14, $0xb8;
	[tilespmem:$0x1CB80] =	vst v63  }
0x23: {  	_ =	swait.ge [sflag:s12], $0x4000  }
0x24: {  	s19 =	simm.s32 $0x400;
	s18 =	simm.s32 $0x200;
	[sflag:s12] =	ssyncset.done $0x0  }
.LBB2_2:
0x25: {  	s20 =	sshra.s32 s18, $0x2  }
0x26: {  	[sflag:s12] =	ssyncadd.s32 $0xFFFFC000;
	s18 =	smov.u32 s19;
	s21 =	sadd.s32 $0x200, s19  }
0x27: {  	[tilespmem:s15], [sflag:$0x1] =	stream.indirect.gather [hbm4b:s1+s14], $0x80, s20, s14, $0xb8;
	[tilespmem:$0x1CB80] =	vst v63  }
0x28: {  	p0 =	sne.s32 s19, $0x9C00;
	_ =	swait.ge [sflag:s16], $0x4000  }
.Ltmp0:
0x29: {  	[sflag:s16] =	ssyncset.done $0x0;
	(pc) =	sbr.rel @p0 .LBB2_2-.Ltmp0, $4  }
0x2a: {  	s19 =	sadd.s32 $0x2780, s20;
	[sflag:s16] =	ssyncadd.s32 $0xFFFFC000  }
0x2b: {  	[spmem:s3] =	stream.indirect.scatter.add.f32 [tilespmem:s15], [sflag:$0x2], $0x80, s19, s14, $0xb8;
	[tilespmem:$0x1CB80] =	vst v63  }
0x2c: {  	_ =	swait.ge [sflag:s12], $0x4000  }
0x2d: {  	s19 =	smov.u32 s21;
	[sflag:s12] =	ssyncset.done $0x0  }
0x2e: {  	s18 =	sshra.s32 s18, $0x2;
	[sflag:s12] =	ssyncadd.s32 $0xFFFFC000  }
0x2f: {  	[tilespmem:s15], [sflag:$0x1] =	stream.indirect.gather [hbm4b:s1+s14], $0x80, s18, s14, $0xb8;
	[tilespmem:$0x1CB80] =	vst v63  }
0x30: {  	_ =	swait.ge [sflag:s16], $0x4000  }
0x31: {  	[sflag:s16] =	ssyncset.done $0x0  }
0x32: {  	s18 =	sadd.s32 $0x2780, s18;
	[sflag:s16] =	ssyncadd.s32 $0xFFFFC000  }
0x33: {  	[spmem:s3] =	stream.indirect.scatter.add.f32 [tilespmem:s15], [sflag:$0x2], $0x80, s18, s14, $0xb8;
	[tilespmem:$0x1CB80] =	vst v63  }
0x34: {  	_ =	swait.ge [sflag:s12], $0x4000  }
0x35: {  	s17 =	sadd.s32 $0x1, s17;
	[sflag:s12] =	ssyncset.done $0x0  }
0x36: {  	p0 =	sne.s32 s17, s10;
	[sflag:s12] =	ssyncadd.s32 $0xFFFFC000  }
.Ltmp1:
0x37: {  	[bflag:$0x0] =	sbarrier.arrive $0xFFFF;
	(pc) =	sbr.rel @p0 .LBB2_1-.Ltmp1, $4  }
0x38: {  	[hbm:s9], [sflag:s6] =	dma.local [spmem:s11], $0x2780  }
0x39: {  	_ =	swait.ge [sflag:s12], $0x2780  }
0x3a: {  	[sflag:s12] =	ssyncset.done $0x0  }
0x3b: {  	[sflag:s12] =	ssyncadd.s32 $0xFFFFD880  }
0x3c: {  	_ =	sfence.sel $0x180000  }
0x3d: {  	[bflag:$0x0] =	sbarrier.arrive $0xFFFF  }
0x3e: {  	p0 =	sne.s32 s0, $0x0;
	_ =	strace $0x9000004D  }
0x3f: {  	s0 =	sadd.s32 @!p0 $0x100000, s2;
	[bflag:$0x2] =	sbarrier.arrive $0xFFFF  }
0x40: {  	[sflag:s0] =	ssyncadd.tile.s32 @!p0 $0x1;
	_ =	shalt  }
.Lfunc_end2:
_tile_overlayer_lowered:
.L_overlay_start_2:
0x41: {  	(tag) =	ssettag $0x2  }
0x42: {  	s0 =	rddreg [dreg:$0x0];
	s2 =	stileid.u32  }
0x43: {  	s1 =	rddreg [dreg:$0x1];
	p0 =	sne.s32 s2, $0x0  }
0x44: {  	s3 =	rddreg [dreg:$0x2];
	[bflag:$0x3] =	sbarrier.arrive $0xFFFF;
	s2 =	simm.s32 @!p0 $0x1C02  }
0x45: {  	[timem:s3], [sflag:s2] =	dma.local @!p0 [hbm:s0], s1  }
0x46: {  	s0 =	simm.s32 @!p0 $0x2  }
0x47: {  	_ =	swait.ge @!p0 [sflag:s0], s1  }
0x48: {  	s1 =	ssub.s32 @!p0 $0x0, s1;
	[sflag:s0] =	ssyncset.done @!p0 $0x0  }
0x49: {  	[sflag:s0] =	ssyncadd.s32 @!p0 s1  }
0x4a: {  	[bflag:$0x3] =	sbarrier.arrive $0xFFFF  }
0x4b: {  	_ =	shalt  }

// kernel: kernel.24.cloned.1.call-start
scs
__scs_entry_jumppad:
0x0: {  	(pc) =	sbr.rel $0x88, $3  }
0x1: {  	(tag) =	ssettag $0x0;
	lr =	simm.s32 $0x1  }
0x2: {  	[smem:$0x3F8F] =	sst lr;
	_ =	strace $0xD0000000  }
0x3: {  	_ = 	snop  }
0x4: {  	_ = 	snop  }
0x5: {  	_ = 	snop  }
0x6: {  	_ = 	snop  }
0x7: {  	_ = 	snop  }
__scs_overlays_trampoline_lowered:
0x8: {  	[smem:$0x3F9E] =	sst s0  }
0x9: {  	[smem:$0x3F9F] =	sst s1  }
0xa: {  	[smem:$0x3FA0] =	sst s2  }
0xb: {  	[smem:$0x3FA1] =	sst s3  }
0xc: {  	[smem:$0x3FA2] =	sst s4  }
0xd: {  	[smem:$0x3FA3] =	sst s5  }
0xe: {  	[smem:$0x3FA4] =	sst s6  }
0xf: {  	[smem:$0x3FA5] =	sst s7  }
0x10: {  	[smem:$0x3FA6] =	sst s8  }
0x11: {  	[smem:$0x3FA7] =	sst s9;
	s0 =	simm.s32 @!p0 $0x0  }
0x12: {  	s1 =	sld [smem:$0x3F8D];
	s0 =	simm.s32 @p0 $0x1  }
0x13: {  	[smem:$0x3FA8] =	sst s0;
	s0 =	simm.s32 @!p1 $0x0  }
0x14: {  	s2 =	sld [smem:$0x3F8C];
	s0 =	simm.s32 @p1 $0x1  }
0x15: {  	[smem:$0x3FA9] =	sst s0;
	s0 =	simm.s32 @!p2 $0x0  }
0x16: {  	s3 =	sld [smem:$0x3FDB];
	s0 =	simm.s32 @p2 $0x1  }
0x17: {  	s4 =	simm.s32 $0x1BF5;
	[smem:$0x3FAB] =	sst s0  }
0x18: {  	s0 =	sld [smem:$0x3F8E];
	_ =	swait.ge [sflag:s4], $0x0  }
0x19: {  	s7 =	sld [smem:$0x3F8F]  }
0x1a: {  	s8 =	sadd.s32 $0xFFFFE003, lr  }
0x1b: {  	s9 =	sadd.s32 $0xFFFFFEF7, lr;
	s5 =	simm.s32 $0xFFFFFFFF;
	p2 =	slt.u32 s8, $0xFFFFF086  }
0x1c: {  	p1 =	slt.u32 s9, $0xF7A;
	s5 =	simm.s32 @!p2 $0x0  }
0x1d: {  	s5 =	simm.s32 @p1 $0x1;
	p0 =	seq.s32 s7, s2  }
0x1e: {  	s7 =	smul.u32 @!p0 $0xF7A, s2;
	p2 =	seq.s32 @!p0 s5, $0x0  }
0x1f: {  	s9 =	smul.u32 $0xF7A, s1;
	s8 =	simm.s32 @!p0 $0x1BF5;
	p2 =	por !p2, p0  }
0x20: {  	[sflag:s8] =	ssyncset.s32 @!p0 $0xFFFFF086;
	s6 =	sadd.s32 @!p0 s3, s7;
	s7 =	simm.s32 @!p0 $0x108  }
0x21: {  	s3 =	sadd.s32 s3, s9;
	s6 =	sadd.s32 @!p0 $0x88, s6;
	s7 =	simm.s32 @p2 $0x1082  }
0x22: {  	[simem:s7], [sflag:s8] =	dma.local @!p0 [hbm:s6], $0xF7A  }
0x23: {  	s9 =	sor.u32 $0xD0000000, s2;
	s6 =	simm.s32 $0x108;
	_ =	swait.ge @!p0 [sflag:s8], $0x0  }
0x24: {  	s3 =	sadd.s32 $0x88, s3;
	s6 =	simm.s32 @!p1 $0x1082;
	[sflag:s4] =	ssyncset.s32 $0xFFFFF086  }
0x25: {  	[simem:s6], [sflag:s4] =	dma.local [hbm:s3], $0xF7A  }
0x26: {  	[smem:$0x3F8F] =	sst s1;
	(tag) =	ssettag s2;
	_ =	strace s9  }
0x27: {  	s1 =	sld [smem:$0x3F9F]  }
0x28: {  	s2 =	sld [smem:$0x3FA0]  }
0x29: {  	s4 =	sld [smem:$0x3FA2]  }
0x2a: {  	p0 =	seq.s32 s5, $0x0;
	s5 =	sld [smem:$0x3FA3]  }
0x2b: {  	s6 =	sld [smem:$0x3FA4]  }
0x2c: {  	s7 =	sld [smem:$0x3FA5]  }
0x2d: {  	s3 =	simm.s32 $0x108;
	s8 =	sld [smem:$0x3FA6]  }
0x2e: {  	s3 =	simm.s32 @!p0 $0x1082;
	s9 =	sld [smem:$0x3FA7]  }
0x2f: {  	lr =	sadd.s32 s0, s3;
	s0 =	sld [smem:$0x3F9E]  }
0x30: {  	s3 =	sld [smem:$0x3FA1]  }
0x31: {  	[smem:$0x3FAA] =	sst s10  }
0x32: {  	s10 =	sld [smem:$0x3FA8];
	_ =	sdelay $0x3  }
0x33: {  	p0 =	seq.s32 s10, $0x1;
	s10 =	sld [smem:$0x3FAA];
	_ =	sdelay $0x3  }
0x34: {  	[smem:$0x3FAA] =	sst s10  }
0x35: {  	s10 =	sld [smem:$0x3FA9];
	_ =	sdelay $0x3  }
0x36: {  	p1 =	seq.s32 s10, $0x1;
	s10 =	sld [smem:$0x3FAA];
	_ =	sdelay $0x3  }
0x37: {  	[smem:$0x3FAA] =	sst s10  }
0x38: {  	s10 =	sld [smem:$0x3FAB]  }
0x39: {  	_ = 	snop;
	(pc) =	sbr.ind lr, $3  }
0x3a: {  	_ = 	snop  }
0x3b: {  	_ = 	snop  }
0x3c: {  	p2 =	seq.s32 s10, $0x1;
	s10 =	sld [smem:$0x3FAA]  }
0x3d: {  	_ =	shalt  }
0x3e: {  	_ =	shalt  }
0x3f: {  	_ =	shalt  }
0x40: {  	_ =	shalt  }
0x41: {  	_ =	shalt  }
0x42: {  	_ =	shalt  }
0x43: {  	_ =	shalt  }
0x44: {  	_ =	shalt  }
0x45: {  	_ =	shalt  }
0x46: {  	_ =	shalt  }
0x47: {  	_ =	shalt  }
0x48: {  	_ =	shalt  }
0x49: {  	_ =	shalt  }
0x4a: {  	_ =	shalt  }
0x4b: {  	_ =	shalt  }
0x4c: {  	_ =	shalt  }
0x4d: {  	_ =	shalt  }
0x4e: {  	_ =	shalt  }
0x4f: {  	_ =	shalt  }
0x50: {  	_ =	shalt  }
0x51: {  	_ =	shalt  }
0x52: {  	_ =	shalt  }
0x53: {  	_ =	shalt  }
0x54: {  	_ =	shalt  }
0x55: {  	_ =	shalt  }
0x56: {  	_ =	shalt  }
0x57: {  	_ =	shalt  }
0x58: {  	_ =	shalt  }
0x59: {  	_ =	shalt  }
0x5a: {  	_ =	shalt  }
0x5b: {  	_ =	shalt  }
0x5c: {  	_ =	shalt  }
0x5d: {  	_ =	shalt  }
0x5e: {  	_ =	shalt  }
0x5f: {  	_ =	shalt  }
0x60: {  	_ =	shalt  }
0x61: {  	_ =	shalt  }
0x62: {  	_ =	shalt  }
0x63: {  	_ =	shalt  }
0x64: {  	_ =	shalt  }
0x65: {  	_ =	shalt  }
0x66: {  	_ =	shalt  }
0x67: {  	_ =	shalt  }
0x68: {  	_ =	shalt  }
0x69: {  	_ =	shalt  }
0x6a: {  	_ =	shalt  }
0x6b: {  	_ =	shalt  }
0x6c: {  	_ =	shalt  }
0x6d: {  	_ =	shalt  }
0x6e: {  	_ =	shalt  }
0x6f: {  	_ =	shalt  }
0x70: {  	_ =	shalt  }
0x71: {  	_ =	shalt  }
0x72: {  	_ =	shalt  }
0x73: {  	_ =	shalt  }
0x74: {  	_ =	shalt  }
0x75: {  	_ =	shalt  }
0x76: {  	_ =	shalt  }
0x77: {  	_ =	shalt  }
0x78: {  	_ =	shalt  }
0x79: {  	_ =	shalt  }
0x7a: {  	_ =	shalt  }
0x7b: {  	_ =	shalt  }
0x7c: {  	_ =	shalt  }
0x7d: {  	_ =	shalt  }
0x7e: {  	_ =	shalt  }
0x7f: {  	_ =	shalt  }
0x80: {  	_ =	shalt  }
0x81: {  	_ =	shalt  }
0x82: {  	_ =	shalt  }
0x83: {  	_ =	shalt  }
0x84: {  	_ =	shalt  }
0x85: {  	_ =	shalt  }
0x86: {  	_ =	shalt  }
0x87: {  	_ =	shalt  }
.Lfunc_end0:
.L_simem_size_0:
called_computation.3_lowered:
.L_overlay_start_0:
0x88: {  	s2 =	sld [smem:$0x3FD9]  }
0x89: {  	s3 =	sld [smem:$0x3FFE];
	_ =	sdelay $0x1  }
0x8a: {  	s1 =	srdreg.scid  }
0x8b: {  	s0 =	sand.u32 $0x1, s1  }
0x8c: {  	s17 =	sshll.u32 s0, $0xA;
	s2 =	sadd.s32 s3, s2  }
0x8d: {  	s2 =	sadd.s32 s2, s17  }
0x8e: {  	[smem:$0x3FB6] =	sst s2  }
0x8f: {  	_ = 	snop  }
0x90: {  	s2 =	sld [smem:$0x3FD0];
	(tm) =	ssettm $0x1  }
0x91: {  	s18 =	sld [smem:$0x3FFB];
	_ =	sdelay $0x3  }
0x92: {  	_ =	strace s18  }
0x93: {  	s3 =	sld [smem:$0x3FFC];
	_ =	sdelay $0x3  }
0x94: {  	_ =	strace s3  }
0x95: {  	s3 =	sld [smem:$0x3FFD];
	_ =	sdelay $0x3  }
0x96: {  	_ =	strace s3  }
0x97: {  	_ =	strace $0x8FFFFFFF  }
0x98: {  	s19 =	sld [smem:$0x3FDB];
	_ =	sdelay $0x1  }
0x99: {  	s4 =	simm.s32 $_scs_section_size  }
0x9a: {  	s5 =	simm.s32 $_size__tile_overlayer_lowered;
	s6 =	simm.s32 $_tile_overlayer_lowered  }
0x9b: {  	s22 =	simm.s32 $0x1BFF;
	s21 =	sshll.u32 s6, $0x1;
	s3 =	sadd.s32 s4, s19  }
0x9c: {  	s7 =	simm.s32 $0x0;
	s20 =	sshll.u32 s5, $0x1;
	s5 =	sadd.s32 s21, s3  }
0x9d: {  	[timem:s7], [sflag:s22] =	dma.local [hbm:s5], s20  }
0x9e: {  	_ =	swait.ge [sflag:s22], s20  }
0x9f: {  	s4 =	ssub.s32 $0x0, s20;
	[sflag:s22] =	ssyncset.done $0x0  }
0xa0: {  	[sflag:s22] =	ssyncadd.s32 s4;
	_ =	sdelay $0x1  }
0xa1: {  	s23 =	simm.s32 $0x1B8B  }
0xa2: {  	_ =	swait.ge [sflag:s23], $0x1  }
0xa3: {  	[sflag:s23] =	ssyncset.done $0x0  }
0xa4: {  	s25 =	simm.s32 $0x1B8E;
	s24 =	sld [smem:$0x3FFE];
	[sflag:s23] =	ssyncadd.s32 $0xFFFFFFFF  }
0xa5: {  	s26 =	simm.s32 $execute0_lowered;
	[smem:$0x3FD2] =	sst s25  }
0xa6: {  	s5 =	sshll.u32 s26, $0x1;
	_ =	strace $0x8000004F;
	[dreg:$0x1] =	wrdreg $0xFFFFFFFF  }
0xa7: {  	s28 =	simm.s32 $_size_execute0_lowered;
	s3 =	sadd.s32 s3, s5;
	[dreg:$0x0] =	wrdreg $0x0  }
0xa8: {  	s5 =	sshll.u32 s28, $0x1;
	[dreg:$0x2] =	wrdreg s3  }
0xa9: {  	[dreg:$0x3] =	wrdreg s5  }
0xaa: {  	[dreg:$0x4] =	wrdreg $0xC0  }
0xab: {  	_ =	task [dreg:s7], $0x5FFFF  }
0xac: {  	[dreg:$0x1] =	wrdreg $0xFFFFFFFF  }
0xad: {  	[dreg:$0x0] =	wrdreg $0x60  }
0xae: {  	[dreg:$0x2] =	wrdreg s2  }
0xaf: {  	[dreg:$0x3] =	wrdreg s24  }
0xb0: {  	[dreg:$0x4] =	wrdreg $0x8F800  }
0xb1: {  	[dreg:$0x5] =	wrdreg $0x9  }
0xb2: {  	_ =	task.clear_ibuf [dreg:s7], $0x6FFFF;
	_ =	strace $0x9000004F  }
0xb3: {  	s29 =	simm.s32 $0x9;
	_ =	strace $0x80000051  }
0xb4: {  	_ =	swait.ge [sflag:s29], $0x1  }
0xb5: {  	[sflag:s29] =	ssyncadd.s32 $0xFFFFFFFF  }
0xb6: {  	_ =	strace $0x90000051  }
0xb7: {  	_ =	sfence  }
0xb8: {  	s30 =	sld [smem:$0x0];
	_ =	sdelay $0x2  }
0xb9: {  	s31 =	sshll.u32 s1, $0xD;
	s1 =	sshrl.u32 s1, $0x2  }
0xba: {  	s3 =	sand.u32 $0x4000, s31;
	s1 =	sadd.s32 s1, s30  }
0xbb: {  	s0 =	sor.u32 s3, s0;
	s1 =	sshll.u32 s1, $0x11  }
0xbc: {  	s0 =	sor.u32 s1, s0  }
0xbd: {  	s0 =	sadd.s32 $0x8F2B, s0  }
0xbe: {  	[sflag:s0] =	ssyncadd.remote.s32 $0x1  }
0xbf: {  	_ =	sfence.sel $0xFFFF  }
0xc0: {  	[dreg:$0x0] =	wrdreg $0xFFFFFFFF;
	(pc) =	sbr.abs _section_cstart, $3  }
0xc1: {  	[dreg:$0x1] =	wrdreg $0xFFFFFFFF  }
0xc2: {  	_ =	task.clear_ibuf [dreg:s7], $0x2FFFF;
	_ =	strace $0x9FFFFFFF  }
0xc3: {  	(tm) =	ssettm $0x7FFFFFFF  }
tec
execute0_lowered:
.L_overlay_start_1:
0x0: {  	(tag) =	ssettag $0x1  }
0x1: {  	s1 =	rddreg [dreg:$0x0]  }
0x2: {  	s6 =	rddreg [dreg:$0x1]  }
0x3: {  	s0 =	srdreg.scid;
	s3 =	rddreg [dreg:$0x2]  }
0x4: {  	s4 =	simm.s32 $0x0;
	s14 =	simm.s32 $0x80;
	s15 =	simm.s32 $0x4F80  }
0x5: {  	s16 =	simm.s32 $0x1;
	s5 =	sand.u32 $0x1, s0;
	s0 =	stileid.u32  }
0x6: {  	s17 =	simm.s32 $0x0;
	[smem:$0x7FF] =	sst s4;
	s9 =	smul.u32 $0x13C00, s0  }
0x7: {  	s2 =	sshll.u32 s5, $0x4;
	s10 =	smul.u32 $0x13C000, s5;
	s5 =	ssub.s32 $0x2, s5  }
0x8: {  	s29 =	smul.u32 $0x4F000, s0;
	s31 =	sshll.u32 s0, $0x6;
	s7 =	sor.u32 s0, s2  }
0x9: {  	s2 =	rddreg [dreg:$0x3];
	_ =	strace $0x80000050;
	s8 =	smul.u32 $0x4F0, s7  }
0xa: {  	s12 =	sshrl.u32 s5, $0x1;
	s7 =	smul.u32 $0x500, s7;
	s28 =	sshrl.u32 s9, $0x3  }
0xb: {  	s9 =	sadd.s32 s9, s10;
	s12 =	ssub.s32 s5, s12;
	s30 =	sshrl.u32 s29, $0x2  }
0xc: {  	s9 =	sshrl.u32 s9, $0x3;
	s13 =	sadd.s32 s30, s3;
	s10 =	smax.u32 s12, $0x1  }
0xd: {  	s12 =	simm.s32 $0x2;
	s8 =	sadd.s32 s8, s6;
	s11 =	sadd.s32 s7, s6  }
0xe: {  	s7 =	sadd.s32 s28, s6;
	s9 =	sadd.s32 s9, s6;
	s6 =	sor.u32 $0x1C02, s31  }
0xf: {  	s5 =	sadd.s32 $0x11000, s7;
	s7 =	sadd.s32 $0x87800, s8;
	s8 =	sadd.s32 $0x7000, s11  }
0x10: {  	s9 =	sadd.s32 $0x91600, s9;
	s11 =	sshrl.u32 s13, $0x3;
	s13 =	simm.s32 $0x2780  }
.LBB2_1:
0x11: {  	[spmem:s11], [sflag:s6] =	dma.local [hbm:s5], $0x2780  }
0x12: {  	_ =	swait.ge [sflag:s12], $0x2780  }
0x13: {  	[sflag:s12] =	ssyncset.done $0x0  }
0x14: {  	[sflag:s12] =	ssyncadd.s32 $0xFFFFD880  }
0x15: {  	[tilespmem:s4], [sflag:$0x2] =	stream.linear.gather [hbm4b:s7+s4], $0x2780, $0x38;
	[tilespmem:$0x1CB80] =	vst v63  }
0x16: {  	_ =	swait.ge [sflag:s12], $0x2780  }
0x17: {  	[sflag:s12] =	ssyncset.done $0x0  }
0x18: {  	[sflag:s12] =	ssyncadd.s32 $0xFFFFD880  }
0x19: {  	[tilespmem:s13], [sflag:$0x2] =	stream.linear.gather [hbm4b:s8+s4], $0x2780, $0x38;
	[tilespmem:$0x1CB80] =	vst v63  }
0x1a: {  	_ =	swait.ge [sflag:s12], $0x2780  }
0x1b: {  	[sflag:s12] =	ssyncset.done $0x0  }
0x1c: {  	[sflag:s12] =	ssyncadd.s32 $0xFFFFD880  }
0x1d: {  	s18 =	simm.s32 $0x0;
	[bflag:$0x0] =	sbarrier.arrive $0xFFFF  }
0x1e: {  	[tilespmem:s15], [sflag:$0x1] =	stream.indirect.gather [hbm4b:s1+s14], $0x80, s18, s14, $0xb8;
	[tilespmem:$0x1CB80] =	vst v63  }
0x1f: {  	_ =	swait.ge [sflag:s16], $0x4000  }
0x20: {  	[sflag:s16] =	ssyncset.done $0x0  }
0x21: {  	s31 =	simm.s32 $0x2780;
	[sflag:s16] =	ssyncadd.s32 $0xFFFFC000  }
0x22: {  	[spmem:s3] =	stream.indirect.scatter.add.f32 [tilespmem:s15], [sflag:$0x2], $0x80, s31, s14, $0xb8;
	[tilespmem:$0x1CB80] =	vst v63  }
0x23: {  	_ =	swait.ge [sflag:s12], $0x4000  }
0x24: {  	s19 =	simm.s32 $0x400;
	s18 =	simm.s32 $0x200;
	[sflag:s12] =	ssyncset.done $0x0  }
.LBB2_2:
0x25: {  	s20 =	sshra.s32 s18, $0x2  }
0x26: {  	[sflag:s12] =	ssyncadd.s32 $0xFFFFC000;
	s18 =	smov.u32 s19;
	s21 =	sadd.s32 $0x200, s19  }
0x27: {  	[tilespmem:s15], [sflag:$0x1] =	stream.indirect.gather [hbm4b:s1+s14], $0x80, s20, s14, $0xb8;
	[tilespmem:$0x1CB80] =	vst v63  }
0x28: {  	p0 =	sne.s32 s19, $0x9C00;
	_ =	swait.ge [sflag:s16], $0x4000  }
.Ltmp0:
0x29: {  	[sflag:s16] =	ssyncset.done $0x0;
	(pc) =	sbr.rel @p0 .LBB2_2-.Ltmp0, $4  }
0x2a: {  	s19 =	sadd.s32 $0x2780, s20;
	[sflag:s16] =	ssyncadd.s32 $0xFFFFC000  }
0x2b: {  	[spmem:s3] =	stream.indirect.scatter.add.f32 [tilespmem:s15], [sflag:$0x2], $0x80, s19, s14, $0xb8;
	[tilespmem:$0x1CB80] =	vst v63  }
0x2c: {  	_ =	swait.ge [sflag:s12], $0x4000  }
0x2d: {  	s19 =	smov.u32 s21;
	[sflag:s12] =	ssyncset.done $0x0  }
0x2e: {  	s18 =	sshra.s32 s18, $0x2;
	[sflag:s12] =	ssyncadd.s32 $0xFFFFC000  }
0x2f: {  	[tilespmem:s15], [sflag:$0x1] =	stream.indirect.gather [hbm4b:s1+s14], $0x80, s18, s14, $0xb8;
	[tilespmem:$0x1CB80] =	vst v63  }
0x30: {  	_ =	swait.ge [sflag:s16], $0x4000  }
0x31: {  	[sflag:s16] =	ssyncset.done $0x0  }
0x32: {  	s18 =	sadd.s32 $0x2780, s18;
	[sflag:s16] =	ssyncadd.s32 $0xFFFFC000  }
0x33: {  	[spmem:s3] =	stream.indirect.scatter.add.f32 [tilespmem:s15], [sflag:$0x2], $0x80, s18, s14, $0xb8;
	[tilespmem:$0x1CB80] =	vst v63  }
0x34: {  	_ =	swait.ge [sflag:s12], $0x4000  }
0x35: {  	s17 =	sadd.s32 $0x1, s17;
	[sflag:s12] =	ssyncset.done $0x0  }
0x36: {  	p0 =	sne.s32 s17, s10;
	[sflag:s12] =	ssyncadd.s32 $0xFFFFC000  }
.Ltmp1:
0x37: {  	[bflag:$0x0] =	sbarrier.arrive $0xFFFF;
	(pc) =	sbr.rel @p0 .LBB2_1-.Ltmp1, $4  }
0x38: {  	[hbm:s9], [sflag:s6] =	dma.local [spmem:s11], $0x2780  }
0x39: {  	_ =	swait.ge [sflag:s12], $0x2780  }
0x3a: {  	[sflag:s12] =	ssyncset.done $0x0  }
0x3b: {  	[sflag:s12] =	ssyncadd.s32 $0xFFFFD880  }
0x3c: {  	_ =	sfence.sel $0x180000  }
0x3d: {  	[bflag:$0x0] =	sbarrier.arrive $0xFFFF  }
0x3e: {  	p0 =	sne.s32 s0, $0x0;
	_ =	strace $0x90000050  }
0x3f: {  	s0 =	sadd.s32 @!p0 $0x100000, s2;
	[bflag:$0x2] =	sbarrier.arrive $0xFFFF  }
0x40: {  	[sflag:s0] =	ssyncadd.tile.s32 @!p0 $0x1;
	_ =	shalt  }
.Lfunc_end2:
_tile_overlayer_lowered:
.L_overlay_start_2:
0x41: {  	(tag) =	ssettag $0x2  }
0x42: {  	s0 =	rddreg [dreg:$0x0];
	s2 =	stileid.u32  }
0x43: {  	s1 =	rddreg [dreg:$0x1];
	p0 =	sne.s32 s2, $0x0  }
0x44: {  	s3 =	rddreg [dreg:$0x2];
	[bflag:$0x3] =	sbarrier.arrive $0xFFFF;
	s2 =	simm.s32 @!p0 $0x1C02  }
0x45: {  	[timem:s3], [sflag:s2] =	dma.local @!p0 [hbm:s0], s1  }
0x46: {  	s0 =	simm.s32 @!p0 $0x2  }
0x47: {  	_ =	swait.ge @!p0 [sflag:s0], s1  }
0x48: {  	s1 =	ssub.s32 @!p0 $0x0, s1;
	[sflag:s0] =	ssyncset.done @!p0 $0x0  }
0x49: {  	[sflag:s0] =	ssyncadd.s32 @!p0 s1  }
0x4a: {  	[bflag:$0x3] =	sbarrier.arrive $0xFFFF  }
0x4b: {  	_ =	shalt  }

// kernel: kernel.27.cloned.1.call-start
scs
__scs_entry_jumppad:
0x0: {  	(pc) =	sbr.rel $0x88, $3  }
0x1: {  	(tag) =	ssettag $0x0;
	lr =	simm.s32 $0x1  }
0x2: {  	[smem:$0x3F8F] =	sst lr;
	_ =	strace $0xD0000000  }
0x3: {  	_ = 	snop  }
0x4: {  	_ = 	snop  }
0x5: {  	_ = 	snop  }
0x6: {  	_ = 	snop  }
0x7: {  	_ = 	snop  }
__scs_overlays_trampoline_lowered:
0x8: {  	[smem:$0x3F9E] =	sst s0  }
0x9: {  	[smem:$0x3F9F] =	sst s1  }
0xa: {  	[smem:$0x3FA0] =	sst s2  }
0xb: {  	[smem:$0x3FA1] =	sst s3  }
0xc: {  	[smem:$0x3FA2] =	sst s4  }
0xd: {  	[smem:$0x3FA3] =	sst s5  }
0xe: {  	[smem:$0x3FA4] =	sst s6  }
0xf: {  	[smem:$0x3FA5] =	sst s7  }
0x10: {  	[smem:$0x3FA6] =	sst s8  }
0x11: {  	[smem:$0x3FA7] =	sst s9;
	s0 =	simm.s32 @!p0 $0x0  }
0x12: {  	s1 =	sld [smem:$0x3F8D];
	s0 =	simm.s32 @p0 $0x1  }
0x13: {  	[smem:$0x3FA8] =	sst s0;
	s0 =	simm.s32 @!p1 $0x0  }
0x14: {  	s2 =	sld [smem:$0x3F8C];
	s0 =	simm.s32 @p1 $0x1  }
0x15: {  	[smem:$0x3FA9] =	sst s0;
	s0 =	simm.s32 @!p2 $0x0  }
0x16: {  	s3 =	sld [smem:$0x3FDB];
	s0 =	simm.s32 @p2 $0x1  }
0x17: {  	s4 =	simm.s32 $0x1BF5;
	[smem:$0x3FAB] =	sst s0  }
0x18: {  	s0 =	sld [smem:$0x3F8E];
	_ =	swait.ge [sflag:s4], $0x0  }
0x19: {  	s7 =	sld [smem:$0x3F8F]  }
0x1a: {  	s8 =	sadd.s32 $0xFFFFE003, lr  }
0x1b: {  	s9 =	sadd.s32 $0xFFFFFEF7, lr;
	s5 =	simm.s32 $0xFFFFFFFF;
	p2 =	slt.u32 s8, $0xFFFFF086  }
0x1c: {  	p1 =	slt.u32 s9, $0xF7A;
	s5 =	simm.s32 @!p2 $0x0  }
0x1d: {  	s5 =	simm.s32 @p1 $0x1;
	p0 =	seq.s32 s7, s2  }
0x1e: {  	s7 =	smul.u32 @!p0 $0xF7A, s2;
	p2 =	seq.s32 @!p0 s5, $0x0  }
0x1f: {  	s9 =	smul.u32 $0xF7A, s1;
	s8 =	simm.s32 @!p0 $0x1BF5;
	p2 =	por !p2, p0  }
0x20: {  	[sflag:s8] =	ssyncset.s32 @!p0 $0xFFFFF086;
	s6 =	sadd.s32 @!p0 s3, s7;
	s7 =	simm.s32 @!p0 $0x108  }
0x21: {  	s3 =	sadd.s32 s3, s9;
	s6 =	sadd.s32 @!p0 $0x88, s6;
	s7 =	simm.s32 @p2 $0x1082  }
0x22: {  	[simem:s7], [sflag:s8] =	dma.local @!p0 [hbm:s6], $0xF7A  }
0x23: {  	s9 =	sor.u32 $0xD0000000, s2;
	s6 =	simm.s32 $0x108;
	_ =	swait.ge @!p0 [sflag:s8], $0x0  }
0x24: {  	s3 =	sadd.s32 $0x88, s3;
	s6 =	simm.s32 @!p1 $0x1082;
	[sflag:s4] =	ssyncset.s32 $0xFFFFF086  }
0x25: {  	[simem:s6], [sflag:s4] =	dma.local [hbm:s3], $0xF7A  }
0x26: {  	[smem:$0x3F8F] =	sst s1;
	(tag) =	ssettag s2;
	_ =	strace s9  }
0x27: {  	s1 =	sld [smem:$0x3F9F]  }
0x28: {  	s2 =	sld [smem:$0x3FA0]  }
0x29: {  	s4 =	sld [smem:$0x3FA2]  }
0x2a: {  	p0 =	seq.s32 s5, $0x0;
	s5 =	sld [smem:$0x3FA3]  }
0x2b: {  	s6 =	sld [smem:$0x3FA4]  }
0x2c: {  	s7 =	sld [smem:$0x3FA5]  }
0x2d: {  	s3 =	simm.s32 $0x108;
	s8 =	sld [smem:$0x3FA6]  }
0x2e: {  	s3 =	simm.s32 @!p0 $0x1082;
	s9 =	sld [smem:$0x3FA7]  }
0x2f: {  	lr =	sadd.s32 s0, s3;
	s0 =	sld [smem:$0x3F9E]  }
0x30: {  	s3 =	sld [smem:$0x3FA1]  }
0x31: {  	[smem:$0x3FAA] =	sst s10  }
0x32: {  	s10 =	sld [smem:$0x3FA8];
	_ =	sdelay $0x3  }
0x33: {  	p0 =	seq.s32 s10, $0x1;
	s10 =	sld [smem:$0x3FAA];
	_ =	sdelay $0x3  }
0x34: {  	[smem:$0x3FAA] =	sst s10  }
0x35: {  	s10 =	sld [smem:$0x3FA9];
	_ =	sdelay $0x3  }
0x36: {  	p1 =	seq.s32 s10, $0x1;
	s10 =	sld [smem:$0x3FAA];
	_ =	sdelay $0x3  }
0x37: {  	[smem:$0x3FAA] =	sst s10  }
0x38: {  	s10 =	sld [smem:$0x3FAB]  }
0x39: {  	_ = 	snop;
	(pc) =	sbr.ind lr, $3  }
0x3a: {  	_ = 	snop  }
0x3b: {  	_ = 	snop  }
0x3c: {  	p2 =	seq.s32 s10, $0x1;
	s10 =	sld [smem:$0x3FAA]  }
0x3d: {  	_ =	shalt  }
0x3e: {  	_ =	shalt  }
0x3f: {  	_ =	shalt  }
0x40: {  	_ =	shalt  }
0x41: {  	_ =	shalt  }
0x42: {  	_ =	shalt  }
0x43: {  	_ =	shalt  }
0x44: {  	_ =	shalt  }
0x45: {  	_ =	shalt  }
0x46: {  	_ =	shalt  }
0x47: {  	_ =	shalt  }
0x48: {  	_ =	shalt  }
0x49: {  	_ =	shalt  }
0x4a: {  	_ =	shalt  }
0x4b: {  	_ =	shalt  }
0x4c: {  	_ =	shalt  }
0x4d: {  	_ =	shalt  }
0x4e: {  	_ =	shalt  }
0x4f: {  	_ =	shalt  }
0x50: {  	_ =	shalt  }
0x51: {  	_ =	shalt  }
0x52: {  	_ =	shalt  }
0x53: {  	_ =	shalt  }
0x54: {  	_ =	shalt  }
0x55: {  	_ =	shalt  }
0x56: {  	_ =	shalt  }
0x57: {  	_ =	shalt  }
0x58: {  	_ =	shalt  }
0x59: {  	_ =	shalt  }
0x5a: {  	_ =	shalt  }
0x5b: {  	_ =	shalt  }
0x5c: {  	_ =	shalt  }
0x5d: {  	_ =	shalt  }
0x5e: {  	_ =	shalt  }
0x5f: {  	_ =	shalt  }
0x60: {  	_ =	shalt  }
0x61: {  	_ =	shalt  }
0x62: {  	_ =	shalt  }
0x63: {  	_ =	shalt  }
0x64: {  	_ =	shalt  }
0x65: {  	_ =	shalt  }
0x66: {  	_ =	shalt  }
0x67: {  	_ =	shalt  }
0x68: {  	_ =	shalt  }
0x69: {  	_ =	shalt  }
0x6a: {  	_ =	shalt  }
0x6b: {  	_ =	shalt  }
0x6c: {  	_ =	shalt  }
0x6d: {  	_ =	shalt  }
0x6e: {  	_ =	shalt  }
0x6f: {  	_ =	shalt  }
0x70: {  	_ =	shalt  }
0x71: {  	_ =	shalt  }
0x72: {  	_ =	shalt  }
0x73: {  	_ =	shalt  }
0x74: {  	_ =	shalt  }
0x75: {  	_ =	shalt  }
0x76: {  	_ =	shalt  }
0x77: {  	_ =	shalt  }
0x78: {  	_ =	shalt  }
0x79: {  	_ =	shalt  }
0x7a: {  	_ =	shalt  }
0x7b: {  	_ =	shalt  }
0x7c: {  	_ =	shalt  }
0x7d: {  	_ =	shalt  }
0x7e: {  	_ =	shalt  }
0x7f: {  	_ =	shalt  }
0x80: {  	_ =	shalt  }
0x81: {  	_ =	shalt  }
0x82: {  	_ =	shalt  }
0x83: {  	_ =	shalt  }
0x84: {  	_ =	shalt  }
0x85: {  	_ =	shalt  }
0x86: {  	_ =	shalt  }
0x87: {  	_ =	shalt  }
.Lfunc_end0:
.L_simem_size_0:
called_computation.4_lowered:
.L_overlay_start_0:
0x88: {  	s2 =	sld [smem:$0x3FD9]  }
0x89: {  	s3 =	sld [smem:$0x3FFE];
	_ =	sdelay $0x1  }
0x8a: {  	s1 =	srdreg.scid  }
0x8b: {  	s0 =	sand.u32 $0x1, s1  }
0x8c: {  	s17 =	sshll.u32 s0, $0xA;
	s2 =	sadd.s32 s3, s2  }
0x8d: {  	s2 =	sadd.s32 s2, s17  }
0x8e: {  	[smem:$0x3FB6] =	sst s2  }
0x8f: {  	_ = 	snop  }
0x90: {  	s2 =	sld [smem:$0x3FD0];
	(tm) =	ssettm $0x1  }
0x91: {  	s18 =	sld [smem:$0x3FFB];
	_ =	sdelay $0x3  }
0x92: {  	_ =	strace s18  }
0x93: {  	s3 =	sld [smem:$0x3FFC];
	_ =	sdelay $0x3  }
0x94: {  	_ =	strace s3  }
0x95: {  	s3 =	sld [smem:$0x3FFD];
	_ =	sdelay $0x3  }
0x96: {  	_ =	strace s3  }
0x97: {  	_ =	strace $0x8FFFFFFF  }
0x98: {  	s19 =	sld [smem:$0x3FDB];
	_ =	sdelay $0x1  }
0x99: {  	s4 =	simm.s32 $_scs_section_size  }
0x9a: {  	s5 =	simm.s32 $_size__tile_overlayer_lowered;
	s6 =	simm.s32 $_tile_overlayer_lowered  }
0x9b: {  	s22 =	simm.s32 $0x1BFF;
	s21 =	sshll.u32 s6, $0x1;
	s3 =	sadd.s32 s4, s19  }
0x9c: {  	s7 =	simm.s32 $0x0;
	s20 =	sshll.u32 s5, $0x1;
	s5 =	sadd.s32 s21, s3  }
0x9d: {  	[timem:s7], [sflag:s22] =	dma.local [hbm:s5], s20  }
0x9e: {  	_ =	swait.ge [sflag:s22], s20  }
0x9f: {  	s4 =	ssub.s32 $0x0, s20;
	[sflag:s22] =	ssyncset.done $0x0  }
0xa0: {  	[sflag:s22] =	ssyncadd.s32 s4;
	_ =	sdelay $0x1  }
0xa1: {  	s23 =	simm.s32 $0x1B8B  }
0xa2: {  	_ =	swait.ge [sflag:s23], $0x1  }
0xa3: {  	[sflag:s23] =	ssyncset.done $0x0  }
0xa4: {  	s25 =	simm.s32 $0x1B8E;
	s24 =	sld [smem:$0x3FFE];
	[sflag:s23] =	ssyncadd.s32 $0xFFFFFFFF  }
0xa5: {  	s26 =	simm.s32 $execute0_lowered;
	[smem:$0x3FD2] =	sst s25  }
0xa6: {  	s5 =	sshll.u32 s26, $0x1;
	_ =	strace $0x80000052;
	[dreg:$0x1] =	wrdreg $0xFFFFFFFF  }
0xa7: {  	s28 =	simm.s32 $_size_execute0_lowered;
	s3 =	sadd.s32 s3, s5;
	[dreg:$0x0] =	wrdreg $0x0  }
0xa8: {  	s5 =	sshll.u32 s28, $0x1;
	[dreg:$0x2] =	wrdreg s3  }
0xa9: {  	[dreg:$0x3] =	wrdreg s5  }
0xaa: {  	[dreg:$0x4] =	wrdreg $0xC0  }
0xab: {  	_ =	task [dreg:s7], $0x5FFFF  }
0xac: {  	[dreg:$0x1] =	wrdreg $0xFFFFFFFF  }
0xad: {  	[dreg:$0x0] =	wrdreg $0x60  }
0xae: {  	[dreg:$0x2] =	wrdreg s2  }
0xaf: {  	[dreg:$0x3] =	wrdreg s24  }
0xb0: {  	[dreg:$0x4] =	wrdreg $0x8F800  }
0xb1: {  	[dreg:$0x5] =	wrdreg $0x9  }
0xb2: {  	_ =	task.clear_ibuf [dreg:s7], $0x6FFFF;
	_ =	strace $0x90000052  }
0xb3: {  	s29 =	simm.s32 $0x9;
	_ =	strace $0x80000054  }
0xb4: {  	_ =	swait.ge [sflag:s29], $0x1  }
0xb5: {  	[sflag:s29] =	ssyncadd.s32 $0xFFFFFFFF  }
0xb6: {  	_ =	strace $0x90000054  }
0xb7: {  	_ =	sfence  }
0xb8: {  	s30 =	sld [smem:$0x0];
	_ =	sdelay $0x2  }
0xb9: {  	s31 =	sshll.u32 s1, $0xD;
	s1 =	sshrl.u32 s1, $0x2  }
0xba: {  	s3 =	sand.u32 $0x4000, s31;
	s1 =	sadd.s32 s1, s30  }
0xbb: {  	s0 =	sor.u32 s3, s0;
	s1 =	sshll.u32 s1, $0x11  }
0xbc: {  	s0 =	sor.u32 s1, s0  }
0xbd: {  	s0 =	sadd.s32 $0x8F2B, s0  }
0xbe: {  	[sflag:s0] =	ssyncadd.remote.s32 $0x1  }
0xbf: {  	_ =	sfence.sel $0xFFFF  }
0xc0: {  	[dreg:$0x0] =	wrdreg $0xFFFFFFFF;
	(pc) =	sbr.abs _section_cstart, $3  }
0xc1: {  	[dreg:$0x1] =	wrdreg $0xFFFFFFFF  }
0xc2: {  	_ =	task.clear_ibuf [dreg:s7], $0x2FFFF;
	_ =	strace $0x9FFFFFFF  }
0xc3: {  	(tm) =	ssettm $0x7FFFFFFF  }
tec
execute0_lowered:
.L_overlay_start_1:
0x0: {  	(tag) =	ssettag $0x1  }
0x1: {  	s1 =	rddreg [dreg:$0x0]  }
0x2: {  	s6 =	rddreg [dreg:$0x1]  }
0x3: {  	s0 =	srdreg.scid;
	s3 =	rddreg [dreg:$0x2]  }
0x4: {  	s4 =	simm.s32 $0x0;
	s14 =	simm.s32 $0x80;
	s15 =	simm.s32 $0x4F80  }
0x5: {  	s16 =	simm.s32 $0x1;
	s5 =	sand.u32 $0x1, s0;
	s0 =	stileid.u32  }
0x6: {  	s17 =	simm.s32 $0x0;
	[smem:$0x7FF] =	sst s4;
	s9 =	smul.u32 $0x13C00, s0  }
0x7: {  	s2 =	sshll.u32 s5, $0x4;
	s10 =	smul.u32 $0x13C000, s5;
	s5 =	ssub.s32 $0x2, s5  }
0x8: {  	s29 =	smul.u32 $0x4F000, s0;
	s31 =	sshll.u32 s0, $0x6;
	s7 =	sor.u32 s0, s2  }
0x9: {  	s2 =	rddreg [dreg:$0x3];
	_ =	strace $0x80000053;
	s8 =	smul.u32 $0x4F0, s7  }
0xa: {  	s12 =	sshrl.u32 s5, $0x1;
	s7 =	smul.u32 $0x500, s7;
	s28 =	sshrl.u32 s9, $0x3  }
0xb: {  	s9 =	sadd.s32 s9, s10;
	s12 =	ssub.s32 s5, s12;
	s30 =	sshrl.u32 s29, $0x2  }
0xc: {  	s9 =	sshrl.u32 s9, $0x3;
	s13 =	sadd.s32 s30, s3;
	s10 =	smax.u32 s12, $0x1  }
0xd: {  	s12 =	simm.s32 $0x2;
	s8 =	sadd.s32 s8, s6;
	s11 =	sadd.s32 s7, s6  }
0xe: {  	s7 =	sadd.s32 s28, s6;
	s9 =	sadd.s32 s9, s6;
	s6 =	sor.u32 $0x1C02, s31  }
0xf: {  	s5 =	sadd.s32 $0x11000, s7;
	s7 =	sadd.s32 $0x87800, s8;
	s8 =	sadd.s32 $0x7000, s11  }
0x10: {  	s9 =	sadd.s32 $0x91600, s9;
	s11 =	sshrl.u32 s13, $0x3;
	s13 =	simm.s32 $0x2780  }
.LBB2_1:
0x11: {  	[spmem:s11], [sflag:s6] =	dma.local [hbm:s5], $0x2780  }
0x12: {  	_ =	swait.ge [sflag:s12], $0x2780  }
0x13: {  	[sflag:s12] =	ssyncset.done $0x0  }
0x14: {  	[sflag:s12] =	ssyncadd.s32 $0xFFFFD880  }
0x15: {  	[tilespmem:s4], [sflag:$0x2] =	stream.linear.gather [hbm4b:s7+s4], $0x2780, $0x38;
	[tilespmem:$0x1CB80] =	vst v63  }
0x16: {  	_ =	swait.ge [sflag:s12], $0x2780  }
0x17: {  	[sflag:s12] =	ssyncset.done $0x0  }
0x18: {  	[sflag:s12] =	ssyncadd.s32 $0xFFFFD880  }
0x19: {  	[tilespmem:s13], [sflag:$0x2] =	stream.linear.gather [hbm4b:s8+s4], $0x2780, $0x38;
	[tilespmem:$0x1CB80] =	vst v63  }
0x1a: {  	_ =	swait.ge [sflag:s12], $0x2780  }
0x1b: {  	[sflag:s12] =	ssyncset.done $0x0  }
0x1c: {  	[sflag:s12] =	ssyncadd.s32 $0xFFFFD880  }
0x1d: {  	s18 =	simm.s32 $0x0;
	[bflag:$0x0] =	sbarrier.arrive $0xFFFF  }
0x1e: {  	[tilespmem:s15], [sflag:$0x1] =	stream.indirect.gather [hbm4b:s1+s14], $0x80, s18, s14, $0xb8;
	[tilespmem:$0x1CB80] =	vst v63  }
0x1f: {  	_ =	swait.ge [sflag:s16], $0x4000  }
0x20: {  	[sflag:s16] =	ssyncset.done $0x0  }
0x21: {  	s31 =	simm.s32 $0x2780;
	[sflag:s16] =	ssyncadd.s32 $0xFFFFC000  }
0x22: {  	[spmem:s3] =	stream.indirect.scatter.add.f32 [tilespmem:s15], [sflag:$0x2], $0x80, s31, s14, $0xb8;
	[tilespmem:$0x1CB80] =	vst v63  }
0x23: {  	_ =	swait.ge [sflag:s12], $0x4000  }
0x24: {  	s19 =	simm.s32 $0x400;
	s18 =	simm.s32 $0x200;
	[sflag:s12] =	ssyncset.done $0x0  }
.LBB2_2:
0x25: {  	s20 =	sshra.s32 s18, $0x2  }
0x26: {  	[sflag:s12] =	ssyncadd.s32 $0xFFFFC000;
	s18 =	smov.u32 s19;
	s21 =	sadd.s32 $0x200, s19  }
0x27: {  	[tilespmem:s15], [sflag:$0x1] =	stream.indirect.gather [hbm4b:s1+s14], $0x80, s20, s14, $0xb8;
	[tilespmem:$0x1CB80] =	vst v63  }
0x28: {  	p0 =	sne.s32 s19, $0x9C00;
	_ =	swait.ge [sflag:s16], $0x4000  }
.Ltmp0:
0x29: {  	[sflag:s16] =	ssyncset.done $0x0;
	(pc) =	sbr.rel @p0 .LBB2_2-.Ltmp0, $4  }
0x2a: {  	s19 =	sadd.s32 $0x2780, s20;
	[sflag:s16] =	ssyncadd.s32 $0xFFFFC000  }
0x2b: {  	[spmem:s3] =	stream.indirect.scatter.add.f32 [tilespmem:s15], [sflag:$0x2], $0x80, s19, s14, $0xb8;
	[tilespmem:$0x1CB80] =	vst v63  }
0x2c: {  	_ =	swait.ge [sflag:s12], $0x4000  }
0x2d: {  	s19 =	smov.u32 s21;
	[sflag:s12] =	ssyncset.done $0x0  }
0x2e: {  	s18 =	sshra.s32 s18, $0x2;
	[sflag:s12] =	ssyncadd.s32 $0xFFFFC000  }
0x2f: {  	[tilespmem:s15], [sflag:$0x1] =	stream.indirect.gather [hbm4b:s1+s14], $0x80, s18, s14, $0xb8;
	[tilespmem:$0x1CB80] =	vst v63  }
0x30: {  	_ =	swait.ge [sflag:s16], $0x4000  }
0x31: {  	[sflag:s16] =	ssyncset.done $0x0  }
0x32: {  	s18 =	sadd.s32 $0x2780, s18;
	[sflag:s16] =	ssyncadd.s32 $0xFFFFC000  }
0x33: {  	[spmem:s3] =	stream.indirect.scatter.add.f32 [tilespmem:s15], [sflag:$0x2], $0x80, s18, s14, $0xb8;
	[tilespmem:$0x1CB80] =	vst v63  }
0x34: {  	_ =	swait.ge [sflag:s12], $0x4000  }
0x35: {  	s17 =	sadd.s32 $0x1, s17;
	[sflag:s12] =	ssyncset.done $0x0  }
0x36: {  	p0 =	sne.s32 s17, s10;
	[sflag:s12] =	ssyncadd.s32 $0xFFFFC000  }
.Ltmp1:
0x37: {  	[bflag:$0x0] =	sbarrier.arrive $0xFFFF;
	(pc) =	sbr.rel @p0 .LBB2_1-.Ltmp1, $4  }
0x38: {  	[hbm:s9], [sflag:s6] =	dma.local [spmem:s11], $0x2780  }
0x39: {  	_ =	swait.ge [sflag:s12], $0x2780  }
0x3a: {  	[sflag:s12] =	ssyncset.done $0x0  }
0x3b: {  	[sflag:s12] =	ssyncadd.s32 $0xFFFFD880  }
0x3c: {  	_ =	sfence.sel $0x180000  }
0x3d: {  	[bflag:$0x0] =	sbarrier.arrive $0xFFFF  }
0x3e: {  	p0 =	sne.s32 s0, $0x0;
	_ =	strace $0x90000053  }
0x3f: {  	s0 =	sadd.s32 @!p0 $0x100000, s2;
	[bflag:$0x2] =	sbarrier.arrive $0xFFFF  }
0x40: {  	[sflag:s0] =	ssyncadd.tile.s32 @!p0 $0x1;
	_ =	shalt  }
.Lfunc_end2:
_tile_overlayer_lowered:
.L_overlay_start_2:
0x41: {  	(tag) =	ssettag $0x2  }
0x42: {  	s0 =	rddreg [dreg:$0x0];
	s2 =	stileid.u32  }
0x43: {  	s1 =	rddreg [dreg:$0x1];
	p0 =	sne.s32 s2, $0x0  }
0x44: {  	s3 =	rddreg [dreg:$0x2];
	[bflag:$0x3] =	sbarrier.arrive $0xFFFF;
	s2 =	simm.s32 @!p0 $0x1C02  }
0x45: {  	[timem:s3], [sflag:s2] =	dma.local @!p0 [hbm:s0], s1  }
0x46: {  	s0 =	simm.s32 @!p0 $0x2  }
0x47: {  	_ =	swait.ge @!p0 [sflag:s0], s1  }
0x48: {  	s1 =	ssub.s32 @!p0 $0x0, s1;
	[sflag:s0] =	ssyncset.done @!p0 $0x0  }
0x49: {  	[sflag:s0] =	ssyncadd.s32 @!p0 s1  }
0x4a: {  	[bflag:$0x3] =	sbarrier.arrive $0xFFFF  }
0x4b: {  	_ =	shalt  }

// kernel: kernel.30.cloned.1.call-start
scs
__scs_entry_jumppad:
0x0: {  	(pc) =	sbr.rel $0x88, $3  }
0x1: {  	(tag) =	ssettag $0x0;
	lr =	simm.s32 $0x1  }
0x2: {  	[smem:$0x3F8F] =	sst lr;
	_ =	strace $0xD0000000  }
0x3: {  	_ = 	snop  }
0x4: {  	_ = 	snop  }
0x5: {  	_ = 	snop  }
0x6: {  	_ = 	snop  }
0x7: {  	_ = 	snop  }
__scs_overlays_trampoline_lowered:
0x8: {  	[smem:$0x3F9E] =	sst s0  }
0x9: {  	[smem:$0x3F9F] =	sst s1  }
0xa: {  	[smem:$0x3FA0] =	sst s2  }
0xb: {  	[smem:$0x3FA1] =	sst s3  }
0xc: {  	[smem:$0x3FA2] =	sst s4  }
0xd: {  	[smem:$0x3FA3] =	sst s5  }
0xe: {  	[smem:$0x3FA4] =	sst s6  }
0xf: {  	[smem:$0x3FA5] =	sst s7  }
0x10: {  	[smem:$0x3FA6] =	sst s8  }
0x11: {  	[smem:$0x3FA7] =	sst s9;
	s0 =	simm.s32 @!p0 $0x0  }
0x12: {  	s1 =	sld [smem:$0x3F8D];
	s0 =	simm.s32 @p0 $0x1  }
0x13: {  	[smem:$0x3FA8] =	sst s0;
	s0 =	simm.s32 @!p1 $0x0  }
0x14: {  	s2 =	sld [smem:$0x3F8C];
	s0 =	simm.s32 @p1 $0x1  }
0x15: {  	[smem:$0x3FA9] =	sst s0;
	s0 =	simm.s32 @!p2 $0x0  }
0x16: {  	s3 =	sld [smem:$0x3FDB];
	s0 =	simm.s32 @p2 $0x1  }
0x17: {  	s4 =	simm.s32 $0x1BF5;
	[smem:$0x3FAB] =	sst s0  }
0x18: {  	s0 =	sld [smem:$0x3F8E];
	_ =	swait.ge [sflag:s4], $0x0  }
0x19: {  	s7 =	sld [smem:$0x3F8F]  }
0x1a: {  	s8 =	sadd.s32 $0xFFFFE003, lr  }
0x1b: {  	s9 =	sadd.s32 $0xFFFFFEF7, lr;
	s5 =	simm.s32 $0xFFFFFFFF;
	p2 =	slt.u32 s8, $0xFFFFF086  }
0x1c: {  	p1 =	slt.u32 s9, $0xF7A;
	s5 =	simm.s32 @!p2 $0x0  }
0x1d: {  	s5 =	simm.s32 @p1 $0x1;
	p0 =	seq.s32 s7, s2  }
0x1e: {  	s7 =	smul.u32 @!p0 $0xF7A, s2;
	p2 =	seq.s32 @!p0 s5, $0x0  }
0x1f: {  	s9 =	smul.u32 $0xF7A, s1;
	s8 =	simm.s32 @!p0 $0x1BF5;
	p2 =	por !p2, p0  }
0x20: {  	[sflag:s8] =	ssyncset.s32 @!p0 $0xFFFFF086;
	s6 =	sadd.s32 @!p0 s3, s7;
	s7 =	simm.s32 @!p0 $0x108  }
0x21: {  	s3 =	sadd.s32 s3, s9;
	s6 =	sadd.s32 @!p0 $0x88, s6;
	s7 =	simm.s32 @p2 $0x1082  }
0x22: {  	[simem:s7], [sflag:s8] =	dma.local @!p0 [hbm:s6], $0xF7A  }
0x23: {  	s9 =	sor.u32 $0xD0000000, s2;
	s6 =	simm.s32 $0x108;
	_ =	swait.ge @!p0 [sflag:s8], $0x0  }
0x24: {  	s3 =	sadd.s32 $0x88, s3;
	s6 =	simm.s32 @!p1 $0x1082;
	[sflag:s4] =	ssyncset.s32 $0xFFFFF086  }
0x25: {  	[simem:s6], [sflag:s4] =	dma.local [hbm:s3], $0xF7A  }
0x26: {  	[smem:$0x3F8F] =	sst s1;
	(tag) =	ssettag s2;
	_ =	strace s9  }
0x27: {  	s1 =	sld [smem:$0x3F9F]  }
0x28: {  	s2 =	sld [smem:$0x3FA0]  }
0x29: {  	s4 =	sld [smem:$0x3FA2]  }
0x2a: {  	p0 =	seq.s32 s5, $0x0;
	s5 =	sld [smem:$0x3FA3]  }
0x2b: {  	s6 =	sld [smem:$0x3FA4]  }
0x2c: {  	s7 =	sld [smem:$0x3FA5]  }
0x2d: {  	s3 =	simm.s32 $0x108;
	s8 =	sld [smem:$0x3FA6]  }
0x2e: {  	s3 =	simm.s32 @!p0 $0x1082;
	s9 =	sld [smem:$0x3FA7]  }
0x2f: {  	lr =	sadd.s32 s0, s3;
	s0 =	sld [smem:$0x3F9E]  }
0x30: {  	s3 =	sld [smem:$0x3FA1]  }
0x31: {  	[smem:$0x3FAA] =	sst s10  }
0x32: {  	s10 =	sld [smem:$0x3FA8];
	_ =	sdelay $0x3  }
0x33: {  	p0 =	seq.s32 s10, $0x1;
	s10 =	sld [smem:$0x3FAA];
	_ =	sdelay $0x3  }
0x34: {  	[smem:$0x3FAA] =	sst s10  }
0x35: {  	s10 =	sld [smem:$0x3FA9];
	_ =	sdelay $0x3  }
0x36: {  	p1 =	seq.s32 s10, $0x1;
	s10 =	sld [smem:$0x3FAA];
	_ =	sdelay $0x3  }
0x37: {  	[smem:$0x3FAA] =	sst s10  }
0x38: {  	s10 =	sld [smem:$0x3FAB]  }
0x39: {  	_ = 	snop;
	(pc) =	sbr.ind lr, $3  }
0x3a: {  	_ = 	snop  }
0x3b: {  	_ = 	snop  }
0x3c: {  	p2 =	seq.s32 s10, $0x1;
	s10 =	sld [smem:$0x3FAA]  }
0x3d: {  	_ =	shalt  }
0x3e: {  	_ =	shalt  }
0x3f: {  	_ =	shalt  }
0x40: {  	_ =	shalt  }
0x41: {  	_ =	shalt  }
0x42: {  	_ =	shalt  }
0x43: {  	_ =	shalt  }
0x44: {  	_ =	shalt  }
0x45: {  	_ =	shalt  }
0x46: {  	_ =	shalt  }
0x47: {  	_ =	shalt  }
0x48: {  	_ =	shalt  }
0x49: {  	_ =	shalt  }
0x4a: {  	_ =	shalt  }
0x4b: {  	_ =	shalt  }
0x4c: {  	_ =	shalt  }
0x4d: {  	_ =	shalt  }
0x4e: {  	_ =	shalt  }
0x4f: {  	_ =	shalt  }
0x50: {  	_ =	shalt  }
0x51: {  	_ =	shalt  }
0x52: {  	_ =	shalt  }
0x53: {  	_ =	shalt  }
0x54: {  	_ =	shalt  }
0x55: {  	_ =	shalt  }
0x56: {  	_ =	shalt  }
0x57: {  	_ =	shalt  }
0x58: {  	_ =	shalt  }
0x59: {  	_ =	shalt  }
0x5a: {  	_ =	shalt  }
0x5b: {  	_ =	shalt  }
0x5c: {  	_ =	shalt  }
0x5d: {  	_ =	shalt  }
0x5e: {  	_ =	shalt  }
0x5f: {  	_ =	shalt  }
0x60: {  	_ =	shalt  }
0x61: {  	_ =	shalt  }
0x62: {  	_ =	shalt  }
0x63: {  	_ =	shalt  }
0x64: {  	_ =	shalt  }
0x65: {  	_ =	shalt  }
0x66: {  	_ =	shalt  }
0x67: {  	_ =	shalt  }
0x68: {  	_ =	shalt  }
0x69: {  	_ =	shalt  }
0x6a: {  	_ =	shalt  }
0x6b: {  	_ =	shalt  }
0x6c: {  	_ =	shalt  }
0x6d: {  	_ =	shalt  }
0x6e: {  	_ =	shalt  }
0x6f: {  	_ =	shalt  }
0x70: {  	_ =	shalt  }
0x71: {  	_ =	shalt  }
0x72: {  	_ =	shalt  }
0x73: {  	_ =	shalt  }
0x74: {  	_ =	shalt  }
0x75: {  	_ =	shalt  }
0x76: {  	_ =	shalt  }
0x77: {  	_ =	shalt  }
0x78: {  	_ =	shalt  }
0x79: {  	_ =	shalt  }
0x7a: {  	_ =	shalt  }
0x7b: {  	_ =	shalt  }
0x7c: {  	_ =	shalt  }
0x7d: {  	_ =	shalt  }
0x7e: {  	_ =	shalt  }
0x7f: {  	_ =	shalt  }
0x80: {  	_ =	shalt  }
0x81: {  	_ =	shalt  }
0x82: {  	_ =	shalt  }
0x83: {  	_ =	shalt  }
0x84: {  	_ =	shalt  }
0x85: {  	_ =	shalt  }
0x86: {  	_ =	shalt  }
0x87: {  	_ =	shalt  }
.Lfunc_end0:
.L_simem_size_0:
called_computation.5_lowered:
.L_overlay_start_0:
0x88: {  	s2 =	sld [smem:$0x3FD9]  }
0x89: {  	s3 =	sld [smem:$0x3FFE];
	_ =	sdelay $0x1  }
0x8a: {  	s1 =	srdreg.scid  }
0x8b: {  	s0 =	sand.u32 $0x1, s1  }
0x8c: {  	s17 =	sshll.u32 s0, $0xA;
	s2 =	sadd.s32 s3, s2  }
0x8d: {  	s2 =	sadd.s32 s2, s17  }
0x8e: {  	[smem:$0x3FB6] =	sst s2  }
0x8f: {  	_ = 	snop  }
0x90: {  	s2 =	sld [smem:$0x3FD0];
	(tm) =	ssettm $0x1  }
0x91: {  	s18 =	sld [smem:$0x3FFB];
	_ =	sdelay $0x3  }
0x92: {  	_ =	strace s18  }
0x93: {  	s3 =	sld [smem:$0x3FFC];
	_ =	sdelay $0x3  }
0x94: {  	_ =	strace s3  }
0x95: {  	s3 =	sld [smem:$0x3FFD];
	_ =	sdelay $0x3  }
0x96: {  	_ =	strace s3  }
0x97: {  	_ =	strace $0x8FFFFFFF  }
0x98: {  	s19 =	sld [smem:$0x3FDB];
	_ =	sdelay $0x1  }
0x99: {  	s4 =	simm.s32 $_scs_section_size  }
0x9a: {  	s5 =	simm.s32 $_size__tile_overlayer_lowered;
	s6 =	simm.s32 $_tile_overlayer_lowered  }
0x9b: {  	s22 =	simm.s32 $0x1BFF;
	s21 =	sshll.u32 s6, $0x1;
	s3 =	sadd.s32 s4, s19  }
0x9c: {  	s7 =	simm.s32 $0x0;
	s20 =	sshll.u32 s5, $0x1;
	s5 =	sadd.s32 s21, s3  }
0x9d: {  	[timem:s7], [sflag:s22] =	dma.local [hbm:s5], s20  }
0x9e: {  	_ =	swait.ge [sflag:s22], s20  }
0x9f: {  	s4 =	ssub.s32 $0x0, s20;
	[sflag:s22] =	ssyncset.done $0x0  }
0xa0: {  	[sflag:s22] =	ssyncadd.s32 s4;
	_ =	sdelay $0x1  }
0xa1: {  	s23 =	simm.s32 $0x1B8B  }
0xa2: {  	_ =	swait.ge [sflag:s23], $0x1  }
0xa3: {  	[sflag:s23] =	ssyncset.done $0x0  }
0xa4: {  	s25 =	simm.s32 $0x1B8E;
	s24 =	sld [smem:$0x3FFE];
	[sflag:s23] =	ssyncadd.s32 $0xFFFFFFFF  }
0xa5: {  	s26 =	simm.s32 $execute0_lowered;
	[smem:$0x3FD2] =	sst s25  }
0xa6: {  	s5 =	sshll.u32 s26, $0x1;
	_ =	strace $0x80000055;
	[dreg:$0x1] =	wrdreg $0xFFFFFFFF  }
0xa7: {  	s28 =	simm.s32 $_size_execute0_lowered;
	s3 =	sadd.s32 s3, s5;
	[dreg:$0x0] =	wrdreg $0x0  }
0xa8: {  	s5 =	sshll.u32 s28, $0x1;
	[dreg:$0x2] =	wrdreg s3  }
0xa9: {  	[dreg:$0x3] =	wrdreg s5  }
0xaa: {  	[dreg:$0x4] =	wrdreg $0xC0  }
0xab: {  	_ =	task [dreg:s7], $0x5FFFF  }
0xac: {  	[dreg:$0x1] =	wrdreg $0xFFFFFFFF  }
0xad: {  	[dreg:$0x0] =	wrdreg $0x60  }
0xae: {  	[dreg:$0x2] =	wrdreg s2  }
0xaf: {  	[dreg:$0x3] =	wrdreg s24  }
0xb0: {  	[dreg:$0x4] =	wrdreg $0x8F800  }
0xb1: {  	[dreg:$0x5] =	wrdreg $0x9  }
0xb2: {  	_ =	task.clear_ibuf [dreg:s7], $0x6FFFF;
	_ =	strace $0x90000055  }
0xb3: {  	s29 =	simm.s32 $0x9;
	_ =	strace $0x80000057  }
0xb4: {  	_ =	swait.ge [sflag:s29], $0x1  }
0xb5: {  	[sflag:s29] =	ssyncadd.s32 $0xFFFFFFFF  }
0xb6: {  	_ =	strace $0x90000057  }
0xb7: {  	_ =	sfence  }
0xb8: {  	s30 =	sld [smem:$0x0];
	_ =	sdelay $0x2  }
0xb9: {  	s31 =	sshll.u32 s1, $0xD;
	s1 =	sshrl.u32 s1, $0x2  }
0xba: {  	s3 =	sand.u32 $0x4000, s31;
	s1 =	sadd.s32 s1, s30  }
0xbb: {  	s0 =	sor.u32 s3, s0;
	s1 =	sshll.u32 s1, $0x11  }
0xbc: {  	s0 =	sor.u32 s1, s0  }
0xbd: {  	s0 =	sadd.s32 $0x8F2B, s0  }
0xbe: {  	[sflag:s0] =	ssyncadd.remote.s32 $0x1  }
0xbf: {  	_ =	sfence.sel $0xFFFF  }
0xc0: {  	[dreg:$0x0] =	wrdreg $0xFFFFFFFF;
	(pc) =	sbr.abs _section_cstart, $3  }
0xc1: {  	[dreg:$0x1] =	wrdreg $0xFFFFFFFF  }
0xc2: {  	_ =	task.clear_ibuf [dreg:s7], $0x2FFFF;
	_ =	strace $0x9FFFFFFF  }
0xc3: {  	(tm) =	ssettm $0x7FFFFFFF  }
tec
execute0_lowered:
.L_overlay_start_1:
0x0: {  	(tag) =	ssettag $0x1  }
0x1: {  	s1 =	rddreg [dreg:$0x0]  }
0x2: {  	s6 =	rddreg [dreg:$0x1]  }
0x3: {  	s0 =	srdreg.scid;
	s3 =	rddreg [dreg:$0x2]  }
0x4: {  	s4 =	simm.s32 $0x0;
	s14 =	simm.s32 $0x80;
	s15 =	simm.s32 $0x4F80  }
0x5: {  	s16 =	simm.s32 $0x1;
	s5 =	sand.u32 $0x1, s0;
	s0 =	stileid.u32  }
0x6: {  	s17 =	simm.s32 $0x0;
	[smem:$0x7FF] =	sst s4;
	s9 =	smul.u32 $0x13C00, s0  }
0x7: {  	s2 =	sshll.u32 s5, $0x4;
	s10 =	smul.u32 $0x13C000, s5;
	s5 =	ssub.s32 $0x2, s5  }
0x8: {  	s29 =	smul.u32 $0x4F000, s0;
	s31 =	sshll.u32 s0, $0x6;
	s7 =	sor.u32 s0, s2  }
0x9: {  	s2 =	rddreg [dreg:$0x3];
	_ =	strace $0x80000056;
	s8 =	smul.u32 $0x4F0, s7  }
0xa: {  	s12 =	sshrl.u32 s5, $0x1;
	s7 =	smul.u32 $0x500, s7;
	s28 =	sshrl.u32 s9, $0x3  }
0xb: {  	s9 =	sadd.s32 s9, s10;
	s12 =	ssub.s32 s5, s12;
	s30 =	sshrl.u32 s29, $0x2  }
0xc: {  	s9 =	sshrl.u32 s9, $0x3;
	s13 =	sadd.s32 s30, s3;
	s10 =	smax.u32 s12, $0x1  }
0xd: {  	s12 =	simm.s32 $0x2;
	s8 =	sadd.s32 s8, s6;
	s11 =	sadd.s32 s7, s6  }
0xe: {  	s7 =	sadd.s32 s28, s6;
	s9 =	sadd.s32 s9, s6;
	s6 =	sor.u32 $0x1C02, s31  }
0xf: {  	s5 =	sadd.s32 $0x11000, s7;
	s7 =	sadd.s32 $0x87800, s8;
	s8 =	sadd.s32 $0x7000, s11  }
0x10: {  	s9 =	sadd.s32 $0x91600, s9;
	s11 =	sshrl.u32 s13, $0x3;
	s13 =	simm.s32 $0x2780  }
.LBB2_1:
0x11: {  	[spmem:s11], [sflag:s6] =	dma.local [hbm:s5], $0x2780  }
0x12: {  	_ =	swait.ge [sflag:s12], $0x2780  }
0x13: {  	[sflag:s12] =	ssyncset.done $0x0  }
0x14: {  	[sflag:s12] =	ssyncadd.s32 $0xFFFFD880  }
0x15: {  	[tilespmem:s4], [sflag:$0x2] =	stream.linear.gather [hbm4b:s7+s4], $0x2780, $0x38;
	[tilespmem:$0x1CB80] =	vst v63  }
0x16: {  	_ =	swait.ge [sflag:s12], $0x2780  }
0x17: {  	[sflag:s12] =	ssyncset.done $0x0  }
0x18: {  	[sflag:s12] =	ssyncadd.s32 $0xFFFFD880  }
0x19: {  	[tilespmem:s13], [sflag:$0x2] =	stream.linear.gather [hbm4b:s8+s4], $0x2780, $0x38;
	[tilespmem:$0x1CB80] =	vst v63  }
0x1a: {  	_ =	swait.ge [sflag:s12], $0x2780  }
0x1b: {  	[sflag:s12] =	ssyncset.done $0x0  }
0x1c: {  	[sflag:s12] =	ssyncadd.s32 $0xFFFFD880  }
0x1d: {  	s18 =	simm.s32 $0x0;
	[bflag:$0x0] =	sbarrier.arrive $0xFFFF  }
0x1e: {  	[tilespmem:s15], [sflag:$0x1] =	stream.indirect.gather [hbm4b:s1+s14], $0x80, s18, s14, $0xb8;
	[tilespmem:$0x1CB80] =	vst v63  }
0x1f: {  	_ =	swait.ge [sflag:s16], $0x4000  }
0x20: {  	[sflag:s16] =	ssyncset.done $0x0  }
0x21: {  	s31 =	simm.s32 $0x2780;
	[sflag:s16] =	ssyncadd.s32 $0xFFFFC000  }
0x22: {  	[spmem:s3] =	stream.indirect.scatter.add.f32 [tilespmem:s15], [sflag:$0x2], $0x80, s31, s14, $0xb8;
	[tilespmem:$0x1CB80] =	vst v63  }
0x23: {  	_ =	swait.ge [sflag:s12], $0x4000  }
0x24: {  	s19 =	simm.s32 $0x400;
	s18 =	simm.s32 $0x200;
	[sflag:s12] =	ssyncset.done $0x0  }
.LBB2_2:
0x25: {  	s20 =	sshra.s32 s18, $0x2  }
0x26: {  	[sflag:s12] =	ssyncadd.s32 $0xFFFFC000;
	s18 =	smov.u32 s19;
	s21 =	sadd.s32 $0x200, s19  }
0x27: {  	[tilespmem:s15], [sflag:$0x1] =	stream.indirect.gather [hbm4b:s1+s14], $0x80, s20, s14, $0xb8;
	[tilespmem:$0x1CB80] =	vst v63  }
0x28: {  	p0 =	sne.s32 s19, $0x9C00;
	_ =	swait.ge [sflag:s16], $0x4000  }
.Ltmp0:
0x29: {  	[sflag:s16] =	ssyncset.done $0x0;
	(pc) =	sbr.rel @p0 .LBB2_2-.Ltmp0, $4  }
0x2a: {  	s19 =	sadd.s32 $0x2780, s20;
	[sflag:s16] =	ssyncadd.s32 $0xFFFFC000  }
0x2b: {  	[spmem:s3] =	stream.indirect.scatter.add.f32 [tilespmem:s15], [sflag:$0x2], $0x80, s19, s14, $0xb8;
	[tilespmem:$0x1CB80] =	vst v63  }
0x2c: {  	_ =	swait.ge [sflag:s12], $0x4000  }
0x2d: {  	s19 =	smov.u32 s21;
	[sflag:s12] =	ssyncset.done $0x0  }
0x2e: {  	s18 =	sshra.s32 s18, $0x2;
	[sflag:s12] =	ssyncadd.s32 $0xFFFFC000  }
0x2f: {  	[tilespmem:s15], [sflag:$0x1] =	stream.indirect.gather [hbm4b:s1+s14], $0x80, s18, s14, $0xb8;
	[tilespmem:$0x1CB80] =	vst v63  }
0x30: {  	_ =	swait.ge [sflag:s16], $0x4000  }
0x31: {  	[sflag:s16] =	ssyncset.done $0x0  }
0x32: {  	s18 =	sadd.s32 $0x2780, s18;
	[sflag:s16] =	ssyncadd.s32 $0xFFFFC000  }
0x33: {  	[spmem:s3] =	stream.indirect.scatter.add.f32 [tilespmem:s15], [sflag:$0x2], $0x80, s18, s14, $0xb8;
	[tilespmem:$0x1CB80] =	vst v63  }
0x34: {  	_ =	swait.ge [sflag:s12], $0x4000  }
0x35: {  	s17 =	sadd.s32 $0x1, s17;
	[sflag:s12] =	ssyncset.done $0x0  }
0x36: {  	p0 =	sne.s32 s17, s10;
	[sflag:s12] =	ssyncadd.s32 $0xFFFFC000  }
.Ltmp1:
0x37: {  	[bflag:$0x0] =	sbarrier.arrive $0xFFFF;
	(pc) =	sbr.rel @p0 .LBB2_1-.Ltmp1, $4  }
0x38: {  	[hbm:s9], [sflag:s6] =	dma.local [spmem:s11], $0x2780  }
0x39: {  	_ =	swait.ge [sflag:s12], $0x2780  }
0x3a: {  	[sflag:s12] =	ssyncset.done $0x0  }
0x3b: {  	[sflag:s12] =	ssyncadd.s32 $0xFFFFD880  }
0x3c: {  	_ =	sfence.sel $0x180000  }
0x3d: {  	[bflag:$0x0] =	sbarrier.arrive $0xFFFF  }
0x3e: {  	p0 =	sne.s32 s0, $0x0;
	_ =	strace $0x90000056  }
0x3f: {  	s0 =	sadd.s32 @!p0 $0x100000, s2;
	[bflag:$0x2] =	sbarrier.arrive $0xFFFF  }
0x40: {  	[sflag:s0] =	ssyncadd.tile.s32 @!p0 $0x1;
	_ =	shalt  }
.Lfunc_end2:
_tile_overlayer_lowered:
.L_overlay_start_2:
0x41: {  	(tag) =	ssettag $0x2  }
0x42: {  	s0 =	rddreg [dreg:$0x0];
	s2 =	stileid.u32  }
0x43: {  	s1 =	rddreg [dreg:$0x1];
	p0 =	sne.s32 s2, $0x0  }
0x44: {  	s3 =	rddreg [dreg:$0x2];
	[bflag:$0x3] =	sbarrier.arrive $0xFFFF;
	s2 =	simm.s32 @!p0 $0x1C02  }
0x45: {  	[timem:s3], [sflag:s2] =	dma.local @!p0 [hbm:s0], s1  }
0x46: {  	s0 =	simm.s32 @!p0 $0x2  }
0x47: {  	_ =	swait.ge @!p0 [sflag:s0], s1  }
0x48: {  	s1 =	ssub.s32 @!p0 $0x0, s1;
	[sflag:s0] =	ssyncset.done @!p0 $0x0  }
0x49: {  	[sflag:s0] =	ssyncadd.s32 @!p0 s1  }
0x4a: {  	[bflag:$0x3] =	sbarrier.arrive $0xFFFF  }
0x4b: {  	_ =	shalt  }

</sc_bundles>
